<compile_context>
chip_gen: v7x
topology: tpu7x:2x2x1
jax: 0.10.2.dev20260603
libtpu: 0.0.44.dev20260713+nightly
codegen_flags: <defaults>
</compile_context>

<pallas_src>
import functools

import jax
import jax.numpy as jnp
import numpy as np
from jax import lax
from jax.experimental import pallas as pl
from jax.experimental.pallas import tpu as pltpu
from jax.experimental.pallas import tpu_sc as plsc

_VOCAB = 100000
_EMB = 50
_B = 4096
_L = 200
_NC = 2
_NS = 16
_NW = _NC * _NS
_ROWS = _B // _NW
_KR = 4
_NBLK = _ROWS // _KR
_IDX_CHUNK = 100
_NCHUNK = _L // _IDX_CHUNK
_EMBP = 64


def _sc_body(x_hbm, tab_hbm, w1_hbm, out_hbm, idx_v, rows_v, w1_v, outb_v,
             sem0, sem1, sem_idx, sem_out):
    cid = lax.axis_index("c")
    sid = lax.axis_index("s")
    wid = sid * _NC + cid
    base = wid * _ROWS

    pltpu.sync_copy(w1_hbm, w1_v)

    sems = (sem0, sem1)

    def fetch_idx(blk, ib):
        pltpu.async_copy(x_hbm.at[wid * _NBLK + blk], idx_v.at[ib],
                         sem_idx)

    def wait_idx(blk, ib):
        pltpu.make_async_copy(x_hbm.at[wid * _NBLK + blk], idx_v.at[ib],
                              sem_idx).wait()

    def fire(b):
        for r in range(_KR):
            for c in range(_NCHUNK):
                pltpu.async_copy(
                    tab_hbm.at[idx_v.at[b, r, c]],
                    rows_v.at[b, r, pl.ds(c * _IDX_CHUNK, _IDX_CHUNK)],
                    sems[b])

    def wait(b):
        for r in range(_KR):
            for c in range(_NCHUNK):
                pltpu.make_async_copy(
                    tab_hbm.at[idx_v.at[b, r, c]],
                    rows_v.at[b, r, pl.ds(c * _IDX_CHUNK, _IDX_CHUNK)],
                    sems[b]).wait()

    def wait_out(blk, b):
        pltpu.make_async_copy(
            outb_v.at[b], out_hbm.at[pl.ds(base + blk * _KR, _KR)],
            sem_out).wait()

    fetch_idx(0, 0)
    wait_idx(0, 0)
    fire(0)
    fetch_idx(1, 1)

    def pair_body(i, carry):
        for b in range(2):
            blk = 2 * i + b
            wait(b)
            nblk = blk + 1
            nnblk = blk + 2

            @pl.when(nblk < _NBLK)
            def _():
                wait_idx(nblk, 1 - b)
                fire(1 - b)

            @pl.when(nnblk < _NBLK)
            def _():
                fetch_idx(nnblk, b)

            def tok_body(t, accs):
                accs = list(accs)
                woff = t * _EMBP
                for h in range(2):
                    offa = woff + 32 * h
                    wa = [w1_v[f, pl.ds(offa, 16)] for f in range(4)]
                    wb = [w1_v[f, pl.ds(offa + 16, 16)] for f in range(4)]
                    for r in range(_KR):
                        dv = rows_v[b, r, t, pl.ds(32 * h, 32)]
                        da, db = plsc.unpack(
                            dv, format=plsc.PackFormat.INTERLEAVED)
                        for f in range(4):
                            accs[4 * r + f] = (accs[4 * r + f]
                                               + da * wa[f] + db * wb[f])
                return tuple(accs)

            z = jnp.zeros((16,), jnp.float32)
            accs = lax.fori_loop(0, _L, tok_body, (z,) * (4 * _KR))

            @pl.when(blk >= 2)
            def _():
                wait_out(blk - 2, b)

            for r in range(_KR):
                for f in range(4):
                    outb_v[b, r, pl.ds(16 * f, 16)] = accs[4 * r + f]
            pltpu.async_copy(
                outb_v.at[b], out_hbm.at[pl.ds(base + blk * _KR, _KR)],
                sem_out)
        return carry

    lax.fori_loop(0, _NBLK // 2, pair_body, 0)
    wait_out(_NBLK - 2, 0)
    wait_out(_NBLK - 1, 1)


_sc_first_layer = functools.partial(
    pl.kernel,
    out_type=jax.ShapeDtypeStruct((_B, 4 * 16), jnp.float32),
    mesh=plsc.VectorSubcoreMesh(
        core_axis_name="c", subcore_axis_name="s",
        num_cores=_NC, num_subcores=_NS),
    scratch_types=[
        pltpu.VMEM((2, _KR, _NCHUNK, _IDX_CHUNK), jnp.int32),
        pltpu.VMEM((2, _KR, _L, _EMBP), jnp.bfloat16),
        pltpu.VMEM((4, _L * _EMBP), jnp.float32),
        pltpu.VMEM((2, _KR, 4 * 16), jnp.float32),
        pltpu.SemaphoreType.DMA,
        pltpu.SemaphoreType.DMA,
        pltpu.SemaphoreType.DMA,
        pltpu.SemaphoreType.DMA,
    ],
    compiler_params=pltpu.CompilerParams(use_tc_tiling_on_sc=False,
                                         needs_layout_passes=False),
)(_sc_body)


def _head_body(p_ref, msum_ref, b1_ref, w2_ref, b2_ref, w3_ref, b3_ref,
               w4_ref, b4_ref, o_ref):
    h = lax.dot(p_ref[:], msum_ref[:],
                preferred_element_type=jnp.float32) + b1_ref[:]
    h = jnp.maximum(h, 0.0)
    h = jnp.maximum(
        lax.dot(h, w2_ref[:], preferred_element_type=jnp.float32)
        + b2_ref[:], 0.0)
    h = jnp.maximum(
        lax.dot(h, w3_ref[:], preferred_element_type=jnp.float32)
        + b3_ref[:], 0.0)
    logits = lax.dot(h, w4_ref[:], preferred_element_type=jnp.float32) \
        + b4_ref[:]
    m = jnp.max(logits, axis=1, keepdims=True)
    lse = m + jnp.log(jnp.sum(jnp.exp(logits - m), axis=1, keepdims=True))
    o_ref[:] = logits - lse


def kernel(X, emb_table, W1, b1, W2, b2, W3, b3, W4, b4):
    x_r = X.astype(jnp.int32).reshape(_B // _KR, _KR, _NCHUNK, _IDX_CHUNK)

    tab_bf = jnp.pad(emb_table.astype(jnp.bfloat16),
                     ((0, 0), (0, _EMBP - _EMB)))

    q = np.arange(_EMBP)
    elem = 32 * (q // 32) + 2 * (q % 16) + (q % 32) // 16
    w1_r = W1.reshape(_L, _EMB, 4)
    w1_p = jnp.concatenate(
        [w1_r, jnp.zeros((_L, _EMBP - _EMB, 4), jnp.float32)], axis=1)
    w1_t = w1_p[:, elem, :].transpose(2, 0, 1).reshape(4, _L * _EMBP)

    partial = _sc_first_layer(x_r, tab_bf, w1_t)

    msum = jnp.repeat(jnp.eye(4, dtype=jnp.float32), 16, axis=0)
    out = pl.pallas_call(
        _head_body,
        out_shape=jax.ShapeDtypeStruct((_B, 2), jnp.float32),
    )(partial, msum, b1.reshape(1, 4), W2, b2.reshape(1, 3),
      W3, b3.reshape(1, 3), W4, b4.reshape(1, 2))
    return out

# --- scband reference (transcript-rebuilt; emitter-appended) ---
"""Pipeline reference for scband-lstm-47158740910601 (READ-ONLY COPY).

The authoritative reference and input builder live on the scoring server;
editing this copy changes nothing except your own understanding.
"""

import jax, jax.numpy as jnp
import numpy as np

VOCAB = 100000
EMB = 50
B = 4096
L = 200


def setup_inputs(seed: int = 0) -> dict:
    key = jax.random.key(seed)
    ks = jax.random.split(key, 8)
    X = jax.random.randint(ks[0], (B, L), 0, VOCAB)
    emb_table = jax.random.normal(ks[1], (VOCAB, EMB), dtype=jnp.float32) * 0.1
    d_in = L * EMB
    W1 = jax.random.normal(ks[2], (d_in, 4), dtype=jnp.float32) * (1.0 / np.sqrt(d_in))
    b1 = jnp.zeros((4,), dtype=jnp.float32)
    W2 = jax.random.normal(ks[3], (4, 3), dtype=jnp.float32) * 0.5
    b2 = jnp.zeros((3,), dtype=jnp.float32)
    W3 = jax.random.normal(ks[4], (3, 3), dtype=jnp.float32) * 0.5
    b3 = jnp.zeros((3,), dtype=jnp.float32)
    W4 = jax.random.normal(ks[5], (3, 2), dtype=jnp.float32) * 0.5
    b4 = jnp.zeros((2,), dtype=jnp.float32)
    return {"X": X, "emb_table": emb_table, "W1": W1, "b1": b1, "W2": W2, "b2": b2, "W3": W3, "b3": b3, "W4": W4, "b4": b4}


def reference(X, emb_table, W1, b1, W2, b2, W3, b3, W4, b4):
    # frozen embedding lookup
    embedded = jnp.take(emb_table, X, axis=0)           # [B, L, EMB]
    flattened = embedded.reshape(embedded.shape[0], -1)  # [B, L*EMB]
    h = jax.nn.relu(flattened @ W1 + b1)
    h = jax.nn.relu(h @ W2 + b2)
    h = jax.nn.relu(h @ W3 + b3)
    logits = h @ W4 + b4
    log_probs = jax.nn.log_softmax(logits, axis=1)
    return log_probs

if __name__ == "__main__":
    import jax
    _d = setup_inputs()
    print(jax.jit(kernel)(*tuple(_d.values())))

</pallas_src>

<mosaic_0001>
#map = affine_map<(d0, d1) -> (0, 0, 0, 0)>
#map1 = affine_map<(d0, d1) -> (0, 0)>
module attributes {stable_mosaic.version = 14 : i64} {
  func.func @_sc_body(%arg0: i32, %arg1: i32, %arg2: memref<1024x4x2x100xi32, #tpu.memory_space<hbm>>, %arg3: memref<100000x64xbf16, #tpu.memory_space<hbm>>, %arg4: memref<4x12800xf32, #tpu.memory_space<hbm>>, %arg5: memref<4096x64xf32, #tpu.memory_space<hbm>>, %arg6: memref<2x4x2x100xi32, #tpu.memory_space<vmem>>, %arg7: memref<2x4x200x64xbf16, #tpu.memory_space<vmem>>, %arg8: memref<4x12800xf32, #tpu.memory_space<vmem>>, %arg9: memref<2x4x64xf32, #tpu.memory_space<vmem>>, %arg10: memref<!tpu.dma_semaphore, #tpu.memory_space<semaphore_mem>>, %arg11: memref<!tpu.dma_semaphore, #tpu.memory_space<semaphore_mem>>, %arg12: memref<!tpu.dma_semaphore, #tpu.memory_space<semaphore_mem>>, %arg13: memref<!tpu.dma_semaphore, #tpu.memory_space<semaphore_mem>>) attributes {dimension_semantics = [#tpu.dimension_semantics<core_parallel>, #tpu.dimension_semantics<subcore_parallel>], iteration_bounds = array<i64: 2, 16>, scalar_prefetch = 0 : i64, scratch_operands = 8 : i64, tpu.core_type = #tpu.core_type<sc_vector_subcore>, window_params = [{transform_indices = #map}, {transform_indices = #map1}, {transform_indices = #map1}, {transform_indices = #map1}]} {
    %mul3A = arith.constant 2 : i32
    %mul3A_0 = arith.muli %arg1, %mul3A : i32
    %add3A = arith.addi %mul3A_0, %arg0 : i32
    %mul3A_1 = arith.constant 128 : i32
    %mul3A_2 = arith.muli %add3A, %mul3A_1 : i32
    "tpu.region"() ({
      %run_scoped3A = tpu.sem_alloc : memref<!tpu.dma_semaphore, #tpu.memory_space<semaphore_mem>>
      tpu.enqueue_dma source(%arg4 : memref<4x12800xf32, #tpu.memory_space<hbm>>) target(%arg8 : memref<4x12800xf32, #tpu.memory_space<vmem>>) target_semaphore(%run_scoped3A : memref<!tpu.dma_semaphore, #tpu.memory_space<semaphore_mem>>)
      tpu.wait_dma2 semaphore(%run_scoped3A : memref<!tpu.dma_semaphore, #tpu.memory_space<semaphore_mem>>) src(%arg4 : memref<4x12800xf32, #tpu.memory_space<hbm>>) dst(%arg8 : memref<4x12800xf32, #tpu.memory_space<vmem>>)
      tpu.yield
    }) : () -> ()
    %mul3A_3 = arith.constant 32 : i32
    %mul3A_4 = arith.muli %add3A, %mul3A_3 : i32
    %add3A_5 = arith.constant 0 : i32
    %add3A_6 = arith.addi %mul3A_4, %add3A_5 : i32
    %dma_start3A = arith.constant 0 : i32
    %dma_start3A_7 = arith.constant 0 : i32
    %dma_start3A_8 = arith.constant 0 : i32
    %dma_start3A_9 = arith.constant 0 : i32
    %dma_start3A_10 = tpu.memref_slice %arg6[%dma_start3A, %dma_start3A_7, %dma_start3A_8, %dma_start3A_9] : memref<2x4x2x100xi32, #tpu.memory_space<vmem>> -> memref<1x4x2x100xi32, #tpu.memory_space<vmem>>
    %dma_start3A_11 = tpu.memref_squeeze %dma_start3A_10 : memref<1x4x2x100xi32, #tpu.memory_space<vmem>> -> memref<4x2x100xi32, #tpu.memory_space<vmem>>
    %dma_start3A_12 = arith.constant 0 : i32
    %dma_start3A_13 = arith.constant 0 : i32
    %dma_start3A_14 = arith.constant 0 : i32
    %dma_start3A_15 = tpu.memref_slice %arg2[%add3A_6, %dma_start3A_12, %dma_start3A_13, %dma_start3A_14] : memref<1024x4x2x100xi32, #tpu.memory_space<hbm>> -> memref<1x4x2x100xi32, #tpu.memory_space<hbm>>
    %dma_start3A_16 = tpu.memref_squeeze %dma_start3A_15 : memref<1x4x2x100xi32, #tpu.memory_space<hbm>> -> memref<4x2x100xi32, #tpu.memory_space<hbm>>
    %dma_start3A_17 = arith.constant 0 : i32
    %dma_start3A_18 = arith.constant 0 : i32
    %dma_start3A_19 = arith.constant 0 : i32
    %dma_start3A_20 = tpu.memref_slice %arg6[%dma_start3A, %dma_start3A_17, %dma_start3A_18, %dma_start3A_19] : memref<2x4x2x100xi32, #tpu.memory_space<vmem>> -> memref<1x4x2x100xi32, #tpu.memory_space<vmem>>
    %dma_start3A_21 = tpu.memref_squeeze %dma_start3A_20 : memref<1x4x2x100xi32, #tpu.memory_space<vmem>> -> memref<4x2x100xi32, #tpu.memory_space<vmem>>
    %dma_start3A_22 = arith.constant 0 : i32
    %dma_start3A_23 = arith.constant 0 : i32
    %dma_start3A_24 = arith.constant 0 : i32
    %dma_start3A_25 = tpu.memref_slice %arg2[%add3A_6, %dma_start3A_22, %dma_start3A_23, %dma_start3A_24] : memref<1024x4x2x100xi32, #tpu.memory_space<hbm>> -> memref<1x4x2x100xi32, #tpu.memory_space<hbm>>
    %dma_start3A_26 = tpu.memref_squeeze %dma_start3A_25 : memref<1x4x2x100xi32, #tpu.memory_space<hbm>> -> memref<4x2x100xi32, #tpu.memory_space<hbm>>
    tpu.enqueue_dma source(%dma_start3A_26 : memref<4x2x100xi32, #tpu.memory_space<hbm>>) target(%dma_start3A_21 : memref<4x2x100xi32, #tpu.memory_space<vmem>>) target_semaphore(%arg12 : memref<!tpu.dma_semaphore, #tpu.memory_space<semaphore_mem>>)
    %mul3A_27 = arith.constant 32 : i32
    %mul3A_28 = arith.muli %add3A, %mul3A_27 : i32
    %add3A_29 = arith.constant 0 : i32
    %add3A_30 = arith.addi %mul3A_28, %add3A_29 : i32
    %dma_wait3A = arith.constant 0 : i32
    %dma_wait3A_31 = arith.constant 0 : i32
    %dma_wait3A_32 = arith.constant 0 : i32
    %dma_wait3A_33 = arith.constant 0 : i32
    %dma_wait3A_34 = tpu.memref_slice %arg6[%dma_wait3A, %dma_wait3A_31, %dma_wait3A_32, %dma_wait3A_33] : memref<2x4x2x100xi32, #tpu.memory_space<vmem>> -> memref<1x4x2x100xi32, #tpu.memory_space<vmem>>
    %dma_wait3A_35 = tpu.memref_squeeze %dma_wait3A_34 : memref<1x4x2x100xi32, #tpu.memory_space<vmem>> -> memref<4x2x100xi32, #tpu.memory_space<vmem>>
    %dma_wait3A_36 = arith.constant 0 : i32
    %dma_wait3A_37 = arith.constant 0 : i32
    %dma_wait3A_38 = arith.constant 0 : i32
    %dma_wait3A_39 = tpu.memref_slice %arg2[%add3A_30, %dma_wait3A_36, %dma_wait3A_37, %dma_wait3A_38] : memref<1024x4x2x100xi32, #tpu.memory_space<hbm>> -> memref<1x4x2x100xi32, #tpu.memory_space<hbm>>
    %dma_wait3A_40 = tpu.memref_squeeze %dma_wait3A_39 : memref<1x4x2x100xi32, #tpu.memory_space<hbm>> -> memref<4x2x100xi32, #tpu.memory_space<hbm>>
    %dma_wait3A_41 = arith.constant 0 : i32
    %dma_wait3A_42 = arith.constant 0 : i32
    %dma_wait3A_43 = arith.constant 0 : i32
    %dma_wait3A_44 = tpu.memref_slice %arg6[%dma_wait3A, %dma_wait3A_41, %dma_wait3A_42, %dma_wait3A_43] : memref<2x4x2x100xi32, #tpu.memory_space<vmem>> -> memref<1x4x2x100xi32, #tpu.memory_space<vmem>>
    %dma_wait3A_45 = tpu.memref_squeeze %dma_wait3A_44 : memref<1x4x2x100xi32, #tpu.memory_space<vmem>> -> memref<4x2x100xi32, #tpu.memory_space<vmem>>
    %dma_wait3A_46 = arith.constant 0 : i32
    %dma_wait3A_47 = arith.constant 0 : i32
    %dma_wait3A_48 = arith.constant 0 : i32
    %dma_wait3A_49 = tpu.memref_slice %arg2[%add3A_30, %dma_wait3A_46, %dma_wait3A_47, %dma_wait3A_48] : memref<1024x4x2x100xi32, #tpu.memory_space<hbm>> -> memref<1x4x2x100xi32, #tpu.memory_space<hbm>>
    %dma_wait3A_50 = tpu.memref_squeeze %dma_wait3A_49 : memref<1x4x2x100xi32, #tpu.memory_space<hbm>> -> memref<4x2x100xi32, #tpu.memory_space<hbm>>
    tpu.wait_dma2 semaphore(%arg12 : memref<!tpu.dma_semaphore, #tpu.memory_space<semaphore_mem>>) src(%dma_wait3A_50 : memref<4x2x100xi32, #tpu.memory_space<hbm>>) dst(%dma_wait3A_45 : memref<4x2x100xi32, #tpu.memory_space<vmem>>)
    %dma_start3A_51 = arith.constant 0 : i32
    %dma_start3A_52 = arith.constant 0 : i32
    %dma_start3A_53 = arith.constant 0 : i32
    %dma_start3A_54 = arith.constant 0 : i32
    %dma_start3A_55 = arith.constant 0 : i32
    %dma_start3A_56 = arith.constant 0 : i32
    %dma_start3A_57 = arith.constant 0 : i32
    %dma_start3A_58 = tpu.memref_slice %arg7[%dma_start3A_54, %dma_start3A_55, %dma_start3A_56, %dma_start3A_57] : memref<2x4x200x64xbf16, #tpu.memory_space<vmem>> -> memref<1x1x100x64xbf16, #tpu.memory_space<vmem>>
    %dma_start3A_59 = tpu.memref_squeeze %dma_start3A_58 : memref<1x1x100x64xbf16, #tpu.memory_space<vmem>> -> memref<100x64xbf16, #tpu.memory_space<vmem>>
    %dma_start3A_60 = arith.constant 0 : i32
    %dma_start3A_61 = tpu.memref_slice %arg6[%dma_start3A_51, %dma_start3A_52, %dma_start3A_53, %dma_start3A_60] : memref<2x4x2x100xi32, #tpu.memory_space<vmem>> -> memref<1x1x1x100xi32, #tpu.memory_space<vmem>>
    %dma_start3A_62 = tpu.memref_squeeze %dma_start3A_61 : memref<1x1x1x100xi32, #tpu.memory_space<vmem>> -> memref<100xi32, #tpu.memory_space<vmem>>
    %dma_start3A_63 = arith.constant 0 : i32
    %dma_start3A_64 = arith.constant 0 : i32
    %dma_start3A_65 = tpu.memref_slice %arg3[%dma_start3A_63, %dma_start3A_64] : memref<100000x64xbf16, #tpu.memory_space<hbm>> -> memref<100000x64xbf16, #tpu.memory_space<hbm>>
    tpu.enqueue_indirect_dma source(%dma_start3A_65 : memref<100000x64xbf16, #tpu.memory_space<hbm>>) target(%dma_start3A_59 : memref<100x64xbf16, #tpu.memory_space<vmem>>) offsets(%dma_start3A_62 : memref<100xi32, #tpu.memory_space<vmem>>) semaphore(%arg10 : memref<!tpu.dma_semaphore, #tpu.memory_space<semaphore_mem>>)
    %dma_start3A_66 = arith.constant 0 : i32
    %dma_start3A_67 = arith.constant 0 : i32
    %dma_start3A_68 = arith.constant 1 : i32
    %dma_start3A_69 = arith.constant 0 : i32
    %dma_start3A_70 = arith.constant 0 : i32
    %dma_start3A_71 = arith.constant 100 : i32
    %dma_start3A_72 = arith.constant 0 : i32
    %dma_start3A_73 = tpu.memref_slice %arg7[%dma_start3A_69, %dma_start3A_70, %dma_start3A_71, %dma_start3A_72] : memref<2x4x200x64xbf16, #tpu.memory_space<vmem>> -> memref<1x1x100x64xbf16, #tpu.memory_space<vmem>>
    %dma_start3A_74 = tpu.memref_squeeze %dma_start3A_73 : memref<1x1x100x64xbf16, #tpu.memory_space<vmem>> -> memref<100x64xbf16, #tpu.memory_space<vmem>>
    %dma_start3A_75 = arith.constant 0 : i32
    %dma_start3A_76 = tpu.memref_slice %arg6[%dma_start3A_66, %dma_start3A_67, %dma_start3A_68, %dma_start3A_75] : memref<2x4x2x100xi32, #tpu.memory_space<vmem>> -> memref<1x1x1x100xi32, #tpu.memory_space<vmem>>
    %dma_start3A_77 = tpu.memref_squeeze %dma_start3A_76 : memref<1x1x1x100xi32, #tpu.memory_space<vmem>> -> memref<100xi32, #tpu.memory_space<vmem>>
    %dma_start3A_78 = arith.constant 0 : i32
    %dma_start3A_79 = arith.constant 0 : i32
    %dma_start3A_80 = tpu.memref_slice %arg3[%dma_start3A_78, %dma_start3A_79] : memref<100000x64xbf16, #tpu.memory_space<hbm>> -> memref<100000x64xbf16, #tpu.memory_space<hbm>>
    tpu.enqueue_indirect_dma source(%dma_start3A_80 : memref<100000x64xbf16, #tpu.memory_space<hbm>>) target(%dma_start3A_74 : memref<100x64xbf16, #tpu.memory_space<vmem>>) offsets(%dma_start3A_77 : memref<100xi32, #tpu.memory_space<vmem>>) semaphore(%arg10 : memref<!tpu.dma_semaphore, #tpu.memory_space<semaphore_mem>>)
    %dma_start3A_81 = arith.constant 0 : i32
    %dma_start3A_82 = arith.constant 1 : i32
    %dma_start3A_83 = arith.constant 0 : i32
    %dma_start3A_84 = arith.constant 0 : i32
    %dma_start3A_85 = arith.constant 1 : i32
    %dma_start3A_86 = arith.constant 0 : i32
    %dma_start3A_87 = arith.constant 0 : i32
    %dma_start3A_88 = tpu.memref_slice %arg7[%dma_start3A_84, %dma_start3A_85, %dma_start3A_86, %dma_start3A_87] : memref<2x4x200x64xbf16, #tpu.memory_space<vmem>> -> memref<1x1x100x64xbf16, #tpu.memory_space<vmem>>
    %dma_start3A_89 = tpu.memref_squeeze %dma_start3A_88 : memref<1x1x100x64xbf16, #tpu.memory_space<vmem>> -> memref<100x64xbf16, #tpu.memory_space<vmem>>
    %dma_start3A_90 = arith.constant 0 : i32
    %dma_start3A_91 = tpu.memref_slice %arg6[%dma_start3A_81, %dma_start3A_82, %dma_start3A_83, %dma_start3A_90] : memref<2x4x2x100xi32, #tpu.memory_space<vmem>> -> memref<1x1x1x100xi32, #tpu.memory_space<vmem>>
    %dma_start3A_92 = tpu.memref_squeeze %dma_start3A_91 : memref<1x1x1x100xi32, #tpu.memory_space<vmem>> -> memref<100xi32, #tpu.memory_space<vmem>>
    %dma_start3A_93 = arith.constant 0 : i32
    %dma_start3A_94 = arith.constant 0 : i32
    %dma_start3A_95 = tpu.memref_slice %arg3[%dma_start3A_93, %dma_start3A_94] : memref<100000x64xbf16, #tpu.memory_space<hbm>> -> memref<100000x64xbf16, #tpu.memory_space<hbm>>
    tpu.enqueue_indirect_dma source(%dma_start3A_95 : memref<100000x64xbf16, #tpu.memory_space<hbm>>) target(%dma_start3A_89 : memref<100x64xbf16, #tpu.memory_space<vmem>>) offsets(%dma_start3A_92 : memref<100xi32, #tpu.memory_space<vmem>>) semaphore(%arg10 : memref<!tpu.dma_semaphore, #tpu.memory_space<semaphore_mem>>)
    %dma_start3A_96 = arith.constant 0 : i32
    %dma_start3A_97 = arith.constant 1 : i32
    %dma_start3A_98 = arith.constant 1 : i32
    %dma_start3A_99 = arith.constant 0 : i32
    %dma_start3A_100 = arith.constant 1 : i32
    %dma_start3A_101 = arith.constant 100 : i32
    %dma_start3A_102 = arith.constant 0 : i32
    %dma_start3A_103 = tpu.memref_slice %arg7[%dma_start3A_99, %dma_start3A_100, %dma_start3A_101, %dma_start3A_102] : memref<2x4x200x64xbf16, #tpu.memory_space<vmem>> -> memref<1x1x100x64xbf16, #tpu.memory_space<vmem>>
    %dma_start3A_104 = tpu.memref_squeeze %dma_start3A_103 : memref<1x1x100x64xbf16, #tpu.memory_space<vmem>> -> memref<100x64xbf16, #tpu.memory_space<vmem>>
    %dma_start3A_105 = arith.constant 0 : i32
    %dma_start3A_106 = tpu.memref_slice %arg6[%dma_start3A_96, %dma_start3A_97, %dma_start3A_98, %dma_start3A_105] : memref<2x4x2x100xi32, #tpu.memory_space<vmem>> -> memref<1x1x1x100xi32, #tpu.memory_space<vmem>>
    %dma_start3A_107 = tpu.memref_squeeze %dma_start3A_106 : memref<1x1x1x100xi32, #tpu.memory_space<vmem>> -> memref<100xi32, #tpu.memory_space<vmem>>
    %dma_start3A_108 = arith.constant 0 : i32
    %dma_start3A_109 = arith.constant 0 : i32
    %dma_start3A_110 = tpu.memref_slice %arg3[%dma_start3A_108, %dma_start3A_109] : memref<100000x64xbf16, #tpu.memory_space<hbm>> -> memref<100000x64xbf16, #tpu.memory_space<hbm>>
    tpu.enqueue_indirect_dma source(%dma_start3A_110 : memref<100000x64xbf16, #tpu.memory_space<hbm>>) target(%dma_start3A_104 : memref<100x64xbf16, #tpu.memory_space<vmem>>) offsets(%dma_start3A_107 : memref<100xi32, #tpu.memory_space<vmem>>) semaphore(%arg10 : memref<!tpu.dma_semaphore, #tpu.memory_space<semaphore_mem>>)
    %dma_start3A_111 = arith.constant 0 : i32
    %dma_start3A_112 = arith.constant 2 : i32
    %dma_start3A_113 = arith.constant 0 : i32
    %dma_start3A_114 = arith.constant 0 : i32
    %dma_start3A_115 = arith.constant 2 : i32
    %dma_start3A_116 = arith.constant 0 : i32
    %dma_start3A_117 = arith.constant 0 : i32
    %dma_start3A_118 = tpu.memref_slice %arg7[%dma_start3A_114, %dma_start3A_115, %dma_start3A_116, %dma_start3A_117] : memref<2x4x200x64xbf16, #tpu.memory_space<vmem>> -> memref<1x1x100x64xbf16, #tpu.memory_space<vmem>>
    %dma_start3A_119 = tpu.memref_squeeze %dma_start3A_118 : memref<1x1x100x64xbf16, #tpu.memory_space<vmem>> -> memref<100x64xbf16, #tpu.memory_space<vmem>>
    %dma_start3A_120 = arith.constant 0 : i32
    %dma_start3A_121 = tpu.memref_slice %arg6[%dma_start3A_111, %dma_start3A_112, %dma_start3A_113, %dma_start3A_120] : memref<2x4x2x100xi32, #tpu.memory_space<vmem>> -> memref<1x1x1x100xi32, #tpu.memory_space<vmem>>
    %dma_start3A_122 = tpu.memref_squeeze %dma_start3A_121 : memref<1x1x1x100xi32, #tpu.memory_space<vmem>> -> memref<100xi32, #tpu.memory_space<vmem>>
    %dma_start3A_123 = arith.constant 0 : i32
    %dma_start3A_124 = arith.constant 0 : i32
    %dma_start3A_125 = tpu.memref_slice %arg3[%dma_start3A_123, %dma_start3A_124] : memref<100000x64xbf16, #tpu.memory_space<hbm>> -> memref<100000x64xbf16, #tpu.memory_space<hbm>>
    tpu.enqueue_indirect_dma source(%dma_start3A_125 : memref<100000x64xbf16, #tpu.memory_space<hbm>>) target(%dma_start3A_119 : memref<100x64xbf16, #tpu.memory_space<vmem>>) offsets(%dma_start3A_122 : memref<100xi32, #tpu.memory_space<vmem>>) semaphore(%arg10 : memref<!tpu.dma_semaphore, #tpu.memory_space<semaphore_mem>>)
    %dma_start3A_126 = arith.constant 0 : i32
    %dma_start3A_127 = arith.constant 2 : i32
    %dma_start3A_128 = arith.constant 1 : i32
    %dma_start3A_129 = arith.constant 0 : i32
    %dma_start3A_130 = arith.constant 2 : i32
    %dma_start3A_131 = arith.constant 100 : i32
    %dma_start3A_132 = arith.constant 0 : i32
    %dma_start3A_133 = tpu.memref_slice %arg7[%dma_start3A_129, %dma_start3A_130, %dma_start3A_131, %dma_start3A_132] : memref<2x4x200x64xbf16, #tpu.memory_space<vmem>> -> memref<1x1x100x64xbf16, #tpu.memory_space<vmem>>
    %dma_start3A_134 = tpu.memref_squeeze %dma_start3A_133 : memref<1x1x100x64xbf16, #tpu.memory_space<vmem>> -> memref<100x64xbf16, #tpu.memory_space<vmem>>
    %dma_start3A_135 = arith.constant 0 : i32
    %dma_start3A_136 = tpu.memref_slice %arg6[%dma_start3A_126, %dma_start3A_127, %dma_start3A_128, %dma_start3A_135] : memref<2x4x2x100xi32, #tpu.memory_space<vmem>> -> memref<1x1x1x100xi32, #tpu.memory_space<vmem>>
    %dma_start3A_137 = tpu.memref_squeeze %dma_start3A_136 : memref<1x1x1x100xi32, #tpu.memory_space<vmem>> -> memref<100xi32, #tpu.memory_space<vmem>>
    %dma_start3A_138 = arith.constant 0 : i32
    %dma_start3A_139 = arith.constant 0 : i32
    %dma_start3A_140 = tpu.memref_slice %arg3[%dma_start3A_138, %dma_start3A_139] : memref<100000x64xbf16, #tpu.memory_space<hbm>> -> memref<100000x64xbf16, #tpu.memory_space<hbm>>
    tpu.enqueue_indirect_dma source(%dma_start3A_140 : memref<100000x64xbf16, #tpu.memory_space<hbm>>) target(%dma_start3A_134 : memref<100x64xbf16, #tpu.memory_space<vmem>>) offsets(%dma_start3A_137 : memref<100xi32, #tpu.memory_space<vmem>>) semaphore(%arg10 : memref<!tpu.dma_semaphore, #tpu.memory_space<semaphore_mem>>)
    %dma_start3A_141 = arith.constant 0 : i32
    %dma_start3A_142 = arith.constant 3 : i32
    %dma_start3A_143 = arith.constant 0 : i32
    %dma_start3A_144 = arith.constant 0 : i32
    %dma_start3A_145 = arith.constant 3 : i32
    %dma_start3A_146 = arith.constant 0 : i32
    %dma_start3A_147 = arith.constant 0 : i32
    %dma_start3A_148 = tpu.memref_slice %arg7[%dma_start3A_144, %dma_start3A_145, %dma_start3A_146, %dma_start3A_147] : memref<2x4x200x64xbf16, #tpu.memory_space<vmem>> -> memref<1x1x100x64xbf16, #tpu.memory_space<vmem>>
    %dma_start3A_149 = tpu.memref_squeeze %dma_start3A_148 : memref<1x1x100x64xbf16, #tpu.memory_space<vmem>> -> memref<100x64xbf16, #tpu.memory_space<vmem>>
    %dma_start3A_150 = arith.constant 0 : i32
    %dma_start3A_151 = tpu.memref_slice %arg6[%dma_start3A_141, %dma_start3A_142, %dma_start3A_143, %dma_start3A_150] : memref<2x4x2x100xi32, #tpu.memory_space<vmem>> -> memref<1x1x1x100xi32, #tpu.memory_space<vmem>>
    %dma_start3A_152 = tpu.memref_squeeze %dma_start3A_151 : memref<1x1x1x100xi32, #tpu.memory_space<vmem>> -> memref<100xi32, #tpu.memory_space<vmem>>
    %dma_start3A_153 = arith.constant 0 : i32
    %dma_start3A_154 = arith.constant 0 : i32
    %dma_start3A_155 = tpu.memref_slice %arg3[%dma_start3A_153, %dma_start3A_154] : memref<100000x64xbf16, #tpu.memory_space<hbm>> -> memref<100000x64xbf16, #tpu.memory_space<hbm>>
    tpu.enqueue_indirect_dma source(%dma_start3A_155 : memref<100000x64xbf16, #tpu.memory_space<hbm>>) target(%dma_start3A_149 : memref<100x64xbf16, #tpu.memory_space<vmem>>) offsets(%dma_start3A_152 : memref<100xi32, #tpu.memory_space<vmem>>) semaphore(%arg10 : memref<!tpu.dma_semaphore, #tpu.memory_space<semaphore_mem>>)
    %dma_start3A_156 = arith.constant 0 : i32
    %dma_start3A_157 = arith.constant 3 : i32
    %dma_start3A_158 = arith.constant 1 : i32
    %dma_start3A_159 = arith.constant 0 : i32
    %dma_start3A_160 = arith.constant 3 : i32
    %dma_start3A_161 = arith.constant 100 : i32
    %dma_start3A_162 = arith.constant 0 : i32
    %dma_start3A_163 = tpu.memref_slice %arg7[%dma_start3A_159, %dma_start3A_160, %dma_start3A_161, %dma_start3A_162] : memref<2x4x200x64xbf16, #tpu.memory_space<vmem>> -> memref<1x1x100x64xbf16, #tpu.memory_space<vmem>>
    %dma_start3A_164 = tpu.memref_squeeze %dma_start3A_163 : memref<1x1x100x64xbf16, #tpu.memory_space<vmem>> -> memref<100x64xbf16, #tpu.memory_space<vmem>>
    %dma_start3A_165 = arith.constant 0 : i32
    %dma_start3A_166 = tpu.memref_slice %arg6[%dma_start3A_156, %dma_start3A_157, %dma_start3A_158, %dma_start3A_165] : memref<2x4x2x100xi32, #tpu.memory_space<vmem>> -> memref<1x1x1x100xi32, #tpu.memory_space<vmem>>
    %dma_start3A_167 = tpu.memref_squeeze %dma_start3A_166 : memref<1x1x1x100xi32, #tpu.memory_space<vmem>> -> memref<100xi32, #tpu.memory_space<vmem>>
    %dma_start3A_168 = arith.constant 0 : i32
    %dma_start3A_169 = arith.constant 0 : i32
    %dma_start3A_170 = tpu.memref_slice %arg3[%dma_start3A_168, %dma_start3A_169] : memref<100000x64xbf16, #tpu.memory_space<hbm>> -> memref<100000x64xbf16, #tpu.memory_space<hbm>>
    tpu.enqueue_indirect_dma source(%dma_start3A_170 : memref<100000x64xbf16, #tpu.memory_space<hbm>>) target(%dma_start3A_164 : memref<100x64xbf16, #tpu.memory_space<vmem>>) offsets(%dma_start3A_167 : memref<100xi32, #tpu.memory_space<vmem>>) semaphore(%arg10 : memref<!tpu.dma_semaphore, #tpu.memory_space<semaphore_mem>>)
    %mul3A_171 = arith.constant 32 : i32
    %mul3A_172 = arith.muli %add3A, %mul3A_171 : i32
    %add3A_173 = arith.constant 1 : i32
    %add3A_174 = arith.addi %mul3A_172, %add3A_173 : i32
    %dma_start3A_175 = arith.constant 1 : i32
    %dma_start3A_176 = arith.constant 0 : i32
    %dma_start3A_177 = arith.constant 0 : i32
    %dma_start3A_178 = arith.constant 0 : i32
    %dma_start3A_179 = tpu.memref_slice %arg6[%dma_start3A_175, %dma_start3A_176, %dma_start3A_177, %dma_start3A_178] : memref<2x4x2x100xi32, #tpu.memory_space<vmem>> -> memref<1x4x2x100xi32, #tpu.memory_space<vmem>>
    %dma_start3A_180 = tpu.memref_squeeze %dma_start3A_179 : memref<1x4x2x100xi32, #tpu.memory_space<vmem>> -> memref<4x2x100xi32, #tpu.memory_space<vmem>>
    %dma_start3A_181 = arith.constant 0 : i32
    %dma_start3A_182 = arith.constant 0 : i32
    %dma_start3A_183 = arith.constant 0 : i32
    %dma_start3A_184 = tpu.memref_slice %arg2[%add3A_174, %dma_start3A_181, %dma_start3A_182, %dma_start3A_183] : memref<1024x4x2x100xi32, #tpu.memory_space<hbm>> -> memref<1x4x2x100xi32, #tpu.memory_space<hbm>>
    %dma_start3A_185 = tpu.memref_squeeze %dma_start3A_184 : memref<1x4x2x100xi32, #tpu.memory_space<hbm>> -> memref<4x2x100xi32, #tpu.memory_space<hbm>>
    %dma_start3A_186 = arith.constant 0 : i32
    %dma_start3A_187 = arith.constant 0 : i32
    %dma_start3A_188 = arith.constant 0 : i32
    %dma_start3A_189 = tpu.memref_slice %arg6[%dma_start3A_175, %dma_start3A_186, %dma_start3A_187, %dma_start3A_188] : memref<2x4x2x100xi32, #tpu.memory_space<vmem>> -> memref<1x4x2x100xi32, #tpu.memory_space<vmem>>
    %dma_start3A_190 = tpu.memref_squeeze %dma_start3A_189 : memref<1x4x2x100xi32, #tpu.memory_space<vmem>> -> memref<4x2x100xi32, #tpu.memory_space<vmem>>
    %dma_start3A_191 = arith.constant 0 : i32
    %dma_start3A_192 = arith.constant 0 : i32
    %dma_start3A_193 = arith.constant 0 : i32
    %dma_start3A_194 = tpu.memref_slice %arg2[%add3A_174, %dma_start3A_191, %dma_start3A_192, %dma_start3A_193] : memref<1024x4x2x100xi32, #tpu.memory_space<hbm>> -> memref<1x4x2x100xi32, #tpu.memory_space<hbm>>
    %dma_start3A_195 = tpu.memref_squeeze %dma_start3A_194 : memref<1x4x2x100xi32, #tpu.memory_space<hbm>> -> memref<4x2x100xi32, #tpu.memory_space<hbm>>
    tpu.enqueue_dma source(%dma_start3A_195 : memref<4x2x100xi32, #tpu.memory_space<hbm>>) target(%dma_start3A_190 : memref<4x2x100xi32, #tpu.memory_space<vmem>>) target_semaphore(%arg12 : memref<!tpu.dma_semaphore, #tpu.memory_space<semaphore_mem>>)
    %scan3A = arith.constant 0 : i32
    %scan3A_196 = arith.constant 0 : i32
    %scan3A_197 = arith.constant 16 : i32
    %scan3A_198 = arith.addi %scan3A_196, %scan3A_197 : i32
    %scan3A_199 = arith.constant 1 : i32
    scf.for %scan3A_231 = %scan3A_196 to %scan3A_198 step %scan3A_199  : i32 {
      %mul3A_232 = arith.constant 2 : i32
      %mul3A_233 = arith.muli %mul3A_232, %scan3A_231 : i32
      %add3A_234 = arith.constant 0 : i32
      %add3A_235 = arith.addi %mul3A_233, %add3A_234 : i32
      %dma_wait3A_236 = arith.constant 0 : i32
      %dma_wait3A_237 = arith.constant 0 : i32
      %dma_wait3A_238 = arith.constant 0 : i32
      %dma_wait3A_239 = arith.constant 0 : i32
      %dma_wait3A_240 = arith.constant 0 : i32
      %dma_wait3A_241 = arith.constant 0 : i32
      %dma_wait3A_242 = arith.constant 0 : i32
      %dma_wait3A_243 = tpu.memref_slice %arg7[%dma_wait3A_239, %dma_wait3A_240, %dma_wait3A_241, %dma_wait3A_242] : memref<2x4x200x64xbf16, #tpu.memory_space<vmem>> -> memref<1x1x100x64xbf16, #tpu.memory_space<vmem>>
      %dma_wait3A_244 = tpu.memref_squeeze %dma_wait3A_243 : memref<1x1x100x64xbf16, #tpu.memory_space<vmem>> -> memref<100x64xbf16, #tpu.memory_space<vmem>>
      %dma_wait3A_245 = arith.constant 0 : i32
      %dma_wait3A_246 = tpu.memref_slice %arg6[%dma_wait3A_236, %dma_wait3A_237, %dma_wait3A_238, %dma_wait3A_245] : memref<2x4x2x100xi32, #tpu.memory_space<vmem>> -> memref<1x1x1x100xi32, #tpu.memory_space<vmem>>
      %dma_wait3A_247 = tpu.memref_squeeze %dma_wait3A_246 : memref<1x1x1x100xi32, #tpu.memory_space<vmem>> -> memref<100xi32, #tpu.memory_space<vmem>>
      %dma_wait3A_248 = arith.constant 0 : i32
      %dma_wait3A_249 = arith.constant 0 : i32
      %dma_wait3A_250 = tpu.memref_slice %arg3[%dma_wait3A_248, %dma_wait3A_249] : memref<100000x64xbf16, #tpu.memory_space<hbm>> -> memref<100000x64xbf16, #tpu.memory_space<hbm>>
      tpu.wait_indirect_dma semaphore(%arg10 : memref<!tpu.dma_semaphore, #tpu.memory_space<semaphore_mem>>) src(%dma_wait3A_250 : memref<100000x64xbf16, #tpu.memory_space<hbm>>) dst(%dma_wait3A_244 : memref<100x64xbf16, #tpu.memory_space<vmem>>)
      %dma_wait3A_251 = arith.constant 0 : i32
      %dma_wait3A_252 = arith.constant 0 : i32
      %dma_wait3A_253 = arith.constant 1 : i32
      %dma_wait3A_254 = arith.constant 0 : i32
      %dma_wait3A_255 = arith.constant 0 : i32
      %dma_wait3A_256 = arith.constant 100 : i32
      %dma_wait3A_257 = arith.constant 0 : i32
      %dma_wait3A_258 = tpu.memref_slice %arg7[%dma_wait3A_254, %dma_wait3A_255, %dma_wait3A_256, %dma_wait3A_257] : memref<2x4x200x64xbf16, #tpu.memory_space<vmem>> -> memref<1x1x100x64xbf16, #tpu.memory_space<vmem>>
      %dma_wait3A_259 = tpu.memref_squeeze %dma_wait3A_258 : memref<1x1x100x64xbf16, #tpu.memory_space<vmem>> -> memref<100x64xbf16, #tpu.memory_space<vmem>>
      %dma_wait3A_260 = arith.constant 0 : i32
      %dma_wait3A_261 = tpu.memref_slice %arg6[%dma_wait3A_251, %dma_wait3A_252, %dma_wait3A_253, %dma_wait3A_260] : memref<2x4x2x100xi32, #tpu.memory_space<vmem>> -> memref<1x1x1x100xi32, #tpu.memory_space<vmem>>
      %dma_wait3A_262 = tpu.memref_squeeze %dma_wait3A_261 : memref<1x1x1x100xi32, #tpu.memory_space<vmem>> -> memref<100xi32, #tpu.memory_space<vmem>>
      %dma_wait3A_263 = arith.constant 0 : i32
      %dma_wait3A_264 = arith.constant 0 : i32
      %dma_wait3A_265 = tpu.memref_slice %arg3[%dma_wait3A_263, %dma_wait3A_264] : memref<100000x64xbf16, #tpu.memory_space<hbm>> -> memref<100000x64xbf16, #tpu.memory_space<hbm>>
      tpu.wait_indirect_dma semaphore(%arg10 : memref<!tpu.dma_semaphore, #tpu.memory_space<semaphore_mem>>) src(%dma_wait3A_265 : memref<100000x64xbf16, #tpu.memory_space<hbm>>) dst(%dma_wait3A_259 : memref<100x64xbf16, #tpu.memory_space<vmem>>)
      %dma_wait3A_266 = arith.constant 0 : i32
      %dma_wait3A_267 = arith.constant 1 : i32
      %dma_wait3A_268 = arith.constant 0 : i32
      %dma_wait3A_269 = arith.constant 0 : i32
      %dma_wait3A_270 = arith.constant 1 : i32
      %dma_wait3A_271 = arith.constant 0 : i32
      %dma_wait3A_272 = arith.constant 0 : i32
      %dma_wait3A_273 = tpu.memref_slice %arg7[%dma_wait3A_269, %dma_wait3A_270, %dma_wait3A_271, %dma_wait3A_272] : memref<2x4x200x64xbf16, #tpu.memory_space<vmem>> -> memref<1x1x100x64xbf16, #tpu.memory_space<vmem>>
      %dma_wait3A_274 = tpu.memref_squeeze %dma_wait3A_273 : memref<1x1x100x64xbf16, #tpu.memory_space<vmem>> -> memref<100x64xbf16, #tpu.memory_space<vmem>>
      %dma_wait3A_275 = arith.constant 0 : i32
      %dma_wait3A_276 = tpu.memref_slice %arg6[%dma_wait3A_266, %dma_wait3A_267, %dma_wait3A_268, %dma_wait3A_275] : memref<2x4x2x100xi32, #tpu.memory_space<vmem>> -> memref<1x1x1x100xi32, #tpu.memory_space<vmem>>
      %dma_wait3A_277 = tpu.memref_squeeze %dma_wait3A_276 : memref<1x1x1x100xi32, #tpu.memory_space<vmem>> -> memref<100xi32, #tpu.memory_space<vmem>>
      %dma_wait3A_278 = arith.constant 0 : i32
      %dma_wait3A_279 = arith.constant 0 : i32
      %dma_wait3A_280 = tpu.memref_slice %arg3[%dma_wait3A_278, %dma_wait3A_279] : memref<100000x64xbf16, #tpu.memory_space<hbm>> -> memref<100000x64xbf16, #tpu.memory_space<hbm>>
      tpu.wait_indirect_dma semaphore(%arg10 : memref<!tpu.dma_semaphore, #tpu.memory_space<semaphore_mem>>) src(%dma_wait3A_280 : memref<100000x64xbf16, #tpu.memory_space<hbm>>) dst(%dma_wait3A_274 : memref<100x64xbf16, #tpu.memory_space<vmem>>)
      %dma_wait3A_281 = arith.constant 0 : i32
      %dma_wait3A_282 = arith.constant 1 : i32
      %dma_wait3A_283 = arith.constant 1 : i32
      %dma_wait3A_284 = arith.constant 0 : i32
      %dma_wait3A_285 = arith.constant 1 : i32
      %dma_wait3A_286 = arith.constant 100 : i32
      %dma_wait3A_287 = arith.constant 0 : i32
      %dma_wait3A_288 = tpu.memref_slice %arg7[%dma_wait3A_284, %dma_wait3A_285, %dma_wait3A_286, %dma_wait3A_287] : memref<2x4x200x64xbf16, #tpu.memory_space<vmem>> -> memref<1x1x100x64xbf16, #tpu.memory_space<vmem>>
      %dma_wait3A_289 = tpu.memref_squeeze %dma_wait3A_288 : memref<1x1x100x64xbf16, #tpu.memory_space<vmem>> -> memref<100x64xbf16, #tpu.memory_space<vmem>>
      %dma_wait3A_290 = arith.constant 0 : i32
      %dma_wait3A_291 = tpu.memref_slice %arg6[%dma_wait3A_281, %dma_wait3A_282, %dma_wait3A_283, %dma_wait3A_290] : memref<2x4x2x100xi32, #tpu.memory_space<vmem>> -> memref<1x1x1x100xi32, #tpu.memory_space<vmem>>
      %dma_wait3A_292 = tpu.memref_squeeze %dma_wait3A_291 : memref<1x1x1x100xi32, #tpu.memory_space<vmem>> -> memref<100xi32, #tpu.memory_space<vmem>>
      %dma_wait3A_293 = arith.constant 0 : i32
      %dma_wait3A_294 = arith.constant 0 : i32
      %dma_wait3A_295 = tpu.memref_slice %arg3[%dma_wait3A_293, %dma_wait3A_294] : memref<100000x64xbf16, #tpu.memory_space<hbm>> -> memref<100000x64xbf16, #tpu.memory_space<hbm>>
      tpu.wait_indirect_dma semaphore(%arg10 : memref<!tpu.dma_semaphore, #tpu.memory_space<semaphore_mem>>) src(%dma_wait3A_295 : memref<100000x64xbf16, #tpu.memory_space<hbm>>) dst(%dma_wait3A_289 : memref<100x64xbf16, #tpu.memory_space<vmem>>)
      %dma_wait3A_296 = arith.constant 0 : i32
      %dma_wait3A_297 = arith.constant 2 : i32
      %dma_wait3A_298 = arith.constant 0 : i32
      %dma_wait3A_299 = arith.constant 0 : i32
      %dma_wait3A_300 = arith.constant 2 : i32
      %dma_wait3A_301 = arith.constant 0 : i32
      %dma_wait3A_302 = arith.constant 0 : i32
      %dma_wait3A_303 = tpu.memref_slice %arg7[%dma_wait3A_299, %dma_wait3A_300, %dma_wait3A_301, %dma_wait3A_302] : memref<2x4x200x64xbf16, #tpu.memory_space<vmem>> -> memref<1x1x100x64xbf16, #tpu.memory_space<vmem>>
      %dma_wait3A_304 = tpu.memref_squeeze %dma_wait3A_303 : memref<1x1x100x64xbf16, #tpu.memory_space<vmem>> -> memref<100x64xbf16, #tpu.memory_space<vmem>>
      %dma_wait3A_305 = arith.constant 0 : i32
      %dma_wait3A_306 = tpu.memref_slice %arg6[%dma_wait3A_296, %dma_wait3A_297, %dma_wait3A_298, %dma_wait3A_305] : memref<2x4x2x100xi32, #tpu.memory_space<vmem>> -> memref<1x1x1x100xi32, #tpu.memory_space<vmem>>
      %dma_wait3A_307 = tpu.memref_squeeze %dma_wait3A_306 : memref<1x1x1x100xi32, #tpu.memory_space<vmem>> -> memref<100xi32, #tpu.memory_space<vmem>>
      %dma_wait3A_308 = arith.constant 0 : i32
      %dma_wait3A_309 = arith.constant 0 : i32
      %dma_wait3A_310 = tpu.memref_slice %arg3[%dma_wait3A_308, %dma_wait3A_309] : memref<100000x64xbf16, #tpu.memory_space<hbm>> -> memref<100000x64xbf16, #tpu.memory_space<hbm>>
      tpu.wait_indirect_dma semaphore(%arg10 : memref<!tpu.dma_semaphore, #tpu.memory_space<semaphore_mem>>) src(%dma_wait3A_310 : memref<100000x64xbf16, #tpu.memory_space<hbm>>) dst(%dma_wait3A_304 : memref<100x64xbf16, #tpu.memory_space<vmem>>)
      %dma_wait3A_311 = arith.constant 0 : i32
      %dma_wait3A_312 = arith.constant 2 : i32
      %dma_wait3A_313 = arith.constant 1 : i32
      %dma_wait3A_314 = arith.constant 0 : i32
      %dma_wait3A_315 = arith.constant 2 : i32
      %dma_wait3A_316 = arith.constant 100 : i32
      %dma_wait3A_317 = arith.constant 0 : i32
      %dma_wait3A_318 = tpu.memref_slice %arg7[%dma_wait3A_314, %dma_wait3A_315, %dma_wait3A_316, %dma_wait3A_317] : memref<2x4x200x64xbf16, #tpu.memory_space<vmem>> -> memref<1x1x100x64xbf16, #tpu.memory_space<vmem>>
      %dma_wait3A_319 = tpu.memref_squeeze %dma_wait3A_318 : memref<1x1x100x64xbf16, #tpu.memory_space<vmem>> -> memref<100x64xbf16, #tpu.memory_space<vmem>>
      %dma_wait3A_320 = arith.constant 0 : i32
      %dma_wait3A_321 = tpu.memref_slice %arg6[%dma_wait3A_311, %dma_wait3A_312, %dma_wait3A_313, %dma_wait3A_320] : memref<2x4x2x100xi32, #tpu.memory_space<vmem>> -> memref<1x1x1x100xi32, #tpu.memory_space<vmem>>
      %dma_wait3A_322 = tpu.memref_squeeze %dma_wait3A_321 : memref<1x1x1x100xi32, #tpu.memory_space<vmem>> -> memref<100xi32, #tpu.memory_space<vmem>>
      %dma_wait3A_323 = arith.constant 0 : i32
      %dma_wait3A_324 = arith.constant 0 : i32
      %dma_wait3A_325 = tpu.memref_slice %arg3[%dma_wait3A_323, %dma_wait3A_324] : memref<100000x64xbf16, #tpu.memory_space<hbm>> -> memref<100000x64xbf16, #tpu.memory_space<hbm>>
      tpu.wait_indirect_dma semaphore(%arg10 : memref<!tpu.dma_semaphore, #tpu.memory_space<semaphore_mem>>) src(%dma_wait3A_325 : memref<100000x64xbf16, #tpu.memory_space<hbm>>) dst(%dma_wait3A_319 : memref<100x64xbf16, #tpu.memory_space<vmem>>)
      %dma_wait3A_326 = arith.constant 0 : i32
      %dma_wait3A_327 = arith.constant 3 : i32
      %dma_wait3A_328 = arith.constant 0 : i32
      %dma_wait3A_329 = arith.constant 0 : i32
      %dma_wait3A_330 = arith.constant 3 : i32
      %dma_wait3A_331 = arith.constant 0 : i32
      %dma_wait3A_332 = arith.constant 0 : i32
      %dma_wait3A_333 = tpu.memref_slice %arg7[%dma_wait3A_329, %dma_wait3A_330, %dma_wait3A_331, %dma_wait3A_332] : memref<2x4x200x64xbf16, #tpu.memory_space<vmem>> -> memref<1x1x100x64xbf16, #tpu.memory_space<vmem>>
      %dma_wait3A_334 = tpu.memref_squeeze %dma_wait3A_333 : memref<1x1x100x64xbf16, #tpu.memory_space<vmem>> -> memref<100x64xbf16, #tpu.memory_space<vmem>>
      %dma_wait3A_335 = arith.constant 0 : i32
      %dma_wait3A_336 = tpu.memref_slice %arg6[%dma_wait3A_326, %dma_wait3A_327, %dma_wait3A_328, %dma_wait3A_335] : memref<2x4x2x100xi32, #tpu.memory_space<vmem>> -> memref<1x1x1x100xi32, #tpu.memory_space<vmem>>
      %dma_wait3A_337 = tpu.memref_squeeze %dma_wait3A_336 : memref<1x1x1x100xi32, #tpu.memory_space<vmem>> -> memref<100xi32, #tpu.memory_space<vmem>>
      %dma_wait3A_338 = arith.constant 0 : i32
      %dma_wait3A_339 = arith.constant 0 : i32
      %dma_wait3A_340 = tpu.memref_slice %arg3[%dma_wait3A_338, %dma_wait3A_339] : memref<100000x64xbf16, #tpu.memory_space<hbm>> -> memref<100000x64xbf16, #tpu.memory_space<hbm>>
      tpu.wait_indirect_dma semaphore(%arg10 : memref<!tpu.dma_semaphore, #tpu.memory_space<semaphore_mem>>) src(%dma_wait3A_340 : memref<100000x64xbf16, #tpu.memory_space<hbm>>) dst(%dma_wait3A_334 : memref<100x64xbf16, #tpu.memory_space<vmem>>)
      %dma_wait3A_341 = arith.constant 0 : i32
      %dma_wait3A_342 = arith.constant 3 : i32
      %dma_wait3A_343 = arith.constant 1 : i32
      %dma_wait3A_344 = arith.constant 0 : i32
      %dma_wait3A_345 = arith.constant 3 : i32
      %dma_wait3A_346 = arith.constant 100 : i32
      %dma_wait3A_347 = arith.constant 0 : i32
      %dma_wait3A_348 = tpu.memref_slice %arg7[%dma_wait3A_344, %dma_wait3A_345, %dma_wait3A_346, %dma_wait3A_347] : memref<2x4x200x64xbf16, #tpu.memory_space<vmem>> -> memref<1x1x100x64xbf16, #tpu.memory_space<vmem>>
      %dma_wait3A_349 = tpu.memref_squeeze %dma_wait3A_348 : memref<1x1x100x64xbf16, #tpu.memory_space<vmem>> -> memref<100x64xbf16, #tpu.memory_space<vmem>>
      %dma_wait3A_350 = arith.constant 0 : i32
      %dma_wait3A_351 = tpu.memref_slice %arg6[%dma_wait3A_341, %dma_wait3A_342, %dma_wait3A_343, %dma_wait3A_350] : memref<2x4x2x100xi32, #tpu.memory_space<vmem>> -> memref<1x1x1x100xi32, #tpu.memory_space<vmem>>
      %dma_wait3A_352 = tpu.memref_squeeze %dma_wait3A_351 : memref<1x1x1x100xi32, #tpu.memory_space<vmem>> -> memref<100xi32, #tpu.memory_space<vmem>>
      %dma_wait3A_353 = arith.constant 0 : i32
      %dma_wait3A_354 = arith.constant 0 : i32
      %dma_wait3A_355 = tpu.memref_slice %arg3[%dma_wait3A_353, %dma_wait3A_354] : memref<100000x64xbf16, #tpu.memory_space<hbm>> -> memref<100000x64xbf16, #tpu.memory_space<hbm>>
      tpu.wait_indirect_dma semaphore(%arg10 : memref<!tpu.dma_semaphore, #tpu.memory_space<semaphore_mem>>) src(%dma_wait3A_355 : memref<100000x64xbf16, #tpu.memory_space<hbm>>) dst(%dma_wait3A_349 : memref<100x64xbf16, #tpu.memory_space<vmem>>)
      %add3A_356 = arith.constant 1 : i32
      %add3A_357 = arith.addi %add3A_235, %add3A_356 : i32
      %add3A_358 = arith.constant 2 : i32
      %add3A_359 = arith.addi %add3A_235, %add3A_358 : i32
      %lt3A = arith.constant 32 : i32
      %lt3A_360 = arith.cmpi slt, %add3A_357, %lt3A : i32
      %convert_element_type3A = arith.extui %lt3A_360 : i1 to i32
      %cond3A = arith.constant 0 : i32
      %cond3A_361 = arith.cmpi ne, %convert_element_type3A, %cond3A : i32
      scf.if %cond3A_361 {
        %mul3A_752 = arith.constant 32 : i32
        %mul3A_753 = arith.muli %add3A, %mul3A_752 : i32
        %add3A_754 = arith.addi %mul3A_753, %add3A_357 : i32
        %dma_wait3A_755 = arith.constant 1 : i32
        %dma_wait3A_756 = arith.constant 0 : i32
        %dma_wait3A_757 = arith.constant 0 : i32
        %dma_wait3A_758 = arith.constant 0 : i32
        %dma_wait3A_759 = tpu.memref_slice %arg6[%dma_wait3A_755, %dma_wait3A_756, %dma_wait3A_757, %dma_wait3A_758] : memref<2x4x2x100xi32, #tpu.memory_space<vmem>> -> memref<1x4x2x100xi32, #tpu.memory_space<vmem>>
        %dma_wait3A_760 = tpu.memref_squeeze %dma_wait3A_759 : memref<1x4x2x100xi32, #tpu.memory_space<vmem>> -> memref<4x2x100xi32, #tpu.memory_space<vmem>>
        %dma_wait3A_761 = arith.constant 0 : i32
        %dma_wait3A_762 = arith.constant 0 : i32
        %dma_wait3A_763 = arith.constant 0 : i32
        %dma_wait3A_764 = tpu.memref_slice %arg2[%add3A_754, %dma_wait3A_761, %dma_wait3A_762, %dma_wait3A_763] : memref<1024x4x2x100xi32, #tpu.memory_space<hbm>> -> memref<1x4x2x100xi32, #tpu.memory_space<hbm>>
        %dma_wait3A_765 = tpu.memref_squeeze %dma_wait3A_764 : memref<1x4x2x100xi32, #tpu.memory_space<hbm>> -> memref<4x2x100xi32, #tpu.memory_space<hbm>>
        %dma_wait3A_766 = arith.constant 0 : i32
        %dma_wait3A_767 = arith.constant 0 : i32
        %dma_wait3A_768 = arith.constant 0 : i32
        %dma_wait3A_769 = tpu.memref_slice %arg6[%dma_wait3A_755, %dma_wait3A_766, %dma_wait3A_767, %dma_wait3A_768] : memref<2x4x2x100xi32, #tpu.memory_space<vmem>> -> memref<1x4x2x100xi32, #tpu.memory_space<vmem>>
        %dma_wait3A_770 = tpu.memref_squeeze %dma_wait3A_769 : memref<1x4x2x100xi32, #tpu.memory_space<vmem>> -> memref<4x2x100xi32, #tpu.memory_space<vmem>>
        %dma_wait3A_771 = arith.constant 0 : i32
        %dma_wait3A_772 = arith.constant 0 : i32
        %dma_wait3A_773 = arith.constant 0 : i32
        %dma_wait3A_774 = tpu.memref_slice %arg2[%add3A_754, %dma_wait3A_771, %dma_wait3A_772, %dma_wait3A_773] : memref<1024x4x2x100xi32, #tpu.memory_space<hbm>> -> memref<1x4x2x100xi32, #tpu.memory_space<hbm>>
        %dma_wait3A_775 = tpu.memref_squeeze %dma_wait3A_774 : memref<1x4x2x100xi32, #tpu.memory_space<hbm>> -> memref<4x2x100xi32, #tpu.memory_space<hbm>>
        tpu.wait_dma2 semaphore(%arg12 : memref<!tpu.dma_semaphore, #tpu.memory_space<semaphore_mem>>) src(%dma_wait3A_775 : memref<4x2x100xi32, #tpu.memory_space<hbm>>) dst(%dma_wait3A_770 : memref<4x2x100xi32, #tpu.memory_space<vmem>>)
        %dma_start3A_776 = arith.constant 1 : i32
        %dma_start3A_777 = arith.constant 0 : i32
        %dma_start3A_778 = arith.constant 0 : i32
        %dma_start3A_779 = arith.constant 1 : i32
        %dma_start3A_780 = arith.constant 0 : i32
        %dma_start3A_781 = arith.constant 0 : i32
        %dma_start3A_782 = arith.constant 0 : i32
        %dma_start3A_783 = tpu.memref_slice %arg7[%dma_start3A_779, %dma_start3A_780, %dma_start3A_781, %dma_start3A_782] : memref<2x4x200x64xbf16, #tpu.memory_space<vmem>> -> memref<1x1x100x64xbf16, #tpu.memory_space<vmem>>
        %dma_start3A_784 = tpu.memref_squeeze %dma_start3A_783 : memref<1x1x100x64xbf16, #tpu.memory_space<vmem>> -> memref<100x64xbf16, #tpu.memory_space<vmem>>
        %dma_start3A_785 = arith.constant 0 : i32
        %dma_start3A_786 = tpu.memref_slice %arg6[%dma_start3A_776, %dma_start3A_777, %dma_start3A_778, %dma_start3A_785] : memref<2x4x2x100xi32, #tpu.memory_space<vmem>> -> memref<1x1x1x100xi32, #tpu.memory_space<vmem>>
        %dma_start3A_787 = tpu.memref_squeeze %dma_start3A_786 : memref<1x1x1x100xi32, #tpu.memory_space<vmem>> -> memref<100xi32, #tpu.memory_space<vmem>>
        %dma_start3A_788 = arith.constant 0 : i32
        %dma_start3A_789 = arith.constant 0 : i32
        %dma_start3A_790 = tpu.memref_slice %arg3[%dma_start3A_788, %dma_start3A_789] : memref<100000x64xbf16, #tpu.memory_space<hbm>> -> memref<100000x64xbf16, #tpu.memory_space<hbm>>
        tpu.enqueue_indirect_dma source(%dma_start3A_790 : memref<100000x64xbf16, #tpu.memory_space<hbm>>) target(%dma_start3A_784 : memref<100x64xbf16, #tpu.memory_space<vmem>>) offsets(%dma_start3A_787 : memref<100xi32, #tpu.memory_space<vmem>>) semaphore(%arg11 : memref<!tpu.dma_semaphore, #tpu.memory_space<semaphore_mem>>)
        %dma_start3A_791 = arith.constant 1 : i32
        %dma_start3A_792 = arith.constant 0 : i32
        %dma_start3A_793 = arith.constant 1 : i32
        %dma_start3A_794 = arith.constant 1 : i32
        %dma_start3A_795 = arith.constant 0 : i32
        %dma_start3A_796 = arith.constant 100 : i32
        %dma_start3A_797 = arith.constant 0 : i32
        %dma_start3A_798 = tpu.memref_slice %arg7[%dma_start3A_794, %dma_start3A_795, %dma_start3A_796, %dma_start3A_797] : memref<2x4x200x64xbf16, #tpu.memory_space<vmem>> -> memref<1x1x100x64xbf16, #tpu.memory_space<vmem>>
        %dma_start3A_799 = tpu.memref_squeeze %dma_start3A_798 : memref<1x1x100x64xbf16, #tpu.memory_space<vmem>> -> memref<100x64xbf16, #tpu.memory_space<vmem>>
        %dma_start3A_800 = arith.constant 0 : i32
        %dma_start3A_801 = tpu.memref_slice %arg6[%dma_start3A_791, %dma_start3A_792, %dma_start3A_793, %dma_start3A_800] : memref<2x4x2x100xi32, #tpu.memory_space<vmem>> -> memref<1x1x1x100xi32, #tpu.memory_space<vmem>>
        %dma_start3A_802 = tpu.memref_squeeze %dma_start3A_801 : memref<1x1x1x100xi32, #tpu.memory_space<vmem>> -> memref<100xi32, #tpu.memory_space<vmem>>
        %dma_start3A_803 = arith.constant 0 : i32
        %dma_start3A_804 = arith.constant 0 : i32
        %dma_start3A_805 = tpu.memref_slice %arg3[%dma_start3A_803, %dma_start3A_804] : memref<100000x64xbf16, #tpu.memory_space<hbm>> -> memref<100000x64xbf16, #tpu.memory_space<hbm>>
        tpu.enqueue_indirect_dma source(%dma_start3A_805 : memref<100000x64xbf16, #tpu.memory_space<hbm>>) target(%dma_start3A_799 : memref<100x64xbf16, #tpu.memory_space<vmem>>) offsets(%dma_start3A_802 : memref<100xi32, #tpu.memory_space<vmem>>) semaphore(%arg11 : memref<!tpu.dma_semaphore, #tpu.memory_space<semaphore_mem>>)
        %dma_start3A_806 = arith.constant 1 : i32
        %dma_start3A_807 = arith.constant 1 : i32
        %dma_start3A_808 = arith.constant 0 : i32
        %dma_start3A_809 = arith.constant 1 : i32
        %dma_start3A_810 = arith.constant 1 : i32
        %dma_start3A_811 = arith.constant 0 : i32
        %dma_start3A_812 = arith.constant 0 : i32
        %dma_start3A_813 = tpu.memref_slice %arg7[%dma_start3A_809, %dma_start3A_810, %dma_start3A_811, %dma_start3A_812] : memref<2x4x200x64xbf16, #tpu.memory_space<vmem>> -> memref<1x1x100x64xbf16, #tpu.memory_space<vmem>>
        %dma_start3A_814 = tpu.memref_squeeze %dma_start3A_813 : memref<1x1x100x64xbf16, #tpu.memory_space<vmem>> -> memref<100x64xbf16, #tpu.memory_space<vmem>>
        %dma_start3A_815 = arith.constant 0 : i32
        %dma_start3A_816 = tpu.memref_slice %arg6[%dma_start3A_806, %dma_start3A_807, %dma_start3A_808, %dma_start3A_815] : memref<2x4x2x100xi32, #tpu.memory_space<vmem>> -> memref<1x1x1x100xi32, #tpu.memory_space<vmem>>
        %dma_start3A_817 = tpu.memref_squeeze %dma_start3A_816 : memref<1x1x1x100xi32, #tpu.memory_space<vmem>> -> memref<100xi32, #tpu.memory_space<vmem>>
        %dma_start3A_818 = arith.constant 0 : i32
        %dma_start3A_819 = arith.constant 0 : i32
        %dma_start3A_820 = tpu.memref_slice %arg3[%dma_start3A_818, %dma_start3A_819] : memref<100000x64xbf16, #tpu.memory_space<hbm>> -> memref<100000x64xbf16, #tpu.memory_space<hbm>>
        tpu.enqueue_indirect_dma source(%dma_start3A_820 : memref<100000x64xbf16, #tpu.memory_space<hbm>>) target(%dma_start3A_814 : memref<100x64xbf16, #tpu.memory_space<vmem>>) offsets(%dma_start3A_817 : memref<100xi32, #tpu.memory_space<vmem>>) semaphore(%arg11 : memref<!tpu.dma_semaphore, #tpu.memory_space<semaphore_mem>>)
        %dma_start3A_821 = arith.constant 1 : i32
        %dma_start3A_822 = arith.constant 1 : i32
        %dma_start3A_823 = arith.constant 1 : i32
        %dma_start3A_824 = arith.constant 1 : i32
        %dma_start3A_825 = arith.constant 1 : i32
        %dma_start3A_826 = arith.constant 100 : i32
        %dma_start3A_827 = arith.constant 0 : i32
        %dma_start3A_828 = tpu.memref_slice %arg7[%dma_start3A_824, %dma_start3A_825, %dma_start3A_826, %dma_start3A_827] : memref<2x4x200x64xbf16, #tpu.memory_space<vmem>> -> memref<1x1x100x64xbf16, #tpu.memory_space<vmem>>
        %dma_start3A_829 = tpu.memref_squeeze %dma_start3A_828 : memref<1x1x100x64xbf16, #tpu.memory_space<vmem>> -> memref<100x64xbf16, #tpu.memory_space<vmem>>
        %dma_start3A_830 = arith.constant 0 : i32
        %dma_start3A_831 = tpu.memref_slice %arg6[%dma_start3A_821, %dma_start3A_822, %dma_start3A_823, %dma_start3A_830] : memref<2x4x2x100xi32, #tpu.memory_space<vmem>> -> memref<1x1x1x100xi32, #tpu.memory_space<vmem>>
        %dma_start3A_832 = tpu.memref_squeeze %dma_start3A_831 : memref<1x1x1x100xi32, #tpu.memory_space<vmem>> -> memref<100xi32, #tpu.memory_space<vmem>>
        %dma_start3A_833 = arith.constant 0 : i32
        %dma_start3A_834 = arith.constant 0 : i32
        %dma_start3A_835 = tpu.memref_slice %arg3[%dma_start3A_833, %dma_start3A_834] : memref<100000x64xbf16, #tpu.memory_space<hbm>> -> memref<100000x64xbf16, #tpu.memory_space<hbm>>
        tpu.enqueue_indirect_dma source(%dma_start3A_835 : memref<100000x64xbf16, #tpu.memory_space<hbm>>) target(%dma_start3A_829 : memref<100x64xbf16, #tpu.memory_space<vmem>>) offsets(%dma_start3A_832 : memref<100xi32, #tpu.memory_space<vmem>>) semaphore(%arg11 : memref<!tpu.dma_semaphore, #tpu.memory_space<semaphore_mem>>)
        %dma_start3A_836 = arith.constant 1 : i32
        %dma_start3A_837 = arith.constant 2 : i32
        %dma_start3A_838 = arith.constant 0 : i32
        %dma_start3A_839 = arith.constant 1 : i32
        %dma_start3A_840 = arith.constant 2 : i32
        %dma_start3A_841 = arith.constant 0 : i32
        %dma_start3A_842 = arith.constant 0 : i32
        %dma_start3A_843 = tpu.memref_slice %arg7[%dma_start3A_839, %dma_start3A_840, %dma_start3A_841, %dma_start3A_842] : memref<2x4x200x64xbf16, #tpu.memory_space<vmem>> -> memref<1x1x100x64xbf16, #tpu.memory_space<vmem>>
        %dma_start3A_844 = tpu.memref_squeeze %dma_start3A_843 : memref<1x1x100x64xbf16, #tpu.memory_space<vmem>> -> memref<100x64xbf16, #tpu.memory_space<vmem>>
        %dma_start3A_845 = arith.constant 0 : i32
        %dma_start3A_846 = tpu.memref_slice %arg6[%dma_start3A_836, %dma_start3A_837, %dma_start3A_838, %dma_start3A_845] : memref<2x4x2x100xi32, #tpu.memory_space<vmem>> -> memref<1x1x1x100xi32, #tpu.memory_space<vmem>>
        %dma_start3A_847 = tpu.memref_squeeze %dma_start3A_846 : memref<1x1x1x100xi32, #tpu.memory_space<vmem>> -> memref<100xi32, #tpu.memory_space<vmem>>
        %dma_start3A_848 = arith.constant 0 : i32
        %dma_start3A_849 = arith.constant 0 : i32
        %dma_start3A_850 = tpu.memref_slice %arg3[%dma_start3A_848, %dma_start3A_849] : memref<100000x64xbf16, #tpu.memory_space<hbm>> -> memref<100000x64xbf16, #tpu.memory_space<hbm>>
        tpu.enqueue_indirect_dma source(%dma_start3A_850 : memref<100000x64xbf16, #tpu.memory_space<hbm>>) target(%dma_start3A_844 : memref<100x64xbf16, #tpu.memory_space<vmem>>) offsets(%dma_start3A_847 : memref<100xi32, #tpu.memory_space<vmem>>) semaphore(%arg11 : memref<!tpu.dma_semaphore, #tpu.memory_space<semaphore_mem>>)
        %dma_start3A_851 = arith.constant 1 : i32
        %dma_start3A_852 = arith.constant 2 : i32
        %dma_start3A_853 = arith.constant 1 : i32
        %dma_start3A_854 = arith.constant 1 : i32
        %dma_start3A_855 = arith.constant 2 : i32
        %dma_start3A_856 = arith.constant 100 : i32
        %dma_start3A_857 = arith.constant 0 : i32
        %dma_start3A_858 = tpu.memref_slice %arg7[%dma_start3A_854, %dma_start3A_855, %dma_start3A_856, %dma_start3A_857] : memref<2x4x200x64xbf16, #tpu.memory_space<vmem>> -> memref<1x1x100x64xbf16, #tpu.memory_space<vmem>>
        %dma_start3A_859 = tpu.memref_squeeze %dma_start3A_858 : memref<1x1x100x64xbf16, #tpu.memory_space<vmem>> -> memref<100x64xbf16, #tpu.memory_space<vmem>>
        %dma_start3A_860 = arith.constant 0 : i32
        %dma_start3A_861 = tpu.memref_slice %arg6[%dma_start3A_851, %dma_start3A_852, %dma_start3A_853, %dma_start3A_860] : memref<2x4x2x100xi32, #tpu.memory_space<vmem>> -> memref<1x1x1x100xi32, #tpu.memory_space<vmem>>
        %dma_start3A_862 = tpu.memref_squeeze %dma_start3A_861 : memref<1x1x1x100xi32, #tpu.memory_space<vmem>> -> memref<100xi32, #tpu.memory_space<vmem>>
        %dma_start3A_863 = arith.constant 0 : i32
        %dma_start3A_864 = arith.constant 0 : i32
        %dma_start3A_865 = tpu.memref_slice %arg3[%dma_start3A_863, %dma_start3A_864] : memref<100000x64xbf16, #tpu.memory_space<hbm>> -> memref<100000x64xbf16, #tpu.memory_space<hbm>>
        tpu.enqueue_indirect_dma source(%dma_start3A_865 : memref<100000x64xbf16, #tpu.memory_space<hbm>>) target(%dma_start3A_859 : memref<100x64xbf16, #tpu.memory_space<vmem>>) offsets(%dma_start3A_862 : memref<100xi32, #tpu.memory_space<vmem>>) semaphore(%arg11 : memref<!tpu.dma_semaphore, #tpu.memory_space<semaphore_mem>>)
        %dma_start3A_866 = arith.constant 1 : i32
        %dma_start3A_867 = arith.constant 3 : i32
        %dma_start3A_868 = arith.constant 0 : i32
        %dma_start3A_869 = arith.constant 1 : i32
        %dma_start3A_870 = arith.constant 3 : i32
        %dma_start3A_871 = arith.constant 0 : i32
        %dma_start3A_872 = arith.constant 0 : i32
        %dma_start3A_873 = tpu.memref_slice %arg7[%dma_start3A_869, %dma_start3A_870, %dma_start3A_871, %dma_start3A_872] : memref<2x4x200x64xbf16, #tpu.memory_space<vmem>> -> memref<1x1x100x64xbf16, #tpu.memory_space<vmem>>
        %dma_start3A_874 = tpu.memref_squeeze %dma_start3A_873 : memref<1x1x100x64xbf16, #tpu.memory_space<vmem>> -> memref<100x64xbf16, #tpu.memory_space<vmem>>
        %dma_start3A_875 = arith.constant 0 : i32
        %dma_start3A_876 = tpu.memref_slice %arg6[%dma_start3A_866, %dma_start3A_867, %dma_start3A_868, %dma_start3A_875] : memref<2x4x2x100xi32, #tpu.memory_space<vmem>> -> memref<1x1x1x100xi32, #tpu.memory_space<vmem>>
        %dma_start3A_877 = tpu.memref_squeeze %dma_start3A_876 : memref<1x1x1x100xi32, #tpu.memory_space<vmem>> -> memref<100xi32, #tpu.memory_space<vmem>>
        %dma_start3A_878 = arith.constant 0 : i32
        %dma_start3A_879 = arith.constant 0 : i32
        %dma_start3A_880 = tpu.memref_slice %arg3[%dma_start3A_878, %dma_start3A_879] : memref<100000x64xbf16, #tpu.memory_space<hbm>> -> memref<100000x64xbf16, #tpu.memory_space<hbm>>
        tpu.enqueue_indirect_dma source(%dma_start3A_880 : memref<100000x64xbf16, #tpu.memory_space<hbm>>) target(%dma_start3A_874 : memref<100x64xbf16, #tpu.memory_space<vmem>>) offsets(%dma_start3A_877 : memref<100xi32, #tpu.memory_space<vmem>>) semaphore(%arg11 : memref<!tpu.dma_semaphore, #tpu.memory_space<semaphore_mem>>)
        %dma_start3A_881 = arith.constant 1 : i32
        %dma_start3A_882 = arith.constant 3 : i32
        %dma_start3A_883 = arith.constant 1 : i32
        %dma_start3A_884 = arith.constant 1 : i32
        %dma_start3A_885 = arith.constant 3 : i32
        %dma_start3A_886 = arith.constant 100 : i32
        %dma_start3A_887 = arith.constant 0 : i32
        %dma_start3A_888 = tpu.memref_slice %arg7[%dma_start3A_884, %dma_start3A_885, %dma_start3A_886, %dma_start3A_887] : memref<2x4x200x64xbf16, #tpu.memory_space<vmem>> -> memref<1x1x100x64xbf16, #tpu.memory_space<vmem>>
        %dma_start3A_889 = tpu.memref_squeeze %dma_start3A_888 : memref<1x1x100x64xbf16, #tpu.memory_space<vmem>> -> memref<100x64xbf16, #tpu.memory_space<vmem>>
        %dma_start3A_890 = arith.constant 0 : i32
        %dma_start3A_891 = tpu.memref_slice %arg6[%dma_start3A_881, %dma_start3A_882, %dma_start3A_883, %dma_start3A_890] : memref<2x4x2x100xi32, #tpu.memory_space<vmem>> -> memref<1x1x1x100xi32, #tpu.memory_space<vmem>>
        %dma_start3A_892 = tpu.memref_squeeze %dma_start3A_891 : memref<1x1x1x100xi32, #tpu.memory_space<vmem>> -> memref<100xi32, #tpu.memory_space<vmem>>
        %dma_start3A_893 = arith.constant 0 : i32
        %dma_start3A_894 = arith.constant 0 : i32
        %dma_start3A_895 = tpu.memref_slice %arg3[%dma_start3A_893, %dma_start3A_894] : memref<100000x64xbf16, #tpu.memory_space<hbm>> -> memref<100000x64xbf16, #tpu.memory_space<hbm>>
        tpu.enqueue_indirect_dma source(%dma_start3A_895 : memref<100000x64xbf16, #tpu.memory_space<hbm>>) target(%dma_start3A_889 : memref<100x64xbf16, #tpu.memory_space<vmem>>) offsets(%dma_start3A_892 : memref<100xi32, #tpu.memory_space<vmem>>) semaphore(%arg11 : memref<!tpu.dma_semaphore, #tpu.memory_space<semaphore_mem>>)
      } else {
      }
      %lt3A_362 = arith.constant 32 : i32
      %lt3A_363 = arith.cmpi slt, %add3A_359, %lt3A_362 : i32
      %convert_element_type3A_364 = arith.extui %lt3A_363 : i1 to i32
      %cond3A_365 = arith.constant 0 : i32
      %cond3A_366 = arith.cmpi ne, %convert_element_type3A_364, %cond3A_365 : i32
      scf.if %cond3A_366 {
        %mul3A_752 = arith.constant 32 : i32
        %mul3A_753 = arith.muli %add3A, %mul3A_752 : i32
        %add3A_754 = arith.addi %mul3A_753, %add3A_359 : i32
        %dma_start3A_755 = arith.constant 0 : i32
        %dma_start3A_756 = arith.constant 0 : i32
        %dma_start3A_757 = arith.constant 0 : i32
        %dma_start3A_758 = arith.constant 0 : i32
        %dma_start3A_759 = tpu.memref_slice %arg6[%dma_start3A_755, %dma_start3A_756, %dma_start3A_757, %dma_start3A_758] : memref<2x4x2x100xi32, #tpu.memory_space<vmem>> -> memref<1x4x2x100xi32, #tpu.memory_space<vmem>>
        %dma_start3A_760 = tpu.memref_squeeze %dma_start3A_759 : memref<1x4x2x100xi32, #tpu.memory_space<vmem>> -> memref<4x2x100xi32, #tpu.memory_space<vmem>>
        %dma_start3A_761 = arith.constant 0 : i32
        %dma_start3A_762 = arith.constant 0 : i32
        %dma_start3A_763 = arith.constant 0 : i32
        %dma_start3A_764 = tpu.memref_slice %arg2[%add3A_754, %dma_start3A_761, %dma_start3A_762, %dma_start3A_763] : memref<1024x4x2x100xi32, #tpu.memory_space<hbm>> -> memref<1x4x2x100xi32, #tpu.memory_space<hbm>>
        %dma_start3A_765 = tpu.memref_squeeze %dma_start3A_764 : memref<1x4x2x100xi32, #tpu.memory_space<hbm>> -> memref<4x2x100xi32, #tpu.memory_space<hbm>>
        %dma_start3A_766 = arith.constant 0 : i32
        %dma_start3A_767 = arith.constant 0 : i32
        %dma_start3A_768 = arith.constant 0 : i32
        %dma_start3A_769 = tpu.memref_slice %arg6[%dma_start3A_755, %dma_start3A_766, %dma_start3A_767, %dma_start3A_768] : memref<2x4x2x100xi32, #tpu.memory_space<vmem>> -> memref<1x4x2x100xi32, #tpu.memory_space<vmem>>
        %dma_start3A_770 = tpu.memref_squeeze %dma_start3A_769 : memref<1x4x2x100xi32, #tpu.memory_space<vmem>> -> memref<4x2x100xi32, #tpu.memory_space<vmem>>
        %dma_start3A_771 = arith.constant 0 : i32
        %dma_start3A_772 = arith.constant 0 : i32
        %dma_start3A_773 = arith.constant 0 : i32
        %dma_start3A_774 = tpu.memref_slice %arg2[%add3A_754, %dma_start3A_771, %dma_start3A_772, %dma_start3A_773] : memref<1024x4x2x100xi32, #tpu.memory_space<hbm>> -> memref<1x4x2x100xi32, #tpu.memory_space<hbm>>
        %dma_start3A_775 = tpu.memref_squeeze %dma_start3A_774 : memref<1x4x2x100xi32, #tpu.memory_space<hbm>> -> memref<4x2x100xi32, #tpu.memory_space<hbm>>
        tpu.enqueue_dma source(%dma_start3A_775 : memref<4x2x100xi32, #tpu.memory_space<hbm>>) target(%dma_start3A_770 : memref<4x2x100xi32, #tpu.memory_space<vmem>>) target_semaphore(%arg12 : memref<!tpu.dma_semaphore, #tpu.memory_space<semaphore_mem>>)
      } else {
      }
      %broadcast_in_dim3A = arith.constant 0.000000e+00 : f32
      %broadcast_in_dim3A_367 = vector.broadcast %broadcast_in_dim3A : f32 to vector<16xf32>
      %scan3A_368 = arith.constant 0 : i32
      %scan3A_369 = arith.constant 200 : i32
      %scan3A_370 = arith.addi %scan3A_368, %scan3A_369 : i32
      %scan3A_371 = arith.constant 1 : i32
      %scan3A_372:16 = scf.for %scan3A_752 = %scan3A_368 to %scan3A_370 step %scan3A_371 iter_args(%scan3A_753 = %broadcast_in_dim3A_367, %scan3A_754 = %broadcast_in_dim3A_367, %scan3A_755 = %broadcast_in_dim3A_367, %scan3A_756 = %broadcast_in_dim3A_367, %scan3A_757 = %broadcast_in_dim3A_367, %scan3A_758 = %broadcast_in_dim3A_367, %scan3A_759 = %broadcast_in_dim3A_367, %scan3A_760 = %broadcast_in_dim3A_367, %scan3A_761 = %broadcast_in_dim3A_367, %scan3A_762 = %broadcast_in_dim3A_367, %scan3A_763 = %broadcast_in_dim3A_367, %scan3A_764 = %broadcast_in_dim3A_367, %scan3A_765 = %broadcast_in_dim3A_367, %scan3A_766 = %broadcast_in_dim3A_367, %scan3A_767 = %broadcast_in_dim3A_367, %scan3A_768 = %broadcast_in_dim3A_367) -> (vector<16xf32>, vector<16xf32>, vector<16xf32>, vector<16xf32>, vector<16xf32>, vector<16xf32>, vector<16xf32>, vector<16xf32>, vector<16xf32>, vector<16xf32>, vector<16xf32>, vector<16xf32>, vector<16xf32>, vector<16xf32>, vector<16xf32>, vector<16xf32>)  : i32 {
        %mul3A_769 = arith.constant 64 : i32
        %mul3A_770 = arith.muli %scan3A_752, %mul3A_769 : i32
        %add3A_771 = arith.constant 0 : i32
        %add3A_772 = arith.addi %mul3A_770, %add3A_771 : i32
        %get3A = arith.constant 0 : i32
        %get3A_773 = arith.index_cast %get3A : i32 to index
        %get3A_774 = arith.index_cast %add3A_772 : i32 to index
        %get3A_775 = tpu.vector_load %arg8[%get3A_773, %get3A_774] {strides = array<i32>} : memref<4x12800xf32, #tpu.memory_space<vmem>>, vector<16xf32>,
        %get3A_776 = arith.constant 1 : i32
        %get3A_777 = arith.index_cast %get3A_776 : i32 to index
        %get3A_778 = arith.index_cast %add3A_772 : i32 to index
        %get3A_779 = tpu.vector_load %arg8[%get3A_777, %get3A_778] {strides = array<i32>} : memref<4x12800xf32, #tpu.memory_space<vmem>>, vector<16xf32>,
        %get3A_780 = arith.constant 2 : i32
        %get3A_781 = arith.index_cast %get3A_780 : i32 to index
        %get3A_782 = arith.index_cast %add3A_772 : i32 to index
        %get3A_783 = tpu.vector_load %arg8[%get3A_781, %get3A_782] {strides = array<i32>} : memref<4x12800xf32, #tpu.memory_space<vmem>>, vector<16xf32>,
        %get3A_784 = arith.constant 3 : i32
        %get3A_785 = arith.index_cast %get3A_784 : i32 to index
        %get3A_786 = arith.index_cast %add3A_772 : i32 to index
        %get3A_787 = tpu.vector_load %arg8[%get3A_785, %get3A_786] {strides = array<i32>} : memref<4x12800xf32, #tpu.memory_space<vmem>>, vector<16xf32>,
        %add3A_788 = arith.constant 16 : i32
        %add3A_789 = arith.addi %add3A_772, %add3A_788 : i32
        %get3A_790 = arith.constant 0 : i32
        %get3A_791 = arith.index_cast %get3A_790 : i32 to index
        %get3A_792 = arith.index_cast %add3A_789 : i32 to index
        %get3A_793 = tpu.vector_load %arg8[%get3A_791, %get3A_792] {strides = array<i32>} : memref<4x12800xf32, #tpu.memory_space<vmem>>, vector<16xf32>,
        %add3A_794 = arith.constant 16 : i32
        %add3A_795 = arith.addi %add3A_772, %add3A_794 : i32
        %get3A_796 = arith.constant 1 : i32
        %get3A_797 = arith.index_cast %get3A_796 : i32 to index
        %get3A_798 = arith.index_cast %add3A_795 : i32 to index
        %get3A_799 = tpu.vector_load %arg8[%get3A_797, %get3A_798] {strides = array<i32>} : memref<4x12800xf32, #tpu.memory_space<vmem>>, vector<16xf32>,
        %add3A_800 = arith.constant 16 : i32
        %add3A_801 = arith.addi %add3A_772, %add3A_800 : i32
        %get3A_802 = arith.constant 2 : i32
        %get3A_803 = arith.index_cast %get3A_802 : i32 to index
        %get3A_804 = arith.index_cast %add3A_801 : i32 to index
        %get3A_805 = tpu.vector_load %arg8[%get3A_803, %get3A_804] {strides = array<i32>} : memref<4x12800xf32, #tpu.memory_space<vmem>>, vector<16xf32>,
        %add3A_806 = arith.constant 16 : i32
        %add3A_807 = arith.addi %add3A_772, %add3A_806 : i32
        %get3A_808 = arith.constant 3 : i32
        %get3A_809 = arith.index_cast %get3A_808 : i32 to index
        %get3A_810 = arith.index_cast %add3A_807 : i32 to index
        %get3A_811 = tpu.vector_load %arg8[%get3A_809, %get3A_810] {strides = array<i32>} : memref<4x12800xf32, #tpu.memory_space<vmem>>, vector<16xf32>,
        %get3A_812 = arith.constant 0 : i32
        %get3A_813 = arith.constant 0 : i32
        %get3A_814 = arith.index_cast %get3A_812 : i32 to index
        %get3A_815 = arith.index_cast %get3A_813 : i32 to index
        %get3A_816 = arith.index_cast %scan3A_752 : i32 to index
        %get3A_817 = arith.constant 0 : index
        %get3A_818 = tpu.vector_load %arg7[%get3A_814, %get3A_815, %get3A_816, %get3A_817] {strides = array<i32>} : memref<2x4x200x64xbf16, #tpu.memory_space<vmem>>, vector<32xbf16>,
        %unpack3A = tpu.unpack_subelements %get3A_818, 0 {pack_format = #tpu.pack_format<interleaved>} : vector<32xbf16> -> vector<16xf32>
        %unpack3A_819 = tpu.unpack_subelements %get3A_818, 1 {pack_format = #tpu.pack_format<interleaved>} : vector<32xbf16> -> vector<16xf32>
        %mul3A_820 = arith.mulf %unpack3A, %get3A_775 : vector<16xf32>
        %add3A_821 = arith.addf %scan3A_753, %mul3A_820 : vector<16xf32>
        %mul3A_822 = arith.mulf %unpack3A_819, %get3A_793 : vector<16xf32>
        %add3A_823 = arith.addf %add3A_821, %mul3A_822 : vector<16xf32>
        %mul3A_824 = arith.mulf %unpack3A, %get3A_779 : vector<16xf32>
        %add3A_825 = arith.addf %scan3A_754, %mul3A_824 : vector<16xf32>
        %mul3A_826 = arith.mulf %unpack3A_819, %get3A_799 : vector<16xf32>
        %add3A_827 = arith.addf %add3A_825, %mul3A_826 : vector<16xf32>
        %mul3A_828 = arith.mulf %unpack3A, %get3A_783 : vector<16xf32>
        %add3A_829 = arith.addf %scan3A_755, %mul3A_828 : vector<16xf32>
        %mul3A_830 = arith.mulf %unpack3A_819, %get3A_805 : vector<16xf32>
        %add3A_831 = arith.addf %add3A_829, %mul3A_830 : vector<16xf32>
        %mul3A_832 = arith.mulf %unpack3A, %get3A_787 : vector<16xf32>
        %add3A_833 = arith.addf %scan3A_756, %mul3A_832 : vector<16xf32>
        %mul3A_834 = arith.mulf %unpack3A_819, %get3A_811 : vector<16xf32>
        %add3A_835 = arith.addf %add3A_833, %mul3A_834 : vector<16xf32>
        %get3A_836 = arith.constant 0 : i32
        %get3A_837 = arith.constant 1 : i32
        %get3A_838 = arith.index_cast %get3A_836 : i32 to index
        %get3A_839 = arith.index_cast %get3A_837 : i32 to index
        %get3A_840 = arith.index_cast %scan3A_752 : i32 to index
        %get3A_841 = arith.constant 0 : index
        %get3A_842 = tpu.vector_load %arg7[%get3A_838, %get3A_839, %get3A_840, %get3A_841] {strides = array<i32>} : memref<2x4x200x64xbf16, #tpu.memory_space<vmem>>, vector<32xbf16>,
        %unpack3A_843 = tpu.unpack_subelements %get3A_842, 0 {pack_format = #tpu.pack_format<interleaved>} : vector<32xbf16> -> vector<16xf32>
        %unpack3A_844 = tpu.unpack_subelements %get3A_842, 1 {pack_format = #tpu.pack_format<interleaved>} : vector<32xbf16> -> vector<16xf32>
        %mul3A_845 = arith.mulf %unpack3A_843, %get3A_775 : vector<16xf32>
        %add3A_846 = arith.addf %scan3A_757, %mul3A_845 : vector<16xf32>
        %mul3A_847 = arith.mulf %unpack3A_844, %get3A_793 : vector<16xf32>
        %add3A_848 = arith.addf %add3A_846, %mul3A_847 : vector<16xf32>
        %mul3A_849 = arith.mulf %unpack3A_843, %get3A_779 : vector<16xf32>
        %add3A_850 = arith.addf %scan3A_758, %mul3A_849 : vector<16xf32>
        %mul3A_851 = arith.mulf %unpack3A_844, %get3A_799 : vector<16xf32>
        %add3A_852 = arith.addf %add3A_850, %mul3A_851 : vector<16xf32>
        %mul3A_853 = arith.mulf %unpack3A_843, %get3A_783 : vector<16xf32>
        %add3A_854 = arith.addf %scan3A_759, %mul3A_853 : vector<16xf32>
        %mul3A_855 = arith.mulf %unpack3A_844, %get3A_805 : vector<16xf32>
        %add3A_856 = arith.addf %add3A_854, %mul3A_855 : vector<16xf32>
        %mul3A_857 = arith.mulf %unpack3A_843, %get3A_787 : vector<16xf32>
        %add3A_858 = arith.addf %scan3A_760, %mul3A_857 : vector<16xf32>
        %mul3A_859 = arith.mulf %unpack3A_844, %get3A_811 : vector<16xf32>
        %add3A_860 = arith.addf %add3A_858, %mul3A_859 : vector<16xf32>
        %get3A_861 = arith.constant 0 : i32
        %get3A_862 = arith.constant 2 : i32
        %get3A_863 = arith.index_cast %get3A_861 : i32 to index
        %get3A_864 = arith.index_cast %get3A_862 : i32 to index
        %get3A_865 = arith.index_cast %scan3A_752 : i32 to index
        %get3A_866 = arith.constant 0 : index
        %get3A_867 = tpu.vector_load %arg7[%get3A_863, %get3A_864, %get3A_865, %get3A_866] {strides = array<i32>} : memref<2x4x200x64xbf16, #tpu.memory_space<vmem>>, vector<32xbf16>,
        %unpack3A_868 = tpu.unpack_subelements %get3A_867, 0 {pack_format = #tpu.pack_format<interleaved>} : vector<32xbf16> -> vector<16xf32>
        %unpack3A_869 = tpu.unpack_subelements %get3A_867, 1 {pack_format = #tpu.pack_format<interleaved>} : vector<32xbf16> -> vector<16xf32>
        %mul3A_870 = arith.mulf %unpack3A_868, %get3A_775 : vector<16xf32>
        %add3A_871 = arith.addf %scan3A_761, %mul3A_870 : vector<16xf32>
        %mul3A_872 = arith.mulf %unpack3A_869, %get3A_793 : vector<16xf32>
        %add3A_873 = arith.addf %add3A_871, %mul3A_872 : vector<16xf32>
        %mul3A_874 = arith.mulf %unpack3A_868, %get3A_779 : vector<16xf32>
        %add3A_875 = arith.addf %scan3A_762, %mul3A_874 : vector<16xf32>
        %mul3A_876 = arith.mulf %unpack3A_869, %get3A_799 : vector<16xf32>
        %add3A_877 = arith.addf %add3A_875, %mul3A_876 : vector<16xf32>
        %mul3A_878 = arith.mulf %unpack3A_868, %get3A_783 : vector<16xf32>
        %add3A_879 = arith.addf %scan3A_763, %mul3A_878 : vector<16xf32>
        %mul3A_880 = arith.mulf %unpack3A_869, %get3A_805 : vector<16xf32>
        %add3A_881 = arith.addf %add3A_879, %mul3A_880 : vector<16xf32>
        %mul3A_882 = arith.mulf %unpack3A_868, %get3A_787 : vector<16xf32>
        %add3A_883 = arith.addf %scan3A_764, %mul3A_882 : vector<16xf32>
        %mul3A_884 = arith.mulf %unpack3A_869, %get3A_811 : vector<16xf32>
        %add3A_885 = arith.addf %add3A_883, %mul3A_884 : vector<16xf32>
        %get3A_886 = arith.constant 0 : i32
        %get3A_887 = arith.constant 3 : i32
        %get3A_888 = arith.index_cast %get3A_886 : i32 to index
        %get3A_889 = arith.index_cast %get3A_887 : i32 to index
        %get3A_890 = arith.index_cast %scan3A_752 : i32 to index
        %get3A_891 = arith.constant 0 : index
        %get3A_892 = tpu.vector_load %arg7[%get3A_888, %get3A_889, %get3A_890, %get3A_891] {strides = array<i32>} : memref<2x4x200x64xbf16, #tpu.memory_space<vmem>>, vector<32xbf16>,
        %unpack3A_893 = tpu.unpack_subelements %get3A_892, 0 {pack_format = #tpu.pack_format<interleaved>} : vector<32xbf16> -> vector<16xf32>
        %unpack3A_894 = tpu.unpack_subelements %get3A_892, 1 {pack_format = #tpu.pack_format<interleaved>} : vector<32xbf16> -> vector<16xf32>
        %mul3A_895 = arith.mulf %unpack3A_893, %get3A_775 : vector<16xf32>
        %add3A_896 = arith.addf %scan3A_765, %mul3A_895 : vector<16xf32>
        %mul3A_897 = arith.mulf %unpack3A_894, %get3A_793 : vector<16xf32>
        %add3A_898 = arith.addf %add3A_896, %mul3A_897 : vector<16xf32>
        %mul3A_899 = arith.mulf %unpack3A_893, %get3A_779 : vector<16xf32>
        %add3A_900 = arith.addf %scan3A_766, %mul3A_899 : vector<16xf32>
        %mul3A_901 = arith.mulf %unpack3A_894, %get3A_799 : vector<16xf32>
        %add3A_902 = arith.addf %add3A_900, %mul3A_901 : vector<16xf32>
        %mul3A_903 = arith.mulf %unpack3A_893, %get3A_783 : vector<16xf32>
        %add3A_904 = arith.addf %scan3A_767, %mul3A_903 : vector<16xf32>
        %mul3A_905 = arith.mulf %unpack3A_894, %get3A_805 : vector<16xf32>
        %add3A_906 = arith.addf %add3A_904, %mul3A_905 : vector<16xf32>
        %mul3A_907 = arith.mulf %unpack3A_893, %get3A_787 : vector<16xf32>
        %add3A_908 = arith.addf %scan3A_768, %mul3A_907 : vector<16xf32>
        %mul3A_909 = arith.mulf %unpack3A_894, %get3A_811 : vector<16xf32>
        %add3A_910 = arith.addf %add3A_908, %mul3A_909 : vector<16xf32>
        %add3A_911 = arith.constant 32 : i32
        %add3A_912 = arith.addi %mul3A_770, %add3A_911 : i32
        %get3A_913 = arith.constant 0 : i32
        %get3A_914 = arith.index_cast %get3A_913 : i32 to index
        %get3A_915 = arith.index_cast %add3A_912 : i32 to index
        %get3A_916 = tpu.vector_load %arg8[%get3A_914, %get3A_915] {strides = array<i32>} : memref<4x12800xf32, #tpu.memory_space<vmem>>, vector<16xf32>,
        %get3A_917 = arith.constant 1 : i32
        %get3A_918 = arith.index_cast %get3A_917 : i32 to index
        %get3A_919 = arith.index_cast %add3A_912 : i32 to index
        %get3A_920 = tpu.vector_load %arg8[%get3A_918, %get3A_919] {strides = array<i32>} : memref<4x12800xf32, #tpu.memory_space<vmem>>, vector<16xf32>,
        %get3A_921 = arith.constant 2 : i32
        %get3A_922 = arith.index_cast %get3A_921 : i32 to index
        %get3A_923 = arith.index_cast %add3A_912 : i32 to index
        %get3A_924 = tpu.vector_load %arg8[%get3A_922, %get3A_923] {strides = array<i32>} : memref<4x12800xf32, #tpu.memory_space<vmem>>, vector<16xf32>,
        %get3A_925 = arith.constant 3 : i32
        %get3A_926 = arith.index_cast %get3A_925 : i32 to index
        %get3A_927 = arith.index_cast %add3A_912 : i32 to index
        %get3A_928 = tpu.vector_load %arg8[%get3A_926, %get3A_927] {strides = array<i32>} : memref<4x12800xf32, #tpu.memory_space<vmem>>, vector<16xf32>,
        %add3A_929 = arith.constant 16 : i32
        %add3A_930 = arith.addi %add3A_912, %add3A_929 : i32
        %get3A_931 = arith.constant 0 : i32
        %get3A_932 = arith.index_cast %get3A_931 : i32 to index
        %get3A_933 = arith.index_cast %add3A_930 : i32 to index
        %get3A_934 = tpu.vector_load %arg8[%get3A_932, %get3A_933] {strides = array<i32>} : memref<4x12800xf32, #tpu.memory_space<vmem>>, vector<16xf32>,
        %add3A_935 = arith.constant 16 : i32
        %add3A_936 = arith.addi %add3A_912, %add3A_935 : i32
        %get3A_937 = arith.constant 1 : i32
        %get3A_938 = arith.index_cast %get3A_937 : i32 to index
        %get3A_939 = arith.index_cast %add3A_936 : i32 to index
        %get3A_940 = tpu.vector_load %arg8[%get3A_938, %get3A_939] {strides = array<i32>} : memref<4x12800xf32, #tpu.memory_space<vmem>>, vector<16xf32>,
        %add3A_941 = arith.constant 16 : i32
        %add3A_942 = arith.addi %add3A_912, %add3A_941 : i32
        %get3A_943 = arith.constant 2 : i32
        %get3A_944 = arith.index_cast %get3A_943 : i32 to index
        %get3A_945 = arith.index_cast %add3A_942 : i32 to index
        %get3A_946 = tpu.vector_load %arg8[%get3A_944, %get3A_945] {strides = array<i32>} : memref<4x12800xf32, #tpu.memory_space<vmem>>, vector<16xf32>,
        %add3A_947 = arith.constant 16 : i32
        %add3A_948 = arith.addi %add3A_912, %add3A_947 : i32
        %get3A_949 = arith.constant 3 : i32
        %get3A_950 = arith.index_cast %get3A_949 : i32 to index
        %get3A_951 = arith.index_cast %add3A_948 : i32 to index
        %get3A_952 = tpu.vector_load %arg8[%get3A_950, %get3A_951] {strides = array<i32>} : memref<4x12800xf32, #tpu.memory_space<vmem>>, vector<16xf32>,
        %get3A_953 = arith.constant 0 : i32
        %get3A_954 = arith.constant 0 : i32
        %get3A_955 = arith.index_cast %get3A_953 : i32 to index
        %get3A_956 = arith.index_cast %get3A_954 : i32 to index
        %get3A_957 = arith.index_cast %scan3A_752 : i32 to index
        %get3A_958 = arith.constant 32 : index
        %get3A_959 = tpu.vector_load %arg7[%get3A_955, %get3A_956, %get3A_957, %get3A_958] {strides = array<i32>} : memref<2x4x200x64xbf16, #tpu.memory_space<vmem>>, vector<32xbf16>,
        %unpack3A_960 = tpu.unpack_subelements %get3A_959, 0 {pack_format = #tpu.pack_format<interleaved>} : vector<32xbf16> -> vector<16xf32>
        %unpack3A_961 = tpu.unpack_subelements %get3A_959, 1 {pack_format = #tpu.pack_format<interleaved>} : vector<32xbf16> -> vector<16xf32>
        %mul3A_962 = arith.mulf %unpack3A_960, %get3A_916 : vector<16xf32>
        %add3A_963 = arith.addf %add3A_823, %mul3A_962 : vector<16xf32>
        %mul3A_964 = arith.mulf %unpack3A_961, %get3A_934 : vector<16xf32>
        %add3A_965 = arith.addf %add3A_963, %mul3A_964 : vector<16xf32>
        %mul3A_966 = arith.mulf %unpack3A_960, %get3A_920 : vector<16xf32>
        %add3A_967 = arith.addf %add3A_827, %mul3A_966 : vector<16xf32>
        %mul3A_968 = arith.mulf %unpack3A_961, %get3A_940 : vector<16xf32>
        %add3A_969 = arith.addf %add3A_967, %mul3A_968 : vector<16xf32>
        %mul3A_970 = arith.mulf %unpack3A_960, %get3A_924 : vector<16xf32>
        %add3A_971 = arith.addf %add3A_831, %mul3A_970 : vector<16xf32>
        %mul3A_972 = arith.mulf %unpack3A_961, %get3A_946 : vector<16xf32>
        %add3A_973 = arith.addf %add3A_971, %mul3A_972 : vector<16xf32>
        %mul3A_974 = arith.mulf %unpack3A_960, %get3A_928 : vector<16xf32>
        %add3A_975 = arith.addf %add3A_835, %mul3A_974 : vector<16xf32>
        %mul3A_976 = arith.mulf %unpack3A_961, %get3A_952 : vector<16xf32>
        %add3A_977 = arith.addf %add3A_975, %mul3A_976 : vector<16xf32>
        %get3A_978 = arith.constant 0 : i32
        %get3A_979 = arith.constant 1 : i32
        %get3A_980 = arith.index_cast %get3A_978 : i32 to index
        %get3A_981 = arith.index_cast %get3A_979 : i32 to index
        %get3A_982 = arith.index_cast %scan3A_752 : i32 to index
        %get3A_983 = arith.constant 32 : index
        %get3A_984 = tpu.vector_load %arg7[%get3A_980, %get3A_981, %get3A_982, %get3A_983] {strides = array<i32>} : memref<2x4x200x64xbf16, #tpu.memory_space<vmem>>, vector<32xbf16>,
        %unpack3A_985 = tpu.unpack_subelements %get3A_984, 0 {pack_format = #tpu.pack_format<interleaved>} : vector<32xbf16> -> vector<16xf32>
        %unpack3A_986 = tpu.unpack_subelements %get3A_984, 1 {pack_format = #tpu.pack_format<interleaved>} : vector<32xbf16> -> vector<16xf32>
        %mul3A_987 = arith.mulf %unpack3A_985, %get3A_916 : vector<16xf32>
        %add3A_988 = arith.addf %add3A_848, %mul3A_987 : vector<16xf32>
        %mul3A_989 = arith.mulf %unpack3A_986, %get3A_934 : vector<16xf32>
        %add3A_990 = arith.addf %add3A_988, %mul3A_989 : vector<16xf32>
        %mul3A_991 = arith.mulf %unpack3A_985, %get3A_920 : vector<16xf32>
        %add3A_992 = arith.addf %add3A_852, %mul3A_991 : vector<16xf32>
        %mul3A_993 = arith.mulf %unpack3A_986, %get3A_940 : vector<16xf32>
        %add3A_994 = arith.addf %add3A_992, %mul3A_993 : vector<16xf32>
        %mul3A_995 = arith.mulf %unpack3A_985, %get3A_924 : vector<16xf32>
        %add3A_996 = arith.addf %add3A_856, %mul3A_995 : vector<16xf32>
        %mul3A_997 = arith.mulf %unpack3A_986, %get3A_946 : vector<16xf32>
        %add3A_998 = arith.addf %add3A_996, %mul3A_997 : vector<16xf32>
        %mul3A_999 = arith.mulf %unpack3A_985, %get3A_928 : vector<16xf32>
        %add3A_1000 = arith.addf %add3A_860, %mul3A_999 : vector<16xf32>
        %mul3A_1001 = arith.mulf %unpack3A_986, %get3A_952 : vector<16xf32>
        %add3A_1002 = arith.addf %add3A_1000, %mul3A_1001 : vector<16xf32>
        %get3A_1003 = arith.constant 0 : i32
        %get3A_1004 = arith.constant 2 : i32
        %get3A_1005 = arith.index_cast %get3A_1003 : i32 to index
        %get3A_1006 = arith.index_cast %get3A_1004 : i32 to index
        %get3A_1007 = arith.index_cast %scan3A_752 : i32 to index
        %get3A_1008 = arith.constant 32 : index
        %get3A_1009 = tpu.vector_load %arg7[%get3A_1005, %get3A_1006, %get3A_1007, %get3A_1008] {strides = array<i32>} : memref<2x4x200x64xbf16, #tpu.memory_space<vmem>>, vector<32xbf16>,
        %unpack3A_1010 = tpu.unpack_subelements %get3A_1009, 0 {pack_format = #tpu.pack_format<interleaved>} : vector<32xbf16> -> vector<16xf32>
        %unpack3A_1011 = tpu.unpack_subelements %get3A_1009, 1 {pack_format = #tpu.pack_format<interleaved>} : vector<32xbf16> -> vector<16xf32>
        %mul3A_1012 = arith.mulf %unpack3A_1010, %get3A_916 : vector<16xf32>
        %add3A_1013 = arith.addf %add3A_873, %mul3A_1012 : vector<16xf32>
        %mul3A_1014 = arith.mulf %unpack3A_1011, %get3A_934 : vector<16xf32>
        %add3A_1015 = arith.addf %add3A_1013, %mul3A_1014 : vector<16xf32>
        %mul3A_1016 = arith.mulf %unpack3A_1010, %get3A_920 : vector<16xf32>
        %add3A_1017 = arith.addf %add3A_877, %mul3A_1016 : vector<16xf32>
        %mul3A_1018 = arith.mulf %unpack3A_1011, %get3A_940 : vector<16xf32>
        %add3A_1019 = arith.addf %add3A_1017, %mul3A_1018 : vector<16xf32>
        %mul3A_1020 = arith.mulf %unpack3A_1010, %get3A_924 : vector<16xf32>
        %add3A_1021 = arith.addf %add3A_881, %mul3A_1020 : vector<16xf32>
        %mul3A_1022 = arith.mulf %unpack3A_1011, %get3A_946 : vector<16xf32>
        %add3A_1023 = arith.addf %add3A_1021, %mul3A_1022 : vector<16xf32>
        %mul3A_1024 = arith.mulf %unpack3A_1010, %get3A_928 : vector<16xf32>
        %add3A_1025 = arith.addf %add3A_885, %mul3A_1024 : vector<16xf32>
        %mul3A_1026 = arith.mulf %unpack3A_1011, %get3A_952 : vector<16xf32>
        %add3A_1027 = arith.addf %add3A_1025, %mul3A_1026 : vector<16xf32>
        %get3A_1028 = arith.constant 0 : i32
        %get3A_1029 = arith.constant 3 : i32
        %get3A_1030 = arith.index_cast %get3A_1028 : i32 to index
        %get3A_1031 = arith.index_cast %get3A_1029 : i32 to index
        %get3A_1032 = arith.index_cast %scan3A_752 : i32 to index
        %get3A_1033 = arith.constant 32 : index
        %get3A_1034 = tpu.vector_load %arg7[%get3A_1030, %get3A_1031, %get3A_1032, %get3A_1033] {strides = array<i32>} : memref<2x4x200x64xbf16, #tpu.memory_space<vmem>>, vector<32xbf16>,
        %unpack3A_1035 = tpu.unpack_subelements %get3A_1034, 0 {pack_format = #tpu.pack_format<interleaved>} : vector<32xbf16> -> vector<16xf32>
        %unpack3A_1036 = tpu.unpack_subelements %get3A_1034, 1 {pack_format = #tpu.pack_format<interleaved>} : vector<32xbf16> -> vector<16xf32>
        %mul3A_1037 = arith.mulf %unpack3A_1035, %get3A_916 : vector<16xf32>
        %add3A_1038 = arith.addf %add3A_898, %mul3A_1037 : vector<16xf32>
        %mul3A_1039 = arith.mulf %unpack3A_1036, %get3A_934 : vector<16xf32>
        %add3A_1040 = arith.addf %add3A_1038, %mul3A_1039 : vector<16xf32>
        %mul3A_1041 = arith.mulf %unpack3A_1035, %get3A_920 : vector<16xf32>
        %add3A_1042 = arith.addf %add3A_902, %mul3A_1041 : vector<16xf32>
        %mul3A_1043 = arith.mulf %unpack3A_1036, %get3A_940 : vector<16xf32>
        %add3A_1044 = arith.addf %add3A_1042, %mul3A_1043 : vector<16xf32>
        %mul3A_1045 = arith.mulf %unpack3A_1035, %get3A_924 : vector<16xf32>
        %add3A_1046 = arith.addf %add3A_906, %mul3A_1045 : vector<16xf32>
        %mul3A_1047 = arith.mulf %unpack3A_1036, %get3A_946 : vector<16xf32>
        %add3A_1048 = arith.addf %add3A_1046, %mul3A_1047 : vector<16xf32>
        %mul3A_1049 = arith.mulf %unpack3A_1035, %get3A_928 : vector<16xf32>
        %add3A_1050 = arith.addf %add3A_910, %mul3A_1049 : vector<16xf32>
        %mul3A_1051 = arith.mulf %unpack3A_1036, %get3A_952 : vector<16xf32>
        %add3A_1052 = arith.addf %add3A_1050, %mul3A_1051 : vector<16xf32>
        scf.yield %add3A_965, %add3A_969, %add3A_973, %add3A_977, %add3A_990, %add3A_994, %add3A_998, %add3A_1002, %add3A_1015, %add3A_1019, %add3A_1023, %add3A_1027, %add3A_1040, %add3A_1044, %add3A_1048, %add3A_1052 : vector<16xf32>, vector<16xf32>, vector<16xf32>, vector<16xf32>, vector<16xf32>, vector<16xf32>, vector<16xf32>, vector<16xf32>, vector<16xf32>, vector<16xf32>, vector<16xf32>, vector<16xf32>, vector<16xf32>, vector<16xf32>, vector<16xf32>, vector<16xf32>
      }
      %scan3A_373 = arith.constant 200 : i32
      %ge3A = arith.constant 2 : i32
      %ge3A_374 = arith.cmpi sge, %add3A_235, %ge3A : i32
      %convert_element_type3A_375 = arith.extui %ge3A_374 : i1 to i32
      %cond3A_376 = arith.constant 0 : i32
      %cond3A_377 = arith.cmpi ne, %convert_element_type3A_375, %cond3A_376 : i32
      scf.if %cond3A_377 {
        %sub3A = arith.constant 2 : i32
        %sub3A_752 = arith.subi %add3A_235, %sub3A : i32
        %mul3A_753 = arith.constant 4 : i32
        %mul3A_754 = arith.muli %sub3A_752, %mul3A_753 : i32
        %add3A_755 = arith.addi %mul3A_2, %mul3A_754 : i32
        %dma_wait3A_756 = arith.constant 0 : i32
        %dma_wait3A_757 = arith.constant 0 : i32
        %dma_wait3A_758 = arith.constant 0 : i32
        %dma_wait3A_759 = tpu.memref_slice %arg9[%dma_wait3A_756, %dma_wait3A_757, %dma_wait3A_758] : memref<2x4x64xf32, #tpu.memory_space<vmem>> -> memref<1x4x64xf32, #tpu.memory_space<vmem>>
        %dma_wait3A_760 = tpu.memref_squeeze %dma_wait3A_759 : memref<1x4x64xf32, #tpu.memory_space<vmem>> -> memref<4x64xf32, #tpu.memory_space<vmem>>
        %dma_wait3A_761 = arith.constant 0 : i32
        %dma_wait3A_762 = tpu.memref_slice %arg5[%add3A_755, %dma_wait3A_761] : memref<4096x64xf32, #tpu.memory_space<hbm>> -> memref<4x64xf32, #tpu.memory_space<hbm>>
        %dma_wait3A_763 = arith.constant 0 : i32
        %dma_wait3A_764 = tpu.memref_slice %arg5[%add3A_755, %dma_wait3A_763] : memref<4096x64xf32, #tpu.memory_space<hbm>> -> memref<4x64xf32, #tpu.memory_space<hbm>>
        %dma_wait3A_765 = arith.constant 0 : i32
        %dma_wait3A_766 = arith.constant 0 : i32
        %dma_wait3A_767 = tpu.memref_slice %arg9[%dma_wait3A_756, %dma_wait3A_765, %dma_wait3A_766] : memref<2x4x64xf32, #tpu.memory_space<vmem>> -> memref<1x4x64xf32, #tpu.memory_space<vmem>>
        %dma_wait3A_768 = tpu.memref_squeeze %dma_wait3A_767 : memref<1x4x64xf32, #tpu.memory_space<vmem>> -> memref<4x64xf32, #tpu.memory_space<vmem>>
        tpu.wait_dma2 semaphore(%arg13 : memref<!tpu.dma_semaphore, #tpu.memory_space<semaphore_mem>>) src(%dma_wait3A_768 : memref<4x64xf32, #tpu.memory_space<vmem>>) dst(%dma_wait3A_764 : memref<4x64xf32, #tpu.memory_space<hbm>>)
      } else {
      }
      %swap3A = arith.constant 0 : i32
      %swap3A_378 = arith.constant 0 : i32
      %swap3A_379 = arith.index_cast %swap3A : i32 to index
      %swap3A_380 = arith.index_cast %swap3A_378 : i32 to index
      %swap3A_381 = arith.constant 0 : index
      %swap3A_382 = tpu.vector_load %arg9[%swap3A_379, %swap3A_380, %swap3A_381] {strides = array<i32>} : memref<2x4x64xf32, #tpu.memory_space<vmem>>, vector<16xf32>,
      tpu.vector_store %arg9[%swap3A_379, %swap3A_380, %swap3A_381], %scan3A_372#0 {strides = array<i32>} : memref<2x4x64xf32, #tpu.memory_space<vmem>>, vector<16xf32>,
      %swap3A_383 = arith.constant 0 : i32
      %swap3A_384 = arith.constant 0 : i32
      %swap3A_385 = arith.index_cast %swap3A_383 : i32 to index
      %swap3A_386 = arith.index_cast %swap3A_384 : i32 to index
      %swap3A_387 = arith.constant 16 : index
      %swap3A_388 = tpu.vector_load %arg9[%swap3A_385, %swap3A_386, %swap3A_387] {strides = array<i32>} : memref<2x4x64xf32, #tpu.memory_space<vmem>>, vector<16xf32>,
      tpu.vector_store %arg9[%swap3A_385, %swap3A_386, %swap3A_387], %scan3A_372#1 {strides = array<i32>} : memref<2x4x64xf32, #tpu.memory_space<vmem>>, vector<16xf32>,
      %swap3A_389 = arith.constant 0 : i32
      %swap3A_390 = arith.constant 0 : i32
      %swap3A_391 = arith.index_cast %swap3A_389 : i32 to index
      %swap3A_392 = arith.index_cast %swap3A_390 : i32 to index
      %swap3A_393 = arith.constant 32 : index
      %swap3A_394 = tpu.vector_load %arg9[%swap3A_391, %swap3A_392, %swap3A_393] {strides = array<i32>} : memref<2x4x64xf32, #tpu.memory_space<vmem>>, vector<16xf32>,
      tpu.vector_store %arg9[%swap3A_391, %swap3A_392, %swap3A_393], %scan3A_372#2 {strides = array<i32>} : memref<2x4x64xf32, #tpu.memory_space<vmem>>, vector<16xf32>,
      %swap3A_395 = arith.constant 0 : i32
      %swap3A_396 = arith.constant 0 : i32
      %swap3A_397 = arith.index_cast %swap3A_395 : i32 to index
      %swap3A_398 = arith.index_cast %swap3A_396 : i32 to index
      %swap3A_399 = arith.constant 48 : index
      %swap3A_400 = tpu.vector_load %arg9[%swap3A_397, %swap3A_398, %swap3A_399] {strides = array<i32>} : memref<2x4x64xf32, #tpu.memory_space<vmem>>, vector<16xf32>,
      tpu.vector_store %arg9[%swap3A_397, %swap3A_398, %swap3A_399], %scan3A_372#3 {strides = array<i32>} : memref<2x4x64xf32, #tpu.memory_space<vmem>>, vector<16xf32>,
      %swap3A_401 = arith.constant 0 : i32
      %swap3A_402 = arith.constant 1 : i32
      %swap3A_403 = arith.index_cast %swap3A_401 : i32 to index
      %swap3A_404 = arith.index_cast %swap3A_402 : i32 to index
      %swap3A_405 = arith.constant 0 : index
      %swap3A_406 = tpu.vector_load %arg9[%swap3A_403, %swap3A_404, %swap3A_405] {strides = array<i32>} : memref<2x4x64xf32, #tpu.memory_space<vmem>>, vector<16xf32>,
      tpu.vector_store %arg9[%swap3A_403, %swap3A_404, %swap3A_405], %scan3A_372#4 {strides = array<i32>} : memref<2x4x64xf32, #tpu.memory_space<vmem>>, vector<16xf32>,
      %swap3A_407 = arith.constant 0 : i32
      %swap3A_408 = arith.constant 1 : i32
      %swap3A_409 = arith.index_cast %swap3A_407 : i32 to index
      %swap3A_410 = arith.index_cast %swap3A_408 : i32 to index
      %swap3A_411 = arith.constant 16 : index
      %swap3A_412 = tpu.vector_load %arg9[%swap3A_409, %swap3A_410, %swap3A_411] {strides = array<i32>} : memref<2x4x64xf32, #tpu.memory_space<vmem>>, vector<16xf32>,
      tpu.vector_store %arg9[%swap3A_409, %swap3A_410, %swap3A_411], %scan3A_372#5 {strides = array<i32>} : memref<2x4x64xf32, #tpu.memory_space<vmem>>, vector<16xf32>,
      %swap3A_413 = arith.constant 0 : i32
      %swap3A_414 = arith.constant 1 : i32
      %swap3A_415 = arith.index_cast %swap3A_413 : i32 to index
      %swap3A_416 = arith.index_cast %swap3A_414 : i32 to index
      %swap3A_417 = arith.constant 32 : index
      %swap3A_418 = tpu.vector_load %arg9[%swap3A_415, %swap3A_416, %swap3A_417] {strides = array<i32>} : memref<2x4x64xf32, #tpu.memory_space<vmem>>, vector<16xf32>,
      tpu.vector_store %arg9[%swap3A_415, %swap3A_416, %swap3A_417], %scan3A_372#6 {strides = array<i32>} : memref<2x4x64xf32, #tpu.memory_space<vmem>>, vector<16xf32>,
      %swap3A_419 = arith.constant 0 : i32
      %swap3A_420 = arith.constant 1 : i32
      %swap3A_421 = arith.index_cast %swap3A_419 : i32 to index
      %swap3A_422 = arith.index_cast %swap3A_420 : i32 to index
      %swap3A_423 = arith.constant 48 : index
      %swap3A_424 = tpu.vector_load %arg9[%swap3A_421, %swap3A_422, %swap3A_423] {strides = array<i32>} : memref<2x4x64xf32, #tpu.memory_space<vmem>>, vector<16xf32>,
      tpu.vector_store %arg9[%swap3A_421, %swap3A_422, %swap3A_423], %scan3A_372#7 {strides = array<i32>} : memref<2x4x64xf32, #tpu.memory_space<vmem>>, vector<16xf32>,
      %swap3A_425 = arith.constant 0 : i32
      %swap3A_426 = arith.constant 2 : i32
      %swap3A_427 = arith.index_cast %swap3A_425 : i32 to index
      %swap3A_428 = arith.index_cast %swap3A_426 : i32 to index
      %swap3A_429 = arith.constant 0 : index
      %swap3A_430 = tpu.vector_load %arg9[%swap3A_427, %swap3A_428, %swap3A_429] {strides = array<i32>} : memref<2x4x64xf32, #tpu.memory_space<vmem>>, vector<16xf32>,
      tpu.vector_store %arg9[%swap3A_427, %swap3A_428, %swap3A_429], %scan3A_372#8 {strides = array<i32>} : memref<2x4x64xf32, #tpu.memory_space<vmem>>, vector<16xf32>,
      %swap3A_431 = arith.constant 0 : i32
      %swap3A_432 = arith.constant 2 : i32
      %swap3A_433 = arith.index_cast %swap3A_431 : i32 to index
      %swap3A_434 = arith.index_cast %swap3A_432 : i32 to index
      %swap3A_435 = arith.constant 16 : index
      %swap3A_436 = tpu.vector_load %arg9[%swap3A_433, %swap3A_434, %swap3A_435] {strides = array<i32>} : memref<2x4x64xf32, #tpu.memory_space<vmem>>, vector<16xf32>,
      tpu.vector_store %arg9[%swap3A_433, %swap3A_434, %swap3A_435], %scan3A_372#9 {strides = array<i32>} : memref<2x4x64xf32, #tpu.memory_space<vmem>>, vector<16xf32>,
      %swap3A_437 = arith.constant 0 : i32
      %swap3A_438 = arith.constant 2 : i32
      %swap3A_439 = arith.index_cast %swap3A_437 : i32 to index
      %swap3A_440 = arith.index_cast %swap3A_438 : i32 to index
      %swap3A_441 = arith.constant 32 : index
      %swap3A_442 = tpu.vector_load %arg9[%swap3A_439, %swap3A_440, %swap3A_441] {strides = array<i32>} : memref<2x4x64xf32, #tpu.memory_space<vmem>>, vector<16xf32>,
      tpu.vector_store %arg9[%swap3A_439, %swap3A_440, %swap3A_441], %scan3A_372#10 {strides = array<i32>} : memref<2x4x64xf32, #tpu.memory_space<vmem>>, vector<16xf32>,
      %swap3A_443 = arith.constant 0 : i32
      %swap3A_444 = arith.constant 2 : i32
      %swap3A_445 = arith.index_cast %swap3A_443 : i32 to index
      %swap3A_446 = arith.index_cast %swap3A_444 : i32 to index
      %swap3A_447 = arith.constant 48 : index
      %swap3A_448 = tpu.vector_load %arg9[%swap3A_445, %swap3A_446, %swap3A_447] {strides = array<i32>} : memref<2x4x64xf32, #tpu.memory_space<vmem>>, vector<16xf32>,
      tpu.vector_store %arg9[%swap3A_445, %swap3A_446, %swap3A_447], %scan3A_372#11 {strides = array<i32>} : memref<2x4x64xf32, #tpu.memory_space<vmem>>, vector<16xf32>,
      %swap3A_449 = arith.constant 0 : i32
      %swap3A_450 = arith.constant 3 : i32
      %swap3A_451 = arith.index_cast %swap3A_449 : i32 to index
      %swap3A_452 = arith.index_cast %swap3A_450 : i32 to index
      %swap3A_453 = arith.constant 0 : index
      %swap3A_454 = tpu.vector_load %arg9[%swap3A_451, %swap3A_452, %swap3A_453] {strides = array<i32>} : memref<2x4x64xf32, #tpu.memory_space<vmem>>, vector<16xf32>,
      tpu.vector_store %arg9[%swap3A_451, %swap3A_452, %swap3A_453], %scan3A_372#12 {strides = array<i32>} : memref<2x4x64xf32, #tpu.memory_space<vmem>>, vector<16xf32>,
      %swap3A_455 = arith.constant 0 : i32
      %swap3A_456 = arith.constant 3 : i32
      %swap3A_457 = arith.index_cast %swap3A_455 : i32 to index
      %swap3A_458 = arith.index_cast %swap3A_456 : i32 to index
      %swap3A_459 = arith.constant 16 : index
      %swap3A_460 = tpu.vector_load %arg9[%swap3A_457, %swap3A_458, %swap3A_459] {strides = array<i32>} : memref<2x4x64xf32, #tpu.memory_space<vmem>>, vector<16xf32>,
      tpu.vector_store %arg9[%swap3A_457, %swap3A_458, %swap3A_459], %scan3A_372#13 {strides = array<i32>} : memref<2x4x64xf32, #tpu.memory_space<vmem>>, vector<16xf32>,
      %swap3A_461 = arith.constant 0 : i32
      %swap3A_462 = arith.constant 3 : i32
      %swap3A_463 = arith.index_cast %swap3A_461 : i32 to index
      %swap3A_464 = arith.index_cast %swap3A_462 : i32 to index
      %swap3A_465 = arith.constant 32 : index
      %swap3A_466 = tpu.vector_load %arg9[%swap3A_463, %swap3A_464, %swap3A_465] {strides = array<i32>} : memref<2x4x64xf32, #tpu.memory_space<vmem>>, vector<16xf32>,
      tpu.vector_store %arg9[%swap3A_463, %swap3A_464, %swap3A_465], %scan3A_372#14 {strides = array<i32>} : memref<2x4x64xf32, #tpu.memory_space<vmem>>, vector<16xf32>,
      %swap3A_467 = arith.constant 0 : i32
      %swap3A_468 = arith.constant 3 : i32
      %swap3A_469 = arith.index_cast %swap3A_467 : i32 to index
      %swap3A_470 = arith.index_cast %swap3A_468 : i32 to index
      %swap3A_471 = arith.constant 48 : index
      %swap3A_472 = tpu.vector_load %arg9[%swap3A_469, %swap3A_470, %swap3A_471] {strides = array<i32>} : memref<2x4x64xf32, #tpu.memory_space<vmem>>, vector<16xf32>,
      tpu.vector_store %arg9[%swap3A_469, %swap3A_470, %swap3A_471], %scan3A_372#15 {strides = array<i32>} : memref<2x4x64xf32, #tpu.memory_space<vmem>>, vector<16xf32>,
      %mul3A_473 = arith.constant 4 : i32
      %mul3A_474 = arith.muli %add3A_235, %mul3A_473 : i32
      %add3A_475 = arith.addi %mul3A_2, %mul3A_474 : i32
      %dma_start3A_476 = arith.constant 0 : i32
      %dma_start3A_477 = arith.constant 0 : i32
      %dma_start3A_478 = arith.constant 0 : i32
      %dma_start3A_479 = tpu.memref_slice %arg9[%dma_start3A_476, %dma_start3A_477, %dma_start3A_478] : memref<2x4x64xf32, #tpu.memory_space<vmem>> -> memref<1x4x64xf32, #tpu.memory_space<vmem>>
      %dma_start3A_480 = tpu.memref_squeeze %dma_start3A_479 : memref<1x4x64xf32, #tpu.memory_space<vmem>> -> memref<4x64xf32, #tpu.memory_space<vmem>>
      %dma_start3A_481 = arith.constant 0 : i32
      %dma_start3A_482 = tpu.memref_slice %arg5[%add3A_475, %dma_start3A_481] : memref<4096x64xf32, #tpu.memory_space<hbm>> -> memref<4x64xf32, #tpu.memory_space<hbm>>
      %dma_start3A_483 = arith.constant 0 : i32
      %dma_start3A_484 = tpu.memref_slice %arg5[%add3A_475, %dma_start3A_483] : memref<4096x64xf32, #tpu.memory_space<hbm>> -> memref<4x64xf32, #tpu.memory_space<hbm>>
      %dma_start3A_485 = arith.constant 0 : i32
      %dma_start3A_486 = arith.constant 0 : i32
      %dma_start3A_487 = tpu.memref_slice %arg9[%dma_start3A_476, %dma_start3A_485, %dma_start3A_486] : memref<2x4x64xf32, #tpu.memory_space<vmem>> -> memref<1x4x64xf32, #tpu.memory_space<vmem>>
      %dma_start3A_488 = tpu.memref_squeeze %dma_start3A_487 : memref<1x4x64xf32, #tpu.memory_space<vmem>> -> memref<4x64xf32, #tpu.memory_space<vmem>>
      tpu.enqueue_dma source(%dma_start3A_488 : memref<4x64xf32, #tpu.memory_space<vmem>>) target(%dma_start3A_484 : memref<4x64xf32, #tpu.memory_space<hbm>>) target_semaphore(%arg13 : memref<!tpu.dma_semaphore, #tpu.memory_space<semaphore_mem>>)
      %mul3A_489 = arith.constant 2 : i32
      %mul3A_490 = arith.muli %mul3A_489, %scan3A_231 : i32
      %add3A_491 = arith.constant 1 : i32
      %add3A_492 = arith.addi %mul3A_490, %add3A_491 : i32
      %dma_wait3A_493 = arith.constant 1 : i32
      %dma_wait3A_494 = arith.constant 0 : i32
      %dma_wait3A_495 = arith.constant 0 : i32
      %dma_wait3A_496 = arith.constant 1 : i32
      %dma_wait3A_497 = arith.constant 0 : i32
      %dma_wait3A_498 = arith.constant 0 : i32
      %dma_wait3A_499 = arith.constant 0 : i32
      %dma_wait3A_500 = tpu.memref_slice %arg7[%dma_wait3A_496, %dma_wait3A_497, %dma_wait3A_498, %dma_wait3A_499] : memref<2x4x200x64xbf16, #tpu.memory_space<vmem>> -> memref<1x1x100x64xbf16, #tpu.memory_space<vmem>>
      %dma_wait3A_501 = tpu.memref_squeeze %dma_wait3A_500 : memref<1x1x100x64xbf16, #tpu.memory_space<vmem>> -> memref<100x64xbf16, #tpu.memory_space<vmem>>
      %dma_wait3A_502 = arith.constant 0 : i32
      %dma_wait3A_503 = tpu.memref_slice %arg6[%dma_wait3A_493, %dma_wait3A_494, %dma_wait3A_495, %dma_wait3A_502] : memref<2x4x2x100xi32, #tpu.memory_space<vmem>> -> memref<1x1x1x100xi32, #tpu.memory_space<vmem>>
      %dma_wait3A_504 = tpu.memref_squeeze %dma_wait3A_503 : memref<1x1x1x100xi32, #tpu.memory_space<vmem>> -> memref<100xi32, #tpu.memory_space<vmem>>
      %dma_wait3A_505 = arith.constant 0 : i32
      %dma_wait3A_506 = arith.constant 0 : i32
      %dma_wait3A_507 = tpu.memref_slice %arg3[%dma_wait3A_505, %dma_wait3A_506] : memref<100000x64xbf16, #tpu.memory_space<hbm>> -> memref<100000x64xbf16, #tpu.memory_space<hbm>>
      tpu.wait_indirect_dma semaphore(%arg11 : memref<!tpu.dma_semaphore, #tpu.memory_space<semaphore_mem>>) src(%dma_wait3A_507 : memref<100000x64xbf16, #tpu.memory_space<hbm>>) dst(%dma_wait3A_501 : memref<100x64xbf16, #tpu.memory_space<vmem>>)
      %dma_wait3A_508 = arith.constant 1 : i32
      %dma_wait3A_509 = arith.constant 0 : i32
      %dma_wait3A_510 = arith.constant 1 : i32
      %dma_wait3A_511 = arith.constant 1 : i32
      %dma_wait3A_512 = arith.constant 0 : i32
      %dma_wait3A_513 = arith.constant 100 : i32
      %dma_wait3A_514 = arith.constant 0 : i32
      %dma_wait3A_515 = tpu.memref_slice %arg7[%dma_wait3A_511, %dma_wait3A_512, %dma_wait3A_513, %dma_wait3A_514] : memref<2x4x200x64xbf16, #tpu.memory_space<vmem>> -> memref<1x1x100x64xbf16, #tpu.memory_space<vmem>>
      %dma_wait3A_516 = tpu.memref_squeeze %dma_wait3A_515 : memref<1x1x100x64xbf16, #tpu.memory_space<vmem>> -> memref<100x64xbf16, #tpu.memory_space<vmem>>
      %dma_wait3A_517 = arith.constant 0 : i32
      %dma_wait3A_518 = tpu.memref_slice %arg6[%dma_wait3A_508, %dma_wait3A_509, %dma_wait3A_510, %dma_wait3A_517] : memref<2x4x2x100xi32, #tpu.memory_space<vmem>> -> memref<1x1x1x100xi32, #tpu.memory_space<vmem>>
      %dma_wait3A_519 = tpu.memref_squeeze %dma_wait3A_518 : memref<1x1x1x100xi32, #tpu.memory_space<vmem>> -> memref<100xi32, #tpu.memory_space<vmem>>
      %dma_wait3A_520 = arith.constant 0 : i32
      %dma_wait3A_521 = arith.constant 0 : i32
      %dma_wait3A_522 = tpu.memref_slice %arg3[%dma_wait3A_520, %dma_wait3A_521] : memref<100000x64xbf16, #tpu.memory_space<hbm>> -> memref<100000x64xbf16, #tpu.memory_space<hbm>>
      tpu.wait_indirect_dma semaphore(%arg11 : memref<!tpu.dma_semaphore, #tpu.memory_space<semaphore_mem>>) src(%dma_wait3A_522 : memref<100000x64xbf16, #tpu.memory_space<hbm>>) dst(%dma_wait3A_516 : memref<100x64xbf16, #tpu.memory_space<vmem>>)
      %dma_wait3A_523 = arith.constant 1 : i32
      %dma_wait3A_524 = arith.constant 1 : i32
      %dma_wait3A_525 = arith.constant 0 : i32
      %dma_wait3A_526 = arith.constant 1 : i32
      %dma_wait3A_527 = arith.constant 1 : i32
      %dma_wait3A_528 = arith.constant 0 : i32
      %dma_wait3A_529 = arith.constant 0 : i32
      %dma_wait3A_530 = tpu.memref_slice %arg7[%dma_wait3A_526, %dma_wait3A_527, %dma_wait3A_528, %dma_wait3A_529] : memref<2x4x200x64xbf16, #tpu.memory_space<vmem>> -> memref<1x1x100x64xbf16, #tpu.memory_space<vmem>>
      %dma_wait3A_531 = tpu.memref_squeeze %dma_wait3A_530 : memref<1x1x100x64xbf16, #tpu.memory_space<vmem>> -> memref<100x64xbf16, #tpu.memory_space<vmem>>
      %dma_wait3A_532 = arith.constant 0 : i32
      %dma_wait3A_533 = tpu.memref_slice %arg6[%dma_wait3A_523, %dma_wait3A_524, %dma_wait3A_525, %dma_wait3A_532] : memref<2x4x2x100xi32, #tpu.memory_space<vmem>> -> memref<1x1x1x100xi32, #tpu.memory_space<vmem>>
      %dma_wait3A_534 = tpu.memref_squeeze %dma_wait3A_533 : memref<1x1x1x100xi32, #tpu.memory_space<vmem>> -> memref<100xi32, #tpu.memory_space<vmem>>
      %dma_wait3A_535 = arith.constant 0 : i32
      %dma_wait3A_536 = arith.constant 0 : i32
      %dma_wait3A_537 = tpu.memref_slice %arg3[%dma_wait3A_535, %dma_wait3A_536] : memref<100000x64xbf16, #tpu.memory_space<hbm>> -> memref<100000x64xbf16, #tpu.memory_space<hbm>>
      tpu.wait_indirect_dma semaphore(%arg11 : memref<!tpu.dma_semaphore, #tpu.memory_space<semaphore_mem>>) src(%dma_wait3A_537 : memref<100000x64xbf16, #tpu.memory_space<hbm>>) dst(%dma_wait3A_531 : memref<100x64xbf16, #tpu.memory_space<vmem>>)
      %dma_wait3A_538 = arith.constant 1 : i32
      %dma_wait3A_539 = arith.constant 1 : i32
      %dma_wait3A_540 = arith.constant 1 : i32
      %dma_wait3A_541 = arith.constant 1 : i32
      %dma_wait3A_542 = arith.constant 1 : i32
      %dma_wait3A_543 = arith.constant 100 : i32
      %dma_wait3A_544 = arith.constant 0 : i32
      %dma_wait3A_545 = tpu.memref_slice %arg7[%dma_wait3A_541, %dma_wait3A_542, %dma_wait3A_543, %dma_wait3A_544] : memref<2x4x200x64xbf16, #tpu.memory_space<vmem>> -> memref<1x1x100x64xbf16, #tpu.memory_space<vmem>>
      %dma_wait3A_546 = tpu.memref_squeeze %dma_wait3A_545 : memref<1x1x100x64xbf16, #tpu.memory_space<vmem>> -> memref<100x64xbf16, #tpu.memory_space<vmem>>
      %dma_wait3A_547 = arith.constant 0 : i32
      %dma_wait3A_548 = tpu.memref_slice %arg6[%dma_wait3A_538, %dma_wait3A_539, %dma_wait3A_540, %dma_wait3A_547] : memref<2x4x2x100xi32, #tpu.memory_space<vmem>> -> memref<1x1x1x100xi32, #tpu.memory_space<vmem>>
      %dma_wait3A_549 = tpu.memref_squeeze %dma_wait3A_548 : memref<1x1x1x100xi32, #tpu.memory_space<vmem>> -> memref<100xi32, #tpu.memory_space<vmem>>
      %dma_wait3A_550 = arith.constant 0 : i32
      %dma_wait3A_551 = arith.constant 0 : i32
      %dma_wait3A_552 = tpu.memref_slice %arg3[%dma_wait3A_550, %dma_wait3A_551] : memref<100000x64xbf16, #tpu.memory_space<hbm>> -> memref<100000x64xbf16, #tpu.memory_space<hbm>>
      tpu.wait_indirect_dma semaphore(%arg11 : memref<!tpu.dma_semaphore, #tpu.memory_space<semaphore_mem>>) src(%dma_wait3A_552 : memref<100000x64xbf16, #tpu.memory_space<hbm>>) dst(%dma_wait3A_546 : memref<100x64xbf16, #tpu.memory_space<vmem>>)
      %dma_wait3A_553 = arith.constant 1 : i32
      %dma_wait3A_554 = arith.constant 2 : i32
      %dma_wait3A_555 = arith.constant 0 : i32
      %dma_wait3A_556 = arith.constant 1 : i32
      %dma_wait3A_557 = arith.constant 2 : i32
      %dma_wait3A_558 = arith.constant 0 : i32
      %dma_wait3A_559 = arith.constant 0 : i32
      %dma_wait3A_560 = tpu.memref_slice %arg7[%dma_wait3A_556, %dma_wait3A_557, %dma_wait3A_558, %dma_wait3A_559] : memref<2x4x200x64xbf16, #tpu.memory_space<vmem>> -> memref<1x1x100x64xbf16, #tpu.memory_space<vmem>>
      %dma_wait3A_561 = tpu.memref_squeeze %dma_wait3A_560 : memref<1x1x100x64xbf16, #tpu.memory_space<vmem>> -> memref<100x64xbf16, #tpu.memory_space<vmem>>
      %dma_wait3A_562 = arith.constant 0 : i32
      %dma_wait3A_563 = tpu.memref_slice %arg6[%dma_wait3A_553, %dma_wait3A_554, %dma_wait3A_555, %dma_wait3A_562] : memref<2x4x2x100xi32, #tpu.memory_space<vmem>> -> memref<1x1x1x100xi32, #tpu.memory_space<vmem>>
      %dma_wait3A_564 = tpu.memref_squeeze %dma_wait3A_563 : memref<1x1x1x100xi32, #tpu.memory_space<vmem>> -> memref<100xi32, #tpu.memory_space<vmem>>
      %dma_wait3A_565 = arith.constant 0 : i32
      %dma_wait3A_566 = arith.constant 0 : i32
      %dma_wait3A_567 = tpu.memref_slice %arg3[%dma_wait3A_565, %dma_wait3A_566] : memref<100000x64xbf16, #tpu.memory_space<hbm>> -> memref<100000x64xbf16, #tpu.memory_space<hbm>>
      tpu.wait_indirect_dma semaphore(%arg11 : memref<!tpu.dma_semaphore, #tpu.memory_space<semaphore_mem>>) src(%dma_wait3A_567 : memref<100000x64xbf16, #tpu.memory_space<hbm>>) dst(%dma_wait3A_561 : memref<100x64xbf16, #tpu.memory_space<vmem>>)
      %dma_wait3A_568 = arith.constant 1 : i32
      %dma_wait3A_569 = arith.constant 2 : i32
      %dma_wait3A_570 = arith.constant 1 : i32
      %dma_wait3A_571 = arith.constant 1 : i32
      %dma_wait3A_572 = arith.constant 2 : i32
      %dma_wait3A_573 = arith.constant 100 : i32
      %dma_wait3A_574 = arith.constant 0 : i32
      %dma_wait3A_575 = tpu.memref_slice %arg7[%dma_wait3A_571, %dma_wait3A_572, %dma_wait3A_573, %dma_wait3A_574] : memref<2x4x200x64xbf16, #tpu.memory_space<vmem>> -> memref<1x1x100x64xbf16, #tpu.memory_space<vmem>>
      %dma_wait3A_576 = tpu.memref_squeeze %dma_wait3A_575 : memref<1x1x100x64xbf16, #tpu.memory_space<vmem>> -> memref<100x64xbf16, #tpu.memory_space<vmem>>
      %dma_wait3A_577 = arith.constant 0 : i32
      %dma_wait3A_578 = tpu.memref_slice %arg6[%dma_wait3A_568, %dma_wait3A_569, %dma_wait3A_570, %dma_wait3A_577] : memref<2x4x2x100xi32, #tpu.memory_space<vmem>> -> memref<1x1x1x100xi32, #tpu.memory_space<vmem>>
      %dma_wait3A_579 = tpu.memref_squeeze %dma_wait3A_578 : memref<1x1x1x100xi32, #tpu.memory_space<vmem>> -> memref<100xi32, #tpu.memory_space<vmem>>
      %dma_wait3A_580 = arith.constant 0 : i32
      %dma_wait3A_581 = arith.constant 0 : i32
      %dma_wait3A_582 = tpu.memref_slice %arg3[%dma_wait3A_580, %dma_wait3A_581] : memref<100000x64xbf16, #tpu.memory_space<hbm>> -> memref<100000x64xbf16, #tpu.memory_space<hbm>>
      tpu.wait_indirect_dma semaphore(%arg11 : memref<!tpu.dma_semaphore, #tpu.memory_space<semaphore_mem>>) src(%dma_wait3A_582 : memref<100000x64xbf16, #tpu.memory_space<hbm>>) dst(%dma_wait3A_576 : memref<100x64xbf16, #tpu.memory_space<vmem>>)
      %dma_wait3A_583 = arith.constant 1 : i32
      %dma_wait3A_584 = arith.constant 3 : i32
      %dma_wait3A_585 = arith.constant 0 : i32
      %dma_wait3A_586 = arith.constant 1 : i32
      %dma_wait3A_587 = arith.constant 3 : i32
      %dma_wait3A_588 = arith.constant 0 : i32
      %dma_wait3A_589 = arith.constant 0 : i32
      %dma_wait3A_590 = tpu.memref_slice %arg7[%dma_wait3A_586, %dma_wait3A_587, %dma_wait3A_588, %dma_wait3A_589] : memref<2x4x200x64xbf16, #tpu.memory_space<vmem>> -> memref<1x1x100x64xbf16, #tpu.memory_space<vmem>>
      %dma_wait3A_591 = tpu.memref_squeeze %dma_wait3A_590 : memref<1x1x100x64xbf16, #tpu.memory_space<vmem>> -> memref<100x64xbf16, #tpu.memory_space<vmem>>
      %dma_wait3A_592 = arith.constant 0 : i32
      %dma_wait3A_593 = tpu.memref_slice %arg6[%dma_wait3A_583, %dma_wait3A_584, %dma_wait3A_585, %dma_wait3A_592] : memref<2x4x2x100xi32, #tpu.memory_space<vmem>> -> memref<1x1x1x100xi32, #tpu.memory_space<vmem>>
      %dma_wait3A_594 = tpu.memref_squeeze %dma_wait3A_593 : memref<1x1x1x100xi32, #tpu.memory_space<vmem>> -> memref<100xi32, #tpu.memory_space<vmem>>
      %dma_wait3A_595 = arith.constant 0 : i32
      %dma_wait3A_596 = arith.constant 0 : i32
      %dma_wait3A_597 = tpu.memref_slice %arg3[%dma_wait3A_595, %dma_wait3A_596] : memref<100000x64xbf16, #tpu.memory_space<hbm>> -> memref<100000x64xbf16, #tpu.memory_space<hbm>>
      tpu.wait_indirect_dma semaphore(%arg11 : memref<!tpu.dma_semaphore, #tpu.memory_space<semaphore_mem>>) src(%dma_wait3A_597 : memref<100000x64xbf16, #tpu.memory_space<hbm>>) dst(%dma_wait3A_591 : memref<100x64xbf16, #tpu.memory_space<vmem>>)
      %dma_wait3A_598 = arith.constant 1 : i32
      %dma_wait3A_599 = arith.constant 3 : i32
      %dma_wait3A_600 = arith.constant 1 : i32
      %dma_wait3A_601 = arith.constant 1 : i32
      %dma_wait3A_602 = arith.constant 3 : i32
      %dma_wait3A_603 = arith.constant 100 : i32
      %dma_wait3A_604 = arith.constant 0 : i32
      %dma_wait3A_605 = tpu.memref_slice %arg7[%dma_wait3A_601, %dma_wait3A_602, %dma_wait3A_603, %dma_wait3A_604] : memref<2x4x200x64xbf16, #tpu.memory_space<vmem>> -> memref<1x1x100x64xbf16, #tpu.memory_space<vmem>>
      %dma_wait3A_606 = tpu.memref_squeeze %dma_wait3A_605 : memref<1x1x100x64xbf16, #tpu.memory_space<vmem>> -> memref<100x64xbf16, #tpu.memory_space<vmem>>
      %dma_wait3A_607 = arith.constant 0 : i32
      %dma_wait3A_608 = tpu.memref_slice %arg6[%dma_wait3A_598, %dma_wait3A_599, %dma_wait3A_600, %dma_wait3A_607] : memref<2x4x2x100xi32, #tpu.memory_space<vmem>> -> memref<1x1x1x100xi32, #tpu.memory_space<vmem>>
      %dma_wait3A_609 = tpu.memref_squeeze %dma_wait3A_608 : memref<1x1x1x100xi32, #tpu.memory_space<vmem>> -> memref<100xi32, #tpu.memory_space<vmem>>
      %dma_wait3A_610 = arith.constant 0 : i32
      %dma_wait3A_611 = arith.constant 0 : i32
      %dma_wait3A_612 = tpu.memref_slice %arg3[%dma_wait3A_610, %dma_wait3A_611] : memref<100000x64xbf16, #tpu.memory_space<hbm>> -> memref<100000x64xbf16, #tpu.memory_space<hbm>>
      tpu.wait_indirect_dma semaphore(%arg11 : memref<!tpu.dma_semaphore, #tpu.memory_space<semaphore_mem>>) src(%dma_wait3A_612 : memref<100000x64xbf16, #tpu.memory_space<hbm>>) dst(%dma_wait3A_606 : memref<100x64xbf16, #tpu.memory_space<vmem>>)
      %add3A_613 = arith.constant 1 : i32
      %add3A_614 = arith.addi %add3A_492, %add3A_613 : i32
      %add3A_615 = arith.constant 2 : i32
      %add3A_616 = arith.addi %add3A_492, %add3A_615 : i32
      %lt3A_617 = arith.constant 32 : i32
      %lt3A_618 = arith.cmpi slt, %add3A_614, %lt3A_617 : i32
      %convert_element_type3A_619 = arith.extui %lt3A_618 : i1 to i32
      %cond3A_620 = arith.constant 0 : i32
      %cond3A_621 = arith.cmpi ne, %convert_element_type3A_619, %cond3A_620 : i32
      scf.if %cond3A_621 {
        %mul3A_752 = arith.constant 32 : i32
        %mul3A_753 = arith.muli %add3A, %mul3A_752 : i32
        %add3A_754 = arith.addi %mul3A_753, %add3A_614 : i32
        %dma_wait3A_755 = arith.constant 0 : i32
        %dma_wait3A_756 = arith.constant 0 : i32
        %dma_wait3A_757 = arith.constant 0 : i32
        %dma_wait3A_758 = arith.constant 0 : i32
        %dma_wait3A_759 = tpu.memref_slice %arg6[%dma_wait3A_755, %dma_wait3A_756, %dma_wait3A_757, %dma_wait3A_758] : memref<2x4x2x100xi32, #tpu.memory_space<vmem>> -> memref<1x4x2x100xi32, #tpu.memory_space<vmem>>
        %dma_wait3A_760 = tpu.memref_squeeze %dma_wait3A_759 : memref<1x4x2x100xi32, #tpu.memory_space<vmem>> -> memref<4x2x100xi32, #tpu.memory_space<vmem>>
        %dma_wait3A_761 = arith.constant 0 : i32
        %dma_wait3A_762 = arith.constant 0 : i32
        %dma_wait3A_763 = arith.constant 0 : i32
        %dma_wait3A_764 = tpu.memref_slice %arg2[%add3A_754, %dma_wait3A_761, %dma_wait3A_762, %dma_wait3A_763] : memref<1024x4x2x100xi32, #tpu.memory_space<hbm>> -> memref<1x4x2x100xi32, #tpu.memory_space<hbm>>
        %dma_wait3A_765 = tpu.memref_squeeze %dma_wait3A_764 : memref<1x4x2x100xi32, #tpu.memory_space<hbm>> -> memref<4x2x100xi32, #tpu.memory_space<hbm>>
        %dma_wait3A_766 = arith.constant 0 : i32
        %dma_wait3A_767 = arith.constant 0 : i32
        %dma_wait3A_768 = arith.constant 0 : i32
        %dma_wait3A_769 = tpu.memref_slice %arg6[%dma_wait3A_755, %dma_wait3A_766, %dma_wait3A_767, %dma_wait3A_768] : memref<2x4x2x100xi32, #tpu.memory_space<vmem>> -> memref<1x4x2x100xi32, #tpu.memory_space<vmem>>
        %dma_wait3A_770 = tpu.memref_squeeze %dma_wait3A_769 : memref<1x4x2x100xi32, #tpu.memory_space<vmem>> -> memref<4x2x100xi32, #tpu.memory_space<vmem>>
        %dma_wait3A_771 = arith.constant 0 : i32
        %dma_wait3A_772 = arith.constant 0 : i32
        %dma_wait3A_773 = arith.constant 0 : i32
        %dma_wait3A_774 = tpu.memref_slice %arg2[%add3A_754, %dma_wait3A_771, %dma_wait3A_772, %dma_wait3A_773] : memref<1024x4x2x100xi32, #tpu.memory_space<hbm>> -> memref<1x4x2x100xi32, #tpu.memory_space<hbm>>
        %dma_wait3A_775 = tpu.memref_squeeze %dma_wait3A_774 : memref<1x4x2x100xi32, #tpu.memory_space<hbm>> -> memref<4x2x100xi32, #tpu.memory_space<hbm>>
        tpu.wait_dma2 semaphore(%arg12 : memref<!tpu.dma_semaphore, #tpu.memory_space<semaphore_mem>>) src(%dma_wait3A_775 : memref<4x2x100xi32, #tpu.memory_space<hbm>>) dst(%dma_wait3A_770 : memref<4x2x100xi32, #tpu.memory_space<vmem>>)
        %dma_start3A_776 = arith.constant 0 : i32
        %dma_start3A_777 = arith.constant 0 : i32
        %dma_start3A_778 = arith.constant 0 : i32
        %dma_start3A_779 = arith.constant 0 : i32
        %dma_start3A_780 = arith.constant 0 : i32
        %dma_start3A_781 = arith.constant 0 : i32
        %dma_start3A_782 = arith.constant 0 : i32
        %dma_start3A_783 = tpu.memref_slice %arg7[%dma_start3A_779, %dma_start3A_780, %dma_start3A_781, %dma_start3A_782] : memref<2x4x200x64xbf16, #tpu.memory_space<vmem>> -> memref<1x1x100x64xbf16, #tpu.memory_space<vmem>>
        %dma_start3A_784 = tpu.memref_squeeze %dma_start3A_783 : memref<1x1x100x64xbf16, #tpu.memory_space<vmem>> -> memref<100x64xbf16, #tpu.memory_space<vmem>>
        %dma_start3A_785 = arith.constant 0 : i32
        %dma_start3A_786 = tpu.memref_slice %arg6[%dma_start3A_776, %dma_start3A_777, %dma_start3A_778, %dma_start3A_785] : memref<2x4x2x100xi32, #tpu.memory_space<vmem>> -> memref<1x1x1x100xi32, #tpu.memory_space<vmem>>
        %dma_start3A_787 = tpu.memref_squeeze %dma_start3A_786 : memref<1x1x1x100xi32, #tpu.memory_space<vmem>> -> memref<100xi32, #tpu.memory_space<vmem>>
        %dma_start3A_788 = arith.constant 0 : i32
        %dma_start3A_789 = arith.constant 0 : i32
        %dma_start3A_790 = tpu.memref_slice %arg3[%dma_start3A_788, %dma_start3A_789] : memref<100000x64xbf16, #tpu.memory_space<hbm>> -> memref<100000x64xbf16, #tpu.memory_space<hbm>>
        tpu.enqueue_indirect_dma source(%dma_start3A_790 : memref<100000x64xbf16, #tpu.memory_space<hbm>>) target(%dma_start3A_784 : memref<100x64xbf16, #tpu.memory_space<vmem>>) offsets(%dma_start3A_787 : memref<100xi32, #tpu.memory_space<vmem>>) semaphore(%arg10 : memref<!tpu.dma_semaphore, #tpu.memory_space<semaphore_mem>>)
        %dma_start3A_791 = arith.constant 0 : i32
        %dma_start3A_792 = arith.constant 0 : i32
        %dma_start3A_793 = arith.constant 1 : i32
        %dma_start3A_794 = arith.constant 0 : i32
        %dma_start3A_795 = arith.constant 0 : i32
        %dma_start3A_796 = arith.constant 100 : i32
        %dma_start3A_797 = arith.constant 0 : i32
        %dma_start3A_798 = tpu.memref_slice %arg7[%dma_start3A_794, %dma_start3A_795, %dma_start3A_796, %dma_start3A_797] : memref<2x4x200x64xbf16, #tpu.memory_space<vmem>> -> memref<1x1x100x64xbf16, #tpu.memory_space<vmem>>
        %dma_start3A_799 = tpu.memref_squeeze %dma_start3A_798 : memref<1x1x100x64xbf16, #tpu.memory_space<vmem>> -> memref<100x64xbf16, #tpu.memory_space<vmem>>
        %dma_start3A_800 = arith.constant 0 : i32
        %dma_start3A_801 = tpu.memref_slice %arg6[%dma_start3A_791, %dma_start3A_792, %dma_start3A_793, %dma_start3A_800] : memref<2x4x2x100xi32, #tpu.memory_space<vmem>> -> memref<1x1x1x100xi32, #tpu.memory_space<vmem>>
        %dma_start3A_802 = tpu.memref_squeeze %dma_start3A_801 : memref<1x1x1x100xi32, #tpu.memory_space<vmem>> -> memref<100xi32, #tpu.memory_space<vmem>>
        %dma_start3A_803 = arith.constant 0 : i32
        %dma_start3A_804 = arith.constant 0 : i32
        %dma_start3A_805 = tpu.memref_slice %arg3[%dma_start3A_803, %dma_start3A_804] : memref<100000x64xbf16, #tpu.memory_space<hbm>> -> memref<100000x64xbf16, #tpu.memory_space<hbm>>
        tpu.enqueue_indirect_dma source(%dma_start3A_805 : memref<100000x64xbf16, #tpu.memory_space<hbm>>) target(%dma_start3A_799 : memref<100x64xbf16, #tpu.memory_space<vmem>>) offsets(%dma_start3A_802 : memref<100xi32, #tpu.memory_space<vmem>>) semaphore(%arg10 : memref<!tpu.dma_semaphore, #tpu.memory_space<semaphore_mem>>)
        %dma_start3A_806 = arith.constant 0 : i32
        %dma_start3A_807 = arith.constant 1 : i32
        %dma_start3A_808 = arith.constant 0 : i32
        %dma_start3A_809 = arith.constant 0 : i32
        %dma_start3A_810 = arith.constant 1 : i32
        %dma_start3A_811 = arith.constant 0 : i32
        %dma_start3A_812 = arith.constant 0 : i32
        %dma_start3A_813 = tpu.memref_slice %arg7[%dma_start3A_809, %dma_start3A_810, %dma_start3A_811, %dma_start3A_812] : memref<2x4x200x64xbf16, #tpu.memory_space<vmem>> -> memref<1x1x100x64xbf16, #tpu.memory_space<vmem>>
        %dma_start3A_814 = tpu.memref_squeeze %dma_start3A_813 : memref<1x1x100x64xbf16, #tpu.memory_space<vmem>> -> memref<100x64xbf16, #tpu.memory_space<vmem>>
        %dma_start3A_815 = arith.constant 0 : i32
        %dma_start3A_816 = tpu.memref_slice %arg6[%dma_start3A_806, %dma_start3A_807, %dma_start3A_808, %dma_start3A_815] : memref<2x4x2x100xi32, #tpu.memory_space<vmem>> -> memref<1x1x1x100xi32, #tpu.memory_space<vmem>>
        %dma_start3A_817 = tpu.memref_squeeze %dma_start3A_816 : memref<1x1x1x100xi32, #tpu.memory_space<vmem>> -> memref<100xi32, #tpu.memory_space<vmem>>
        %dma_start3A_818 = arith.constant 0 : i32
        %dma_start3A_819 = arith.constant 0 : i32
        %dma_start3A_820 = tpu.memref_slice %arg3[%dma_start3A_818, %dma_start3A_819] : memref<100000x64xbf16, #tpu.memory_space<hbm>> -> memref<100000x64xbf16, #tpu.memory_space<hbm>>
        tpu.enqueue_indirect_dma source(%dma_start3A_820 : memref<100000x64xbf16, #tpu.memory_space<hbm>>) target(%dma_start3A_814 : memref<100x64xbf16, #tpu.memory_space<vmem>>) offsets(%dma_start3A_817 : memref<100xi32, #tpu.memory_space<vmem>>) semaphore(%arg10 : memref<!tpu.dma_semaphore, #tpu.memory_space<semaphore_mem>>)
        %dma_start3A_821 = arith.constant 0 : i32
        %dma_start3A_822 = arith.constant 1 : i32
        %dma_start3A_823 = arith.constant 1 : i32
        %dma_start3A_824 = arith.constant 0 : i32
        %dma_start3A_825 = arith.constant 1 : i32
        %dma_start3A_826 = arith.constant 100 : i32
        %dma_start3A_827 = arith.constant 0 : i32
        %dma_start3A_828 = tpu.memref_slice %arg7[%dma_start3A_824, %dma_start3A_825, %dma_start3A_826, %dma_start3A_827] : memref<2x4x200x64xbf16, #tpu.memory_space<vmem>> -> memref<1x1x100x64xbf16, #tpu.memory_space<vmem>>
        %dma_start3A_829 = tpu.memref_squeeze %dma_start3A_828 : memref<1x1x100x64xbf16, #tpu.memory_space<vmem>> -> memref<100x64xbf16, #tpu.memory_space<vmem>>
        %dma_start3A_830 = arith.constant 0 : i32
        %dma_start3A_831 = tpu.memref_slice %arg6[%dma_start3A_821, %dma_start3A_822, %dma_start3A_823, %dma_start3A_830] : memref<2x4x2x100xi32, #tpu.memory_space<vmem>> -> memref<1x1x1x100xi32, #tpu.memory_space<vmem>>
        %dma_start3A_832 = tpu.memref_squeeze %dma_start3A_831 : memref<1x1x1x100xi32, #tpu.memory_space<vmem>> -> memref<100xi32, #tpu.memory_space<vmem>>
        %dma_start3A_833 = arith.constant 0 : i32
        %dma_start3A_834 = arith.constant 0 : i32
        %dma_start3A_835 = tpu.memref_slice %arg3[%dma_start3A_833, %dma_start3A_834] : memref<100000x64xbf16, #tpu.memory_space<hbm>> -> memref<100000x64xbf16, #tpu.memory_space<hbm>>
        tpu.enqueue_indirect_dma source(%dma_start3A_835 : memref<100000x64xbf16, #tpu.memory_space<hbm>>) target(%dma_start3A_829 : memref<100x64xbf16, #tpu.memory_space<vmem>>) offsets(%dma_start3A_832 : memref<100xi32, #tpu.memory_space<vmem>>) semaphore(%arg10 : memref<!tpu.dma_semaphore, #tpu.memory_space<semaphore_mem>>)
        %dma_start3A_836 = arith.constant 0 : i32
        %dma_start3A_837 = arith.constant 2 : i32
        %dma_start3A_838 = arith.constant 0 : i32
        %dma_start3A_839 = arith.constant 0 : i32
        %dma_start3A_840 = arith.constant 2 : i32
        %dma_start3A_841 = arith.constant 0 : i32
        %dma_start3A_842 = arith.constant 0 : i32
        %dma_start3A_843 = tpu.memref_slice %arg7[%dma_start3A_839, %dma_start3A_840, %dma_start3A_841, %dma_start3A_842] : memref<2x4x200x64xbf16, #tpu.memory_space<vmem>> -> memref<1x1x100x64xbf16, #tpu.memory_space<vmem>>
        %dma_start3A_844 = tpu.memref_squeeze %dma_start3A_843 : memref<1x1x100x64xbf16, #tpu.memory_space<vmem>> -> memref<100x64xbf16, #tpu.memory_space<vmem>>
        %dma_start3A_845 = arith.constant 0 : i32
        %dma_start3A_846 = tpu.memref_slice %arg6[%dma_start3A_836, %dma_start3A_837, %dma_start3A_838, %dma_start3A_845] : memref<2x4x2x100xi32, #tpu.memory_space<vmem>> -> memref<1x1x1x100xi32, #tpu.memory_space<vmem>>
        %dma_start3A_847 = tpu.memref_squeeze %dma_start3A_846 : memref<1x1x1x100xi32, #tpu.memory_space<vmem>> -> memref<100xi32, #tpu.memory_space<vmem>>
        %dma_start3A_848 = arith.constant 0 : i32
        %dma_start3A_849 = arith.constant 0 : i32
        %dma_start3A_850 = tpu.memref_slice %arg3[%dma_start3A_848, %dma_start3A_849] : memref<100000x64xbf16, #tpu.memory_space<hbm>> -> memref<100000x64xbf16, #tpu.memory_space<hbm>>
        tpu.enqueue_indirect_dma source(%dma_start3A_850 : memref<100000x64xbf16, #tpu.memory_space<hbm>>) target(%dma_start3A_844 : memref<100x64xbf16, #tpu.memory_space<vmem>>) offsets(%dma_start3A_847 : memref<100xi32, #tpu.memory_space<vmem>>) semaphore(%arg10 : memref<!tpu.dma_semaphore, #tpu.memory_space<semaphore_mem>>)
        %dma_start3A_851 = arith.constant 0 : i32
        %dma_start3A_852 = arith.constant 2 : i32
        %dma_start3A_853 = arith.constant 1 : i32
        %dma_start3A_854 = arith.constant 0 : i32
        %dma_start3A_855 = arith.constant 2 : i32
        %dma_start3A_856 = arith.constant 100 : i32
        %dma_start3A_857 = arith.constant 0 : i32
        %dma_start3A_858 = tpu.memref_slice %arg7[%dma_start3A_854, %dma_start3A_855, %dma_start3A_856, %dma_start3A_857] : memref<2x4x200x64xbf16, #tpu.memory_space<vmem>> -> memref<1x1x100x64xbf16, #tpu.memory_space<vmem>>
        %dma_start3A_859 = tpu.memref_squeeze %dma_start3A_858 : memref<1x1x100x64xbf16, #tpu.memory_space<vmem>> -> memref<100x64xbf16, #tpu.memory_space<vmem>>
        %dma_start3A_860 = arith.constant 0 : i32
        %dma_start3A_861 = tpu.memref_slice %arg6[%dma_start3A_851, %dma_start3A_852, %dma_start3A_853, %dma_start3A_860] : memref<2x4x2x100xi32, #tpu.memory_space<vmem>> -> memref<1x1x1x100xi32, #tpu.memory_space<vmem>>
        %dma_start3A_862 = tpu.memref_squeeze %dma_start3A_861 : memref<1x1x1x100xi32, #tpu.memory_space<vmem>> -> memref<100xi32, #tpu.memory_space<vmem>>
        %dma_start3A_863 = arith.constant 0 : i32
        %dma_start3A_864 = arith.constant 0 : i32
        %dma_start3A_865 = tpu.memref_slice %arg3[%dma_start3A_863, %dma_start3A_864] : memref<100000x64xbf16, #tpu.memory_space<hbm>> -> memref<100000x64xbf16, #tpu.memory_space<hbm>>
        tpu.enqueue_indirect_dma source(%dma_start3A_865 : memref<100000x64xbf16, #tpu.memory_space<hbm>>) target(%dma_start3A_859 : memref<100x64xbf16, #tpu.memory_space<vmem>>) offsets(%dma_start3A_862 : memref<100xi32, #tpu.memory_space<vmem>>) semaphore(%arg10 : memref<!tpu.dma_semaphore, #tpu.memory_space<semaphore_mem>>)
        %dma_start3A_866 = arith.constant 0 : i32
        %dma_start3A_867 = arith.constant 3 : i32
        %dma_start3A_868 = arith.constant 0 : i32
        %dma_start3A_869 = arith.constant 0 : i32
        %dma_start3A_870 = arith.constant 3 : i32
        %dma_start3A_871 = arith.constant 0 : i32
        %dma_start3A_872 = arith.constant 0 : i32
        %dma_start3A_873 = tpu.memref_slice %arg7[%dma_start3A_869, %dma_start3A_870, %dma_start3A_871, %dma_start3A_872] : memref<2x4x200x64xbf16, #tpu.memory_space<vmem>> -> memref<1x1x100x64xbf16, #tpu.memory_space<vmem>>
        %dma_start3A_874 = tpu.memref_squeeze %dma_start3A_873 : memref<1x1x100x64xbf16, #tpu.memory_space<vmem>> -> memref<100x64xbf16, #tpu.memory_space<vmem>>
        %dma_start3A_875 = arith.constant 0 : i32
        %dma_start3A_876 = tpu.memref_slice %arg6[%dma_start3A_866, %dma_start3A_867, %dma_start3A_868, %dma_start3A_875] : memref<2x4x2x100xi32, #tpu.memory_space<vmem>> -> memref<1x1x1x100xi32, #tpu.memory_space<vmem>>
        %dma_start3A_877 = tpu.memref_squeeze %dma_start3A_876 : memref<1x1x1x100xi32, #tpu.memory_space<vmem>> -> memref<100xi32, #tpu.memory_space<vmem>>
        %dma_start3A_878 = arith.constant 0 : i32
        %dma_start3A_879 = arith.constant 0 : i32
        %dma_start3A_880 = tpu.memref_slice %arg3[%dma_start3A_878, %dma_start3A_879] : memref<100000x64xbf16, #tpu.memory_space<hbm>> -> memref<100000x64xbf16, #tpu.memory_space<hbm>>
        tpu.enqueue_indirect_dma source(%dma_start3A_880 : memref<100000x64xbf16, #tpu.memory_space<hbm>>) target(%dma_start3A_874 : memref<100x64xbf16, #tpu.memory_space<vmem>>) offsets(%dma_start3A_877 : memref<100xi32, #tpu.memory_space<vmem>>) semaphore(%arg10 : memref<!tpu.dma_semaphore, #tpu.memory_space<semaphore_mem>>)
        %dma_start3A_881 = arith.constant 0 : i32
        %dma_start3A_882 = arith.constant 3 : i32
        %dma_start3A_883 = arith.constant 1 : i32
        %dma_start3A_884 = arith.constant 0 : i32
        %dma_start3A_885 = arith.constant 3 : i32
        %dma_start3A_886 = arith.constant 100 : i32
        %dma_start3A_887 = arith.constant 0 : i32
        %dma_start3A_888 = tpu.memref_slice %arg7[%dma_start3A_884, %dma_start3A_885, %dma_start3A_886, %dma_start3A_887] : memref<2x4x200x64xbf16, #tpu.memory_space<vmem>> -> memref<1x1x100x64xbf16, #tpu.memory_space<vmem>>
        %dma_start3A_889 = tpu.memref_squeeze %dma_start3A_888 : memref<1x1x100x64xbf16, #tpu.memory_space<vmem>> -> memref<100x64xbf16, #tpu.memory_space<vmem>>
        %dma_start3A_890 = arith.constant 0 : i32
        %dma_start3A_891 = tpu.memref_slice %arg6[%dma_start3A_881, %dma_start3A_882, %dma_start3A_883, %dma_start3A_890] : memref<2x4x2x100xi32, #tpu.memory_space<vmem>> -> memref<1x1x1x100xi32, #tpu.memory_space<vmem>>
        %dma_start3A_892 = tpu.memref_squeeze %dma_start3A_891 : memref<1x1x1x100xi32, #tpu.memory_space<vmem>> -> memref<100xi32, #tpu.memory_space<vmem>>
        %dma_start3A_893 = arith.constant 0 : i32
        %dma_start3A_894 = arith.constant 0 : i32
        %dma_start3A_895 = tpu.memref_slice %arg3[%dma_start3A_893, %dma_start3A_894] : memref<100000x64xbf16, #tpu.memory_space<hbm>> -> memref<100000x64xbf16, #tpu.memory_space<hbm>>
        tpu.enqueue_indirect_dma source(%dma_start3A_895 : memref<100000x64xbf16, #tpu.memory_space<hbm>>) target(%dma_start3A_889 : memref<100x64xbf16, #tpu.memory_space<vmem>>) offsets(%dma_start3A_892 : memref<100xi32, #tpu.memory_space<vmem>>) semaphore(%arg10 : memref<!tpu.dma_semaphore, #tpu.memory_space<semaphore_mem>>)
      } else {
      }
      %lt3A_622 = arith.constant 32 : i32
      %lt3A_623 = arith.cmpi slt, %add3A_616, %lt3A_622 : i32
      %convert_element_type3A_624 = arith.extui %lt3A_623 : i1 to i32
      %cond3A_625 = arith.constant 0 : i32
      %cond3A_626 = arith.cmpi ne, %convert_element_type3A_624, %cond3A_625 : i32
      scf.if %cond3A_626 {
        %mul3A_752 = arith.constant 32 : i32
        %mul3A_753 = arith.muli %add3A, %mul3A_752 : i32
        %add3A_754 = arith.addi %mul3A_753, %add3A_616 : i32
        %dma_start3A_755 = arith.constant 1 : i32
        %dma_start3A_756 = arith.constant 0 : i32
        %dma_start3A_757 = arith.constant 0 : i32
        %dma_start3A_758 = arith.constant 0 : i32
        %dma_start3A_759 = tpu.memref_slice %arg6[%dma_start3A_755, %dma_start3A_756, %dma_start3A_757, %dma_start3A_758] : memref<2x4x2x100xi32, #tpu.memory_space<vmem>> -> memref<1x4x2x100xi32, #tpu.memory_space<vmem>>
        %dma_start3A_760 = tpu.memref_squeeze %dma_start3A_759 : memref<1x4x2x100xi32, #tpu.memory_space<vmem>> -> memref<4x2x100xi32, #tpu.memory_space<vmem>>
        %dma_start3A_761 = arith.constant 0 : i32
        %dma_start3A_762 = arith.constant 0 : i32
        %dma_start3A_763 = arith.constant 0 : i32
        %dma_start3A_764 = tpu.memref_slice %arg2[%add3A_754, %dma_start3A_761, %dma_start3A_762, %dma_start3A_763] : memref<1024x4x2x100xi32, #tpu.memory_space<hbm>> -> memref<1x4x2x100xi32, #tpu.memory_space<hbm>>
        %dma_start3A_765 = tpu.memref_squeeze %dma_start3A_764 : memref<1x4x2x100xi32, #tpu.memory_space<hbm>> -> memref<4x2x100xi32, #tpu.memory_space<hbm>>
        %dma_start3A_766 = arith.constant 0 : i32
        %dma_start3A_767 = arith.constant 0 : i32
        %dma_start3A_768 = arith.constant 0 : i32
        %dma_start3A_769 = tpu.memref_slice %arg6[%dma_start3A_755, %dma_start3A_766, %dma_start3A_767, %dma_start3A_768] : memref<2x4x2x100xi32, #tpu.memory_space<vmem>> -> memref<1x4x2x100xi32, #tpu.memory_space<vmem>>
        %dma_start3A_770 = tpu.memref_squeeze %dma_start3A_769 : memref<1x4x2x100xi32, #tpu.memory_space<vmem>> -> memref<4x2x100xi32, #tpu.memory_space<vmem>>
        %dma_start3A_771 = arith.constant 0 : i32
        %dma_start3A_772 = arith.constant 0 : i32
        %dma_start3A_773 = arith.constant 0 : i32
        %dma_start3A_774 = tpu.memref_slice %arg2[%add3A_754, %dma_start3A_771, %dma_start3A_772, %dma_start3A_773] : memref<1024x4x2x100xi32, #tpu.memory_space<hbm>> -> memref<1x4x2x100xi32, #tpu.memory_space<hbm>>
        %dma_start3A_775 = tpu.memref_squeeze %dma_start3A_774 : memref<1x4x2x100xi32, #tpu.memory_space<hbm>> -> memref<4x2x100xi32, #tpu.memory_space<hbm>>
        tpu.enqueue_dma source(%dma_start3A_775 : memref<4x2x100xi32, #tpu.memory_space<hbm>>) target(%dma_start3A_770 : memref<4x2x100xi32, #tpu.memory_space<vmem>>) target_semaphore(%arg12 : memref<!tpu.dma_semaphore, #tpu.memory_space<semaphore_mem>>)
      } else {
      }
      %broadcast_in_dim3A_627 = arith.constant 0.000000e+00 : f32
      %broadcast_in_dim3A_628 = vector.broadcast %broadcast_in_dim3A_627 : f32 to vector<16xf32>
      %scan3A_629 = arith.constant 0 : i32
      %scan3A_630 = arith.constant 200 : i32
      %scan3A_631 = arith.addi %scan3A_629, %scan3A_630 : i32
      %scan3A_632 = arith.constant 1 : i32
      %scan3A_633:16 = scf.for %scan3A_752 = %scan3A_629 to %scan3A_631 step %scan3A_632 iter_args(%scan3A_753 = %broadcast_in_dim3A_628, %scan3A_754 = %broadcast_in_dim3A_628, %scan3A_755 = %broadcast_in_dim3A_628, %scan3A_756 = %broadcast_in_dim3A_628, %scan3A_757 = %broadcast_in_dim3A_628, %scan3A_758 = %broadcast_in_dim3A_628, %scan3A_759 = %broadcast_in_dim3A_628, %scan3A_760 = %broadcast_in_dim3A_628, %scan3A_761 = %broadcast_in_dim3A_628, %scan3A_762 = %broadcast_in_dim3A_628, %scan3A_763 = %broadcast_in_dim3A_628, %scan3A_764 = %broadcast_in_dim3A_628, %scan3A_765 = %broadcast_in_dim3A_628, %scan3A_766 = %broadcast_in_dim3A_628, %scan3A_767 = %broadcast_in_dim3A_628, %scan3A_768 = %broadcast_in_dim3A_628) -> (vector<16xf32>, vector<16xf32>, vector<16xf32>, vector<16xf32>, vector<16xf32>, vector<16xf32>, vector<16xf32>, vector<16xf32>, vector<16xf32>, vector<16xf32>, vector<16xf32>, vector<16xf32>, vector<16xf32>, vector<16xf32>, vector<16xf32>, vector<16xf32>)  : i32 {
        %mul3A_769 = arith.constant 64 : i32
        %mul3A_770 = arith.muli %scan3A_752, %mul3A_769 : i32
        %add3A_771 = arith.constant 0 : i32
        %add3A_772 = arith.addi %mul3A_770, %add3A_771 : i32
        %get3A = arith.constant 0 : i32
        %get3A_773 = arith.index_cast %get3A : i32 to index
        %get3A_774 = arith.index_cast %add3A_772 : i32 to index
        %get3A_775 = tpu.vector_load %arg8[%get3A_773, %get3A_774] {strides = array<i32>} : memref<4x12800xf32, #tpu.memory_space<vmem>>, vector<16xf32>,
        %get3A_776 = arith.constant 1 : i32
        %get3A_777 = arith.index_cast %get3A_776 : i32 to index
        %get3A_778 = arith.index_cast %add3A_772 : i32 to index
        %get3A_779 = tpu.vector_load %arg8[%get3A_777, %get3A_778] {strides = array<i32>} : memref<4x12800xf32, #tpu.memory_space<vmem>>, vector<16xf32>,
        %get3A_780 = arith.constant 2 : i32
        %get3A_781 = arith.index_cast %get3A_780 : i32 to index
        %get3A_782 = arith.index_cast %add3A_772 : i32 to index
        %get3A_783 = tpu.vector_load %arg8[%get3A_781, %get3A_782] {strides = array<i32>} : memref<4x12800xf32, #tpu.memory_space<vmem>>, vector<16xf32>,
        %get3A_784 = arith.constant 3 : i32
        %get3A_785 = arith.index_cast %get3A_784 : i32 to index
        %get3A_786 = arith.index_cast %add3A_772 : i32 to index
        %get3A_787 = tpu.vector_load %arg8[%get3A_785, %get3A_786] {strides = array<i32>} : memref<4x12800xf32, #tpu.memory_space<vmem>>, vector<16xf32>,
        %add3A_788 = arith.constant 16 : i32
        %add3A_789 = arith.addi %add3A_772, %add3A_788 : i32
        %get3A_790 = arith.constant 0 : i32
        %get3A_791 = arith.index_cast %get3A_790 : i32 to index
        %get3A_792 = arith.index_cast %add3A_789 : i32 to index
        %get3A_793 = tpu.vector_load %arg8[%get3A_791, %get3A_792] {strides = array<i32>} : memref<4x12800xf32, #tpu.memory_space<vmem>>, vector<16xf32>,
        %add3A_794 = arith.constant 16 : i32
        %add3A_795 = arith.addi %add3A_772, %add3A_794 : i32
        %get3A_796 = arith.constant 1 : i32
        %get3A_797 = arith.index_cast %get3A_796 : i32 to index
        %get3A_798 = arith.index_cast %add3A_795 : i32 to index
        %get3A_799 = tpu.vector_load %arg8[%get3A_797, %get3A_798] {strides = array<i32>} : memref<4x12800xf32, #tpu.memory_space<vmem>>, vector<16xf32>,
        %add3A_800 = arith.constant 16 : i32
        %add3A_801 = arith.addi %add3A_772, %add3A_800 : i32
        %get3A_802 = arith.constant 2 : i32
        %get3A_803 = arith.index_cast %get3A_802 : i32 to index
        %get3A_804 = arith.index_cast %add3A_801 : i32 to index
        %get3A_805 = tpu.vector_load %arg8[%get3A_803, %get3A_804] {strides = array<i32>} : memref<4x12800xf32, #tpu.memory_space<vmem>>, vector<16xf32>,
        %add3A_806 = arith.constant 16 : i32
        %add3A_807 = arith.addi %add3A_772, %add3A_806 : i32
        %get3A_808 = arith.constant 3 : i32
        %get3A_809 = arith.index_cast %get3A_808 : i32 to index
        %get3A_810 = arith.index_cast %add3A_807 : i32 to index
        %get3A_811 = tpu.vector_load %arg8[%get3A_809, %get3A_810] {strides = array<i32>} : memref<4x12800xf32, #tpu.memory_space<vmem>>, vector<16xf32>,
        %get3A_812 = arith.constant 1 : i32
        %get3A_813 = arith.constant 0 : i32
        %get3A_814 = arith.index_cast %get3A_812 : i32 to index
        %get3A_815 = arith.index_cast %get3A_813 : i32 to index
        %get3A_816 = arith.index_cast %scan3A_752 : i32 to index
        %get3A_817 = arith.constant 0 : index
        %get3A_818 = tpu.vector_load %arg7[%get3A_814, %get3A_815, %get3A_816, %get3A_817] {strides = array<i32>} : memref<2x4x200x64xbf16, #tpu.memory_space<vmem>>, vector<32xbf16>,
        %unpack3A = tpu.unpack_subelements %get3A_818, 0 {pack_format = #tpu.pack_format<interleaved>} : vector<32xbf16> -> vector<16xf32>
        %unpack3A_819 = tpu.unpack_subelements %get3A_818, 1 {pack_format = #tpu.pack_format<interleaved>} : vector<32xbf16> -> vector<16xf32>
        %mul3A_820 = arith.mulf %unpack3A, %get3A_775 : vector<16xf32>
        %add3A_821 = arith.addf %scan3A_753, %mul3A_820 : vector<16xf32>
        %mul3A_822 = arith.mulf %unpack3A_819, %get3A_793 : vector<16xf32>
        %add3A_823 = arith.addf %add3A_821, %mul3A_822 : vector<16xf32>
        %mul3A_824 = arith.mulf %unpack3A, %get3A_779 : vector<16xf32>
        %add3A_825 = arith.addf %scan3A_754, %mul3A_824 : vector<16xf32>
        %mul3A_826 = arith.mulf %unpack3A_819, %get3A_799 : vector<16xf32>
        %add3A_827 = arith.addf %add3A_825, %mul3A_826 : vector<16xf32>
        %mul3A_828 = arith.mulf %unpack3A, %get3A_783 : vector<16xf32>
        %add3A_829 = arith.addf %scan3A_755, %mul3A_828 : vector<16xf32>
        %mul3A_830 = arith.mulf %unpack3A_819, %get3A_805 : vector<16xf32>
        %add3A_831 = arith.addf %add3A_829, %mul3A_830 : vector<16xf32>
        %mul3A_832 = arith.mulf %unpack3A, %get3A_787 : vector<16xf32>
        %add3A_833 = arith.addf %scan3A_756, %mul3A_832 : vector<16xf32>
        %mul3A_834 = arith.mulf %unpack3A_819, %get3A_811 : vector<16xf32>
        %add3A_835 = arith.addf %add3A_833, %mul3A_834 : vector<16xf32>
        %get3A_836 = arith.constant 1 : i32
        %get3A_837 = arith.constant 1 : i32
        %get3A_838 = arith.index_cast %get3A_836 : i32 to index
        %get3A_839 = arith.index_cast %get3A_837 : i32 to index
        %get3A_840 = arith.index_cast %scan3A_752 : i32 to index
        %get3A_841 = arith.constant 0 : index
        %get3A_842 = tpu.vector_load %arg7[%get3A_838, %get3A_839, %get3A_840, %get3A_841] {strides = array<i32>} : memref<2x4x200x64xbf16, #tpu.memory_space<vmem>>, vector<32xbf16>,
        %unpack3A_843 = tpu.unpack_subelements %get3A_842, 0 {pack_format = #tpu.pack_format<interleaved>} : vector<32xbf16> -> vector<16xf32>
        %unpack3A_844 = tpu.unpack_subelements %get3A_842, 1 {pack_format = #tpu.pack_format<interleaved>} : vector<32xbf16> -> vector<16xf32>
        %mul3A_845 = arith.mulf %unpack3A_843, %get3A_775 : vector<16xf32>
        %add3A_846 = arith.addf %scan3A_757, %mul3A_845 : vector<16xf32>
        %mul3A_847 = arith.mulf %unpack3A_844, %get3A_793 : vector<16xf32>
        %add3A_848 = arith.addf %add3A_846, %mul3A_847 : vector<16xf32>
        %mul3A_849 = arith.mulf %unpack3A_843, %get3A_779 : vector<16xf32>
        %add3A_850 = arith.addf %scan3A_758, %mul3A_849 : vector<16xf32>
        %mul3A_851 = arith.mulf %unpack3A_844, %get3A_799 : vector<16xf32>
        %add3A_852 = arith.addf %add3A_850, %mul3A_851 : vector<16xf32>
        %mul3A_853 = arith.mulf %unpack3A_843, %get3A_783 : vector<16xf32>
        %add3A_854 = arith.addf %scan3A_759, %mul3A_853 : vector<16xf32>
        %mul3A_855 = arith.mulf %unpack3A_844, %get3A_805 : vector<16xf32>
        %add3A_856 = arith.addf %add3A_854, %mul3A_855 : vector<16xf32>
        %mul3A_857 = arith.mulf %unpack3A_843, %get3A_787 : vector<16xf32>
        %add3A_858 = arith.addf %scan3A_760, %mul3A_857 : vector<16xf32>
        %mul3A_859 = arith.mulf %unpack3A_844, %get3A_811 : vector<16xf32>
        %add3A_860 = arith.addf %add3A_858, %mul3A_859 : vector<16xf32>
        %get3A_861 = arith.constant 1 : i32
        %get3A_862 = arith.constant 2 : i32
        %get3A_863 = arith.index_cast %get3A_861 : i32 to index
        %get3A_864 = arith.index_cast %get3A_862 : i32 to index
        %get3A_865 = arith.index_cast %scan3A_752 : i32 to index
        %get3A_866 = arith.constant 0 : index
        %get3A_867 = tpu.vector_load %arg7[%get3A_863, %get3A_864, %get3A_865, %get3A_866] {strides = array<i32>} : memref<2x4x200x64xbf16, #tpu.memory_space<vmem>>, vector<32xbf16>,
        %unpack3A_868 = tpu.unpack_subelements %get3A_867, 0 {pack_format = #tpu.pack_format<interleaved>} : vector<32xbf16> -> vector<16xf32>
        %unpack3A_869 = tpu.unpack_subelements %get3A_867, 1 {pack_format = #tpu.pack_format<interleaved>} : vector<32xbf16> -> vector<16xf32>
        %mul3A_870 = arith.mulf %unpack3A_868, %get3A_775 : vector<16xf32>
        %add3A_871 = arith.addf %scan3A_761, %mul3A_870 : vector<16xf32>
        %mul3A_872 = arith.mulf %unpack3A_869, %get3A_793 : vector<16xf32>
        %add3A_873 = arith.addf %add3A_871, %mul3A_872 : vector<16xf32>
        %mul3A_874 = arith.mulf %unpack3A_868, %get3A_779 : vector<16xf32>
        %add3A_875 = arith.addf %scan3A_762, %mul3A_874 : vector<16xf32>
        %mul3A_876 = arith.mulf %unpack3A_869, %get3A_799 : vector<16xf32>
        %add3A_877 = arith.addf %add3A_875, %mul3A_876 : vector<16xf32>
        %mul3A_878 = arith.mulf %unpack3A_868, %get3A_783 : vector<16xf32>
        %add3A_879 = arith.addf %scan3A_763, %mul3A_878 : vector<16xf32>
        %mul3A_880 = arith.mulf %unpack3A_869, %get3A_805 : vector<16xf32>
        %add3A_881 = arith.addf %add3A_879, %mul3A_880 : vector<16xf32>
        %mul3A_882 = arith.mulf %unpack3A_868, %get3A_787 : vector<16xf32>
        %add3A_883 = arith.addf %scan3A_764, %mul3A_882 : vector<16xf32>
        %mul3A_884 = arith.mulf %unpack3A_869, %get3A_811 : vector<16xf32>
        %add3A_885 = arith.addf %add3A_883, %mul3A_884 : vector<16xf32>
        %get3A_886 = arith.constant 1 : i32
        %get3A_887 = arith.constant 3 : i32
        %get3A_888 = arith.index_cast %get3A_886 : i32 to index
        %get3A_889 = arith.index_cast %get3A_887 : i32 to index
        %get3A_890 = arith.index_cast %scan3A_752 : i32 to index
        %get3A_891 = arith.constant 0 : index
        %get3A_892 = tpu.vector_load %arg7[%get3A_888, %get3A_889, %get3A_890, %get3A_891] {strides = array<i32>} : memref<2x4x200x64xbf16, #tpu.memory_space<vmem>>, vector<32xbf16>,
        %unpack3A_893 = tpu.unpack_subelements %get3A_892, 0 {pack_format = #tpu.pack_format<interleaved>} : vector<32xbf16> -> vector<16xf32>
        %unpack3A_894 = tpu.unpack_subelements %get3A_892, 1 {pack_format = #tpu.pack_format<interleaved>} : vector<32xbf16> -> vector<16xf32>
        %mul3A_895 = arith.mulf %unpack3A_893, %get3A_775 : vector<16xf32>
        %add3A_896 = arith.addf %scan3A_765, %mul3A_895 : vector<16xf32>
        %mul3A_897 = arith.mulf %unpack3A_894, %get3A_793 : vector<16xf32>
        %add3A_898 = arith.addf %add3A_896, %mul3A_897 : vector<16xf32>
        %mul3A_899 = arith.mulf %unpack3A_893, %get3A_779 : vector<16xf32>
        %add3A_900 = arith.addf %scan3A_766, %mul3A_899 : vector<16xf32>
        %mul3A_901 = arith.mulf %unpack3A_894, %get3A_799 : vector<16xf32>
        %add3A_902 = arith.addf %add3A_900, %mul3A_901 : vector<16xf32>
        %mul3A_903 = arith.mulf %unpack3A_893, %get3A_783 : vector<16xf32>
        %add3A_904 = arith.addf %scan3A_767, %mul3A_903 : vector<16xf32>
        %mul3A_905 = arith.mulf %unpack3A_894, %get3A_805 : vector<16xf32>
        %add3A_906 = arith.addf %add3A_904, %mul3A_905 : vector<16xf32>
        %mul3A_907 = arith.mulf %unpack3A_893, %get3A_787 : vector<16xf32>
        %add3A_908 = arith.addf %scan3A_768, %mul3A_907 : vector<16xf32>
        %mul3A_909 = arith.mulf %unpack3A_894, %get3A_811 : vector<16xf32>
        %add3A_910 = arith.addf %add3A_908, %mul3A_909 : vector<16xf32>
        %add3A_911 = arith.constant 32 : i32
        %add3A_912 = arith.addi %mul3A_770, %add3A_911 : i32
        %get3A_913 = arith.constant 0 : i32
        %get3A_914 = arith.index_cast %get3A_913 : i32 to index
        %get3A_915 = arith.index_cast %add3A_912 : i32 to index
        %get3A_916 = tpu.vector_load %arg8[%get3A_914, %get3A_915] {strides = array<i32>} : memref<4x12800xf32, #tpu.memory_space<vmem>>, vector<16xf32>,
        %get3A_917 = arith.constant 1 : i32
        %get3A_918 = arith.index_cast %get3A_917 : i32 to index
        %get3A_919 = arith.index_cast %add3A_912 : i32 to index
        %get3A_920 = tpu.vector_load %arg8[%get3A_918, %get3A_919] {strides = array<i32>} : memref<4x12800xf32, #tpu.memory_space<vmem>>, vector<16xf32>,
        %get3A_921 = arith.constant 2 : i32
        %get3A_922 = arith.index_cast %get3A_921 : i32 to index
        %get3A_923 = arith.index_cast %add3A_912 : i32 to index
        %get3A_924 = tpu.vector_load %arg8[%get3A_922, %get3A_923] {strides = array<i32>} : memref<4x12800xf32, #tpu.memory_space<vmem>>, vector<16xf32>,
        %get3A_925 = arith.constant 3 : i32
        %get3A_926 = arith.index_cast %get3A_925 : i32 to index
        %get3A_927 = arith.index_cast %add3A_912 : i32 to index
        %get3A_928 = tpu.vector_load %arg8[%get3A_926, %get3A_927] {strides = array<i32>} : memref<4x12800xf32, #tpu.memory_space<vmem>>, vector<16xf32>,
        %add3A_929 = arith.constant 16 : i32
        %add3A_930 = arith.addi %add3A_912, %add3A_929 : i32
        %get3A_931 = arith.constant 0 : i32
        %get3A_932 = arith.index_cast %get3A_931 : i32 to index
        %get3A_933 = arith.index_cast %add3A_930 : i32 to index
        %get3A_934 = tpu.vector_load %arg8[%get3A_932, %get3A_933] {strides = array<i32>} : memref<4x12800xf32, #tpu.memory_space<vmem>>, vector<16xf32>,
        %add3A_935 = arith.constant 16 : i32
        %add3A_936 = arith.addi %add3A_912, %add3A_935 : i32
        %get3A_937 = arith.constant 1 : i32
        %get3A_938 = arith.index_cast %get3A_937 : i32 to index
        %get3A_939 = arith.index_cast %add3A_936 : i32 to index
        %get3A_940 = tpu.vector_load %arg8[%get3A_938, %get3A_939] {strides = array<i32>} : memref<4x12800xf32, #tpu.memory_space<vmem>>, vector<16xf32>,
        %add3A_941 = arith.constant 16 : i32
        %add3A_942 = arith.addi %add3A_912, %add3A_941 : i32
        %get3A_943 = arith.constant 2 : i32
        %get3A_944 = arith.index_cast %get3A_943 : i32 to index
        %get3A_945 = arith.index_cast %add3A_942 : i32 to index
        %get3A_946 = tpu.vector_load %arg8[%get3A_944, %get3A_945] {strides = array<i32>} : memref<4x12800xf32, #tpu.memory_space<vmem>>, vector<16xf32>,
        %add3A_947 = arith.constant 16 : i32
        %add3A_948 = arith.addi %add3A_912, %add3A_947 : i32
        %get3A_949 = arith.constant 3 : i32
        %get3A_950 = arith.index_cast %get3A_949 : i32 to index
        %get3A_951 = arith.index_cast %add3A_948 : i32 to index
        %get3A_952 = tpu.vector_load %arg8[%get3A_950, %get3A_951] {strides = array<i32>} : memref<4x12800xf32, #tpu.memory_space<vmem>>, vector<16xf32>,
        %get3A_953 = arith.constant 1 : i32
        %get3A_954 = arith.constant 0 : i32
        %get3A_955 = arith.index_cast %get3A_953 : i32 to index
        %get3A_956 = arith.index_cast %get3A_954 : i32 to index
        %get3A_957 = arith.index_cast %scan3A_752 : i32 to index
        %get3A_958 = arith.constant 32 : index
        %get3A_959 = tpu.vector_load %arg7[%get3A_955, %get3A_956, %get3A_957, %get3A_958] {strides = array<i32>} : memref<2x4x200x64xbf16, #tpu.memory_space<vmem>>, vector<32xbf16>,
        %unpack3A_960 = tpu.unpack_subelements %get3A_959, 0 {pack_format = #tpu.pack_format<interleaved>} : vector<32xbf16> -> vector<16xf32>
        %unpack3A_961 = tpu.unpack_subelements %get3A_959, 1 {pack_format = #tpu.pack_format<interleaved>} : vector<32xbf16> -> vector<16xf32>
        %mul3A_962 = arith.mulf %unpack3A_960, %get3A_916 : vector<16xf32>
        %add3A_963 = arith.addf %add3A_823, %mul3A_962 : vector<16xf32>
        %mul3A_964 = arith.mulf %unpack3A_961, %get3A_934 : vector<16xf32>
        %add3A_965 = arith.addf %add3A_963, %mul3A_964 : vector<16xf32>
        %mul3A_966 = arith.mulf %unpack3A_960, %get3A_920 : vector<16xf32>
        %add3A_967 = arith.addf %add3A_827, %mul3A_966 : vector<16xf32>
        %mul3A_968 = arith.mulf %unpack3A_961, %get3A_940 : vector<16xf32>
        %add3A_969 = arith.addf %add3A_967, %mul3A_968 : vector<16xf32>
        %mul3A_970 = arith.mulf %unpack3A_960, %get3A_924 : vector<16xf32>
        %add3A_971 = arith.addf %add3A_831, %mul3A_970 : vector<16xf32>
        %mul3A_972 = arith.mulf %unpack3A_961, %get3A_946 : vector<16xf32>
        %add3A_973 = arith.addf %add3A_971, %mul3A_972 : vector<16xf32>
        %mul3A_974 = arith.mulf %unpack3A_960, %get3A_928 : vector<16xf32>
        %add3A_975 = arith.addf %add3A_835, %mul3A_974 : vector<16xf32>
        %mul3A_976 = arith.mulf %unpack3A_961, %get3A_952 : vector<16xf32>
        %add3A_977 = arith.addf %add3A_975, %mul3A_976 : vector<16xf32>
        %get3A_978 = arith.constant 1 : i32
        %get3A_979 = arith.constant 1 : i32
        %get3A_980 = arith.index_cast %get3A_978 : i32 to index
        %get3A_981 = arith.index_cast %get3A_979 : i32 to index
        %get3A_982 = arith.index_cast %scan3A_752 : i32 to index
        %get3A_983 = arith.constant 32 : index
        %get3A_984 = tpu.vector_load %arg7[%get3A_980, %get3A_981, %get3A_982, %get3A_983] {strides = array<i32>} : memref<2x4x200x64xbf16, #tpu.memory_space<vmem>>, vector<32xbf16>,
        %unpack3A_985 = tpu.unpack_subelements %get3A_984, 0 {pack_format = #tpu.pack_format<interleaved>} : vector<32xbf16> -> vector<16xf32>
        %unpack3A_986 = tpu.unpack_subelements %get3A_984, 1 {pack_format = #tpu.pack_format<interleaved>} : vector<32xbf16> -> vector<16xf32>
        %mul3A_987 = arith.mulf %unpack3A_985, %get3A_916 : vector<16xf32>
        %add3A_988 = arith.addf %add3A_848, %mul3A_987 : vector<16xf32>
        %mul3A_989 = arith.mulf %unpack3A_986, %get3A_934 : vector<16xf32>
        %add3A_990 = arith.addf %add3A_988, %mul3A_989 : vector<16xf32>
        %mul3A_991 = arith.mulf %unpack3A_985, %get3A_920 : vector<16xf32>
        %add3A_992 = arith.addf %add3A_852, %mul3A_991 : vector<16xf32>
        %mul3A_993 = arith.mulf %unpack3A_986, %get3A_940 : vector<16xf32>
        %add3A_994 = arith.addf %add3A_992, %mul3A_993 : vector<16xf32>
        %mul3A_995 = arith.mulf %unpack3A_985, %get3A_924 : vector<16xf32>
        %add3A_996 = arith.addf %add3A_856, %mul3A_995 : vector<16xf32>
        %mul3A_997 = arith.mulf %unpack3A_986, %get3A_946 : vector<16xf32>
        %add3A_998 = arith.addf %add3A_996, %mul3A_997 : vector<16xf32>
        %mul3A_999 = arith.mulf %unpack3A_985, %get3A_928 : vector<16xf32>
        %add3A_1000 = arith.addf %add3A_860, %mul3A_999 : vector<16xf32>
        %mul3A_1001 = arith.mulf %unpack3A_986, %get3A_952 : vector<16xf32>
        %add3A_1002 = arith.addf %add3A_1000, %mul3A_1001 : vector<16xf32>
        %get3A_1003 = arith.constant 1 : i32
        %get3A_1004 = arith.constant 2 : i32
        %get3A_1005 = arith.index_cast %get3A_1003 : i32 to index
        %get3A_1006 = arith.index_cast %get3A_1004 : i32 to index
        %get3A_1007 = arith.index_cast %scan3A_752 : i32 to index
        %get3A_1008 = arith.constant 32 : index
        %get3A_1009 = tpu.vector_load %arg7[%get3A_1005, %get3A_1006, %get3A_1007, %get3A_1008] {strides = array<i32>} : memref<2x4x200x64xbf16, #tpu.memory_space<vmem>>, vector<32xbf16>,
        %unpack3A_1010 = tpu.unpack_subelements %get3A_1009, 0 {pack_format = #tpu.pack_format<interleaved>} : vector<32xbf16> -> vector<16xf32>
        %unpack3A_1011 = tpu.unpack_subelements %get3A_1009, 1 {pack_format = #tpu.pack_format<interleaved>} : vector<32xbf16> -> vector<16xf32>
        %mul3A_1012 = arith.mulf %unpack3A_1010, %get3A_916 : vector<16xf32>
        %add3A_1013 = arith.addf %add3A_873, %mul3A_1012 : vector<16xf32>
        %mul3A_1014 = arith.mulf %unpack3A_1011, %get3A_934 : vector<16xf32>
        %add3A_1015 = arith.addf %add3A_1013, %mul3A_1014 : vector<16xf32>
        %mul3A_1016 = arith.mulf %unpack3A_1010, %get3A_920 : vector<16xf32>
        %add3A_1017 = arith.addf %add3A_877, %mul3A_1016 : vector<16xf32>
        %mul3A_1018 = arith.mulf %unpack3A_1011, %get3A_940 : vector<16xf32>
        %add3A_1019 = arith.addf %add3A_1017, %mul3A_1018 : vector<16xf32>
        %mul3A_1020 = arith.mulf %unpack3A_1010, %get3A_924 : vector<16xf32>
        %add3A_1021 = arith.addf %add3A_881, %mul3A_1020 : vector<16xf32>
        %mul3A_1022 = arith.mulf %unpack3A_1011, %get3A_946 : vector<16xf32>
        %add3A_1023 = arith.addf %add3A_1021, %mul3A_1022 : vector<16xf32>
        %mul3A_1024 = arith.mulf %unpack3A_1010, %get3A_928 : vector<16xf32>
        %add3A_1025 = arith.addf %add3A_885, %mul3A_1024 : vector<16xf32>
        %mul3A_1026 = arith.mulf %unpack3A_1011, %get3A_952 : vector<16xf32>
        %add3A_1027 = arith.addf %add3A_1025, %mul3A_1026 : vector<16xf32>
        %get3A_1028 = arith.constant 1 : i32
        %get3A_1029 = arith.constant 3 : i32
        %get3A_1030 = arith.index_cast %get3A_1028 : i32 to index
        %get3A_1031 = arith.index_cast %get3A_1029 : i32 to index
        %get3A_1032 = arith.index_cast %scan3A_752 : i32 to index
        %get3A_1033 = arith.constant 32 : index
        %get3A_1034 = tpu.vector_load %arg7[%get3A_1030, %get3A_1031, %get3A_1032, %get3A_1033] {strides = array<i32>} : memref<2x4x200x64xbf16, #tpu.memory_space<vmem>>, vector<32xbf16>,
        %unpack3A_1035 = tpu.unpack_subelements %get3A_1034, 0 {pack_format = #tpu.pack_format<interleaved>} : vector<32xbf16> -> vector<16xf32>
        %unpack3A_1036 = tpu.unpack_subelements %get3A_1034, 1 {pack_format = #tpu.pack_format<interleaved>} : vector<32xbf16> -> vector<16xf32>
        %mul3A_1037 = arith.mulf %unpack3A_1035, %get3A_916 : vector<16xf32>
        %add3A_1038 = arith.addf %add3A_898, %mul3A_1037 : vector<16xf32>
        %mul3A_1039 = arith.mulf %unpack3A_1036, %get3A_934 : vector<16xf32>
        %add3A_1040 = arith.addf %add3A_1038, %mul3A_1039 : vector<16xf32>
        %mul3A_1041 = arith.mulf %unpack3A_1035, %get3A_920 : vector<16xf32>
        %add3A_1042 = arith.addf %add3A_902, %mul3A_1041 : vector<16xf32>
        %mul3A_1043 = arith.mulf %unpack3A_1036, %get3A_940 : vector<16xf32>
        %add3A_1044 = arith.addf %add3A_1042, %mul3A_1043 : vector<16xf32>
        %mul3A_1045 = arith.mulf %unpack3A_1035, %get3A_924 : vector<16xf32>
        %add3A_1046 = arith.addf %add3A_906, %mul3A_1045 : vector<16xf32>
        %mul3A_1047 = arith.mulf %unpack3A_1036, %get3A_946 : vector<16xf32>
        %add3A_1048 = arith.addf %add3A_1046, %mul3A_1047 : vector<16xf32>
        %mul3A_1049 = arith.mulf %unpack3A_1035, %get3A_928 : vector<16xf32>
        %add3A_1050 = arith.addf %add3A_910, %mul3A_1049 : vector<16xf32>
        %mul3A_1051 = arith.mulf %unpack3A_1036, %get3A_952 : vector<16xf32>
        %add3A_1052 = arith.addf %add3A_1050, %mul3A_1051 : vector<16xf32>
        scf.yield %add3A_965, %add3A_969, %add3A_973, %add3A_977, %add3A_990, %add3A_994, %add3A_998, %add3A_1002, %add3A_1015, %add3A_1019, %add3A_1023, %add3A_1027, %add3A_1040, %add3A_1044, %add3A_1048, %add3A_1052 : vector<16xf32>, vector<16xf32>, vector<16xf32>, vector<16xf32>, vector<16xf32>, vector<16xf32>, vector<16xf32>, vector<16xf32>, vector<16xf32>, vector<16xf32>, vector<16xf32>, vector<16xf32>, vector<16xf32>, vector<16xf32>, vector<16xf32>, vector<16xf32>
      }
      %scan3A_634 = arith.constant 200 : i32
      %ge3A_635 = arith.constant 2 : i32
      %ge3A_636 = arith.cmpi sge, %add3A_492, %ge3A_635 : i32
      %convert_element_type3A_637 = arith.extui %ge3A_636 : i1 to i32
      %cond3A_638 = arith.constant 0 : i32
      %cond3A_639 = arith.cmpi ne, %convert_element_type3A_637, %cond3A_638 : i32
      scf.if %cond3A_639 {
        %sub3A = arith.constant 2 : i32
        %sub3A_752 = arith.subi %add3A_492, %sub3A : i32
        %mul3A_753 = arith.constant 4 : i32
        %mul3A_754 = arith.muli %sub3A_752, %mul3A_753 : i32
        %add3A_755 = arith.addi %mul3A_2, %mul3A_754 : i32
        %dma_wait3A_756 = arith.constant 1 : i32
        %dma_wait3A_757 = arith.constant 0 : i32
        %dma_wait3A_758 = arith.constant 0 : i32
        %dma_wait3A_759 = tpu.memref_slice %arg9[%dma_wait3A_756, %dma_wait3A_757, %dma_wait3A_758] : memref<2x4x64xf32, #tpu.memory_space<vmem>> -> memref<1x4x64xf32, #tpu.memory_space<vmem>>
        %dma_wait3A_760 = tpu.memref_squeeze %dma_wait3A_759 : memref<1x4x64xf32, #tpu.memory_space<vmem>> -> memref<4x64xf32, #tpu.memory_space<vmem>>
        %dma_wait3A_761 = arith.constant 0 : i32
        %dma_wait3A_762 = tpu.memref_slice %arg5[%add3A_755, %dma_wait3A_761] : memref<4096x64xf32, #tpu.memory_space<hbm>> -> memref<4x64xf32, #tpu.memory_space<hbm>>
        %dma_wait3A_763 = arith.constant 0 : i32
        %dma_wait3A_764 = tpu.memref_slice %arg5[%add3A_755, %dma_wait3A_763] : memref<4096x64xf32, #tpu.memory_space<hbm>> -> memref<4x64xf32, #tpu.memory_space<hbm>>
        %dma_wait3A_765 = arith.constant 0 : i32
        %dma_wait3A_766 = arith.constant 0 : i32
        %dma_wait3A_767 = tpu.memref_slice %arg9[%dma_wait3A_756, %dma_wait3A_765, %dma_wait3A_766] : memref<2x4x64xf32, #tpu.memory_space<vmem>> -> memref<1x4x64xf32, #tpu.memory_space<vmem>>
        %dma_wait3A_768 = tpu.memref_squeeze %dma_wait3A_767 : memref<1x4x64xf32, #tpu.memory_space<vmem>> -> memref<4x64xf32, #tpu.memory_space<vmem>>
        tpu.wait_dma2 semaphore(%arg13 : memref<!tpu.dma_semaphore, #tpu.memory_space<semaphore_mem>>) src(%dma_wait3A_768 : memref<4x64xf32, #tpu.memory_space<vmem>>) dst(%dma_wait3A_764 : memref<4x64xf32, #tpu.memory_space<hbm>>)
      } else {
      }
      %swap3A_640 = arith.constant 1 : i32
      %swap3A_641 = arith.constant 0 : i32
      %swap3A_642 = arith.index_cast %swap3A_640 : i32 to index
      %swap3A_643 = arith.index_cast %swap3A_641 : i32 to index
      %swap3A_644 = arith.constant 0 : index
      %swap3A_645 = tpu.vector_load %arg9[%swap3A_642, %swap3A_643, %swap3A_644] {strides = array<i32>} : memref<2x4x64xf32, #tpu.memory_space<vmem>>, vector<16xf32>,
      tpu.vector_store %arg9[%swap3A_642, %swap3A_643, %swap3A_644], %scan3A_633#0 {strides = array<i32>} : memref<2x4x64xf32, #tpu.memory_space<vmem>>, vector<16xf32>,
      %swap3A_646 = arith.constant 1 : i32
      %swap3A_647 = arith.constant 0 : i32
      %swap3A_648 = arith.index_cast %swap3A_646 : i32 to index
      %swap3A_649 = arith.index_cast %swap3A_647 : i32 to index
      %swap3A_650 = arith.constant 16 : index
      %swap3A_651 = tpu.vector_load %arg9[%swap3A_648, %swap3A_649, %swap3A_650] {strides = array<i32>} : memref<2x4x64xf32, #tpu.memory_space<vmem>>, vector<16xf32>,
      tpu.vector_store %arg9[%swap3A_648, %swap3A_649, %swap3A_650], %scan3A_633#1 {strides = array<i32>} : memref<2x4x64xf32, #tpu.memory_space<vmem>>, vector<16xf32>,
      %swap3A_652 = arith.constant 1 : i32
      %swap3A_653 = arith.constant 0 : i32
      %swap3A_654 = arith.index_cast %swap3A_652 : i32 to index
      %swap3A_655 = arith.index_cast %swap3A_653 : i32 to index
      %swap3A_656 = arith.constant 32 : index
      %swap3A_657 = tpu.vector_load %arg9[%swap3A_654, %swap3A_655, %swap3A_656] {strides = array<i32>} : memref<2x4x64xf32, #tpu.memory_space<vmem>>, vector<16xf32>,
      tpu.vector_store %arg9[%swap3A_654, %swap3A_655, %swap3A_656], %scan3A_633#2 {strides = array<i32>} : memref<2x4x64xf32, #tpu.memory_space<vmem>>, vector<16xf32>,
      %swap3A_658 = arith.constant 1 : i32
      %swap3A_659 = arith.constant 0 : i32
      %swap3A_660 = arith.index_cast %swap3A_658 : i32 to index
      %swap3A_661 = arith.index_cast %swap3A_659 : i32 to index
      %swap3A_662 = arith.constant 48 : index
      %swap3A_663 = tpu.vector_load %arg9[%swap3A_660, %swap3A_661, %swap3A_662] {strides = array<i32>} : memref<2x4x64xf32, #tpu.memory_space<vmem>>, vector<16xf32>,
      tpu.vector_store %arg9[%swap3A_660, %swap3A_661, %swap3A_662], %scan3A_633#3 {strides = array<i32>} : memref<2x4x64xf32, #tpu.memory_space<vmem>>, vector<16xf32>,
      %swap3A_664 = arith.constant 1 : i32
      %swap3A_665 = arith.constant 1 : i32
      %swap3A_666 = arith.index_cast %swap3A_664 : i32 to index
      %swap3A_667 = arith.index_cast %swap3A_665 : i32 to index
      %swap3A_668 = arith.constant 0 : index
      %swap3A_669 = tpu.vector_load %arg9[%swap3A_666, %swap3A_667, %swap3A_668] {strides = array<i32>} : memref<2x4x64xf32, #tpu.memory_space<vmem>>, vector<16xf32>,
      tpu.vector_store %arg9[%swap3A_666, %swap3A_667, %swap3A_668], %scan3A_633#4 {strides = array<i32>} : memref<2x4x64xf32, #tpu.memory_space<vmem>>, vector<16xf32>,
      %swap3A_670 = arith.constant 1 : i32
      %swap3A_671 = arith.constant 1 : i32
      %swap3A_672 = arith.index_cast %swap3A_670 : i32 to index
      %swap3A_673 = arith.index_cast %swap3A_671 : i32 to index
      %swap3A_674 = arith.constant 16 : index
      %swap3A_675 = tpu.vector_load %arg9[%swap3A_672, %swap3A_673, %swap3A_674] {strides = array<i32>} : memref<2x4x64xf32, #tpu.memory_space<vmem>>, vector<16xf32>,
      tpu.vector_store %arg9[%swap3A_672, %swap3A_673, %swap3A_674], %scan3A_633#5 {strides = array<i32>} : memref<2x4x64xf32, #tpu.memory_space<vmem>>, vector<16xf32>,
      %swap3A_676 = arith.constant 1 : i32
      %swap3A_677 = arith.constant 1 : i32
      %swap3A_678 = arith.index_cast %swap3A_676 : i32 to index
      %swap3A_679 = arith.index_cast %swap3A_677 : i32 to index
      %swap3A_680 = arith.constant 32 : index
      %swap3A_681 = tpu.vector_load %arg9[%swap3A_678, %swap3A_679, %swap3A_680] {strides = array<i32>} : memref<2x4x64xf32, #tpu.memory_space<vmem>>, vector<16xf32>,
      tpu.vector_store %arg9[%swap3A_678, %swap3A_679, %swap3A_680], %scan3A_633#6 {strides = array<i32>} : memref<2x4x64xf32, #tpu.memory_space<vmem>>, vector<16xf32>,
      %swap3A_682 = arith.constant 1 : i32
      %swap3A_683 = arith.constant 1 : i32
      %swap3A_684 = arith.index_cast %swap3A_682 : i32 to index
      %swap3A_685 = arith.index_cast %swap3A_683 : i32 to index
      %swap3A_686 = arith.constant 48 : index
      %swap3A_687 = tpu.vector_load %arg9[%swap3A_684, %swap3A_685, %swap3A_686] {strides = array<i32>} : memref<2x4x64xf32, #tpu.memory_space<vmem>>, vector<16xf32>,
      tpu.vector_store %arg9[%swap3A_684, %swap3A_685, %swap3A_686], %scan3A_633#7 {strides = array<i32>} : memref<2x4x64xf32, #tpu.memory_space<vmem>>, vector<16xf32>,
      %swap3A_688 = arith.constant 1 : i32
      %swap3A_689 = arith.constant 2 : i32
      %swap3A_690 = arith.index_cast %swap3A_688 : i32 to index
      %swap3A_691 = arith.index_cast %swap3A_689 : i32 to index
      %swap3A_692 = arith.constant 0 : index
      %swap3A_693 = tpu.vector_load %arg9[%swap3A_690, %swap3A_691, %swap3A_692] {strides = array<i32>} : memref<2x4x64xf32, #tpu.memory_space<vmem>>, vector<16xf32>,
      tpu.vector_store %arg9[%swap3A_690, %swap3A_691, %swap3A_692], %scan3A_633#8 {strides = array<i32>} : memref<2x4x64xf32, #tpu.memory_space<vmem>>, vector<16xf32>,
      %swap3A_694 = arith.constant 1 : i32
      %swap3A_695 = arith.constant 2 : i32
      %swap3A_696 = arith.index_cast %swap3A_694 : i32 to index
      %swap3A_697 = arith.index_cast %swap3A_695 : i32 to index
      %swap3A_698 = arith.constant 16 : index
      %swap3A_699 = tpu.vector_load %arg9[%swap3A_696, %swap3A_697, %swap3A_698] {strides = array<i32>} : memref<2x4x64xf32, #tpu.memory_space<vmem>>, vector<16xf32>,
      tpu.vector_store %arg9[%swap3A_696, %swap3A_697, %swap3A_698], %scan3A_633#9 {strides = array<i32>} : memref<2x4x64xf32, #tpu.memory_space<vmem>>, vector<16xf32>,
      %swap3A_700 = arith.constant 1 : i32
      %swap3A_701 = arith.constant 2 : i32
      %swap3A_702 = arith.index_cast %swap3A_700 : i32 to index
      %swap3A_703 = arith.index_cast %swap3A_701 : i32 to index
      %swap3A_704 = arith.constant 32 : index
      %swap3A_705 = tpu.vector_load %arg9[%swap3A_702, %swap3A_703, %swap3A_704] {strides = array<i32>} : memref<2x4x64xf32, #tpu.memory_space<vmem>>, vector<16xf32>,
      tpu.vector_store %arg9[%swap3A_702, %swap3A_703, %swap3A_704], %scan3A_633#10 {strides = array<i32>} : memref<2x4x64xf32, #tpu.memory_space<vmem>>, vector<16xf32>,
      %swap3A_706 = arith.constant 1 : i32
      %swap3A_707 = arith.constant 2 : i32
      %swap3A_708 = arith.index_cast %swap3A_706 : i32 to index
      %swap3A_709 = arith.index_cast %swap3A_707 : i32 to index
      %swap3A_710 = arith.constant 48 : index
      %swap3A_711 = tpu.vector_load %arg9[%swap3A_708, %swap3A_709, %swap3A_710] {strides = array<i32>} : memref<2x4x64xf32, #tpu.memory_space<vmem>>, vector<16xf32>,
      tpu.vector_store %arg9[%swap3A_708, %swap3A_709, %swap3A_710], %scan3A_633#11 {strides = array<i32>} : memref<2x4x64xf32, #tpu.memory_space<vmem>>, vector<16xf32>,
      %swap3A_712 = arith.constant 1 : i32
      %swap3A_713 = arith.constant 3 : i32
      %swap3A_714 = arith.index_cast %swap3A_712 : i32 to index
      %swap3A_715 = arith.index_cast %swap3A_713 : i32 to index
      %swap3A_716 = arith.constant 0 : index
      %swap3A_717 = tpu.vector_load %arg9[%swap3A_714, %swap3A_715, %swap3A_716] {strides = array<i32>} : memref<2x4x64xf32, #tpu.memory_space<vmem>>, vector<16xf32>,
      tpu.vector_store %arg9[%swap3A_714, %swap3A_715, %swap3A_716], %scan3A_633#12 {strides = array<i32>} : memref<2x4x64xf32, #tpu.memory_space<vmem>>, vector<16xf32>,
      %swap3A_718 = arith.constant 1 : i32
      %swap3A_719 = arith.constant 3 : i32
      %swap3A_720 = arith.index_cast %swap3A_718 : i32 to index
      %swap3A_721 = arith.index_cast %swap3A_719 : i32 to index
      %swap3A_722 = arith.constant 16 : index
      %swap3A_723 = tpu.vector_load %arg9[%swap3A_720, %swap3A_721, %swap3A_722] {strides = array<i32>} : memref<2x4x64xf32, #tpu.memory_space<vmem>>, vector<16xf32>,
      tpu.vector_store %arg9[%swap3A_720, %swap3A_721, %swap3A_722], %scan3A_633#13 {strides = array<i32>} : memref<2x4x64xf32, #tpu.memory_space<vmem>>, vector<16xf32>,
      %swap3A_724 = arith.constant 1 : i32
      %swap3A_725 = arith.constant 3 : i32
      %swap3A_726 = arith.index_cast %swap3A_724 : i32 to index
      %swap3A_727 = arith.index_cast %swap3A_725 : i32 to index
      %swap3A_728 = arith.constant 32 : index
      %swap3A_729 = tpu.vector_load %arg9[%swap3A_726, %swap3A_727, %swap3A_728] {strides = array<i32>} : memref<2x4x64xf32, #tpu.memory_space<vmem>>, vector<16xf32>,
      tpu.vector_store %arg9[%swap3A_726, %swap3A_727, %swap3A_728], %scan3A_633#14 {strides = array<i32>} : memref<2x4x64xf32, #tpu.memory_space<vmem>>, vector<16xf32>,
      %swap3A_730 = arith.constant 1 : i32
      %swap3A_731 = arith.constant 3 : i32
      %swap3A_732 = arith.index_cast %swap3A_730 : i32 to index
      %swap3A_733 = arith.index_cast %swap3A_731 : i32 to index
      %swap3A_734 = arith.constant 48 : index
      %swap3A_735 = tpu.vector_load %arg9[%swap3A_732, %swap3A_733, %swap3A_734] {strides = array<i32>} : memref<2x4x64xf32, #tpu.memory_space<vmem>>, vector<16xf32>,
      tpu.vector_store %arg9[%swap3A_732, %swap3A_733, %swap3A_734], %scan3A_633#15 {strides = array<i32>} : memref<2x4x64xf32, #tpu.memory_space<vmem>>, vector<16xf32>,
      %mul3A_736 = arith.constant 4 : i32
      %mul3A_737 = arith.muli %add3A_492, %mul3A_736 : i32
      %add3A_738 = arith.addi %mul3A_2, %mul3A_737 : i32
      %dma_start3A_739 = arith.constant 1 : i32
      %dma_start3A_740 = arith.constant 0 : i32
      %dma_start3A_741 = arith.constant 0 : i32
      %dma_start3A_742 = tpu.memref_slice %arg9[%dma_start3A_739, %dma_start3A_740, %dma_start3A_741] : memref<2x4x64xf32, #tpu.memory_space<vmem>> -> memref<1x4x64xf32, #tpu.memory_space<vmem>>
      %dma_start3A_743 = tpu.memref_squeeze %dma_start3A_742 : memref<1x4x64xf32, #tpu.memory_space<vmem>> -> memref<4x64xf32, #tpu.memory_space<vmem>>
      %dma_start3A_744 = arith.constant 0 : i32
      %dma_start3A_745 = tpu.memref_slice %arg5[%add3A_738, %dma_start3A_744] : memref<4096x64xf32, #tpu.memory_space<hbm>> -> memref<4x64xf32, #tpu.memory_space<hbm>>
      %dma_start3A_746 = arith.constant 0 : i32
      %dma_start3A_747 = tpu.memref_slice %arg5[%add3A_738, %dma_start3A_746] : memref<4096x64xf32, #tpu.memory_space<hbm>> -> memref<4x64xf32, #tpu.memory_space<hbm>>
      %dma_start3A_748 = arith.constant 0 : i32
      %dma_start3A_749 = arith.constant 0 : i32
      %dma_start3A_750 = tpu.memref_slice %arg9[%dma_start3A_739, %dma_start3A_748, %dma_start3A_749] : memref<2x4x64xf32, #tpu.memory_space<vmem>> -> memref<1x4x64xf32, #tpu.memory_space<vmem>>
      %dma_start3A_751 = tpu.memref_squeeze %dma_start3A_750 : memref<1x4x64xf32, #tpu.memory_space<vmem>> -> memref<4x64xf32, #tpu.memory_space<vmem>>
      tpu.enqueue_dma source(%dma_start3A_751 : memref<4x64xf32, #tpu.memory_space<vmem>>) target(%dma_start3A_747 : memref<4x64xf32, #tpu.memory_space<hbm>>) target_semaphore(%arg13 : memref<!tpu.dma_semaphore, #tpu.memory_space<semaphore_mem>>)
    }
    %scan3A_200 = arith.constant 16 : i32
    %add3A_201 = arith.constant 120 : i32
    %add3A_202 = arith.addi %mul3A_2, %add3A_201 : i32
    %dma_wait3A_203 = arith.constant 0 : i32
    %dma_wait3A_204 = arith.constant 0 : i32
    %dma_wait3A_205 = arith.constant 0 : i32
    %dma_wait3A_206 = tpu.memref_slice %arg9[%dma_wait3A_203, %dma_wait3A_204, %dma_wait3A_205] : memref<2x4x64xf32, #tpu.memory_space<vmem>> -> memref<1x4x64xf32, #tpu.memory_space<vmem>>
    %dma_wait3A_207 = tpu.memref_squeeze %dma_wait3A_206 : memref<1x4x64xf32, #tpu.memory_space<vmem>> -> memref<4x64xf32, #tpu.memory_space<vmem>>
    %dma_wait3A_208 = arith.constant 0 : i32
    %dma_wait3A_209 = tpu.memref_slice %arg5[%add3A_202, %dma_wait3A_208] : memref<4096x64xf32, #tpu.memory_space<hbm>> -> memref<4x64xf32, #tpu.memory_space<hbm>>
    %dma_wait3A_210 = arith.constant 0 : i32
    %dma_wait3A_211 = tpu.memref_slice %arg5[%add3A_202, %dma_wait3A_210] : memref<4096x64xf32, #tpu.memory_space<hbm>> -> memref<4x64xf32, #tpu.memory_space<hbm>>
    %dma_wait3A_212 = arith.constant 0 : i32
    %dma_wait3A_213 = arith.constant 0 : i32
    %dma_wait3A_214 = tpu.memref_slice %arg9[%dma_wait3A_203, %dma_wait3A_212, %dma_wait3A_213] : memref<2x4x64xf32, #tpu.memory_space<vmem>> -> memref<1x4x64xf32, #tpu.memory_space<vmem>>
    %dma_wait3A_215 = tpu.memref_squeeze %dma_wait3A_214 : memref<1x4x64xf32, #tpu.memory_space<vmem>> -> memref<4x64xf32, #tpu.memory_space<vmem>>
    tpu.wait_dma2 semaphore(%arg13 : memref<!tpu.dma_semaphore, #tpu.memory_space<semaphore_mem>>) src(%dma_wait3A_215 : memref<4x64xf32, #tpu.memory_space<vmem>>) dst(%dma_wait3A_211 : memref<4x64xf32, #tpu.memory_space<hbm>>)
    %add3A_216 = arith.constant 124 : i32
    %add3A_217 = arith.addi %mul3A_2, %add3A_216 : i32
    %dma_wait3A_218 = arith.constant 1 : i32
    %dma_wait3A_219 = arith.constant 0 : i32
    %dma_wait3A_220 = arith.constant 0 : i32
    %dma_wait3A_221 = tpu.memref_slice %arg9[%dma_wait3A_218, %dma_wait3A_219, %dma_wait3A_220] : memref<2x4x64xf32, #tpu.memory_space<vmem>> -> memref<1x4x64xf32, #tpu.memory_space<vmem>>
    %dma_wait3A_222 = tpu.memref_squeeze %dma_wait3A_221 : memref<1x4x64xf32, #tpu.memory_space<vmem>> -> memref<4x64xf32, #tpu.memory_space<vmem>>
    %dma_wait3A_223 = arith.constant 0 : i32
    %dma_wait3A_224 = tpu.memref_slice %arg5[%add3A_217, %dma_wait3A_223] : memref<4096x64xf32, #tpu.memory_space<hbm>> -> memref<4x64xf32, #tpu.memory_space<hbm>>
    %dma_wait3A_225 = arith.constant 0 : i32
    %dma_wait3A_226 = tpu.memref_slice %arg5[%add3A_217, %dma_wait3A_225] : memref<4096x64xf32, #tpu.memory_space<hbm>> -> memref<4x64xf32, #tpu.memory_space<hbm>>
    %dma_wait3A_227 = arith.constant 0 : i32
    %dma_wait3A_228 = arith.constant 0 : i32
    %dma_wait3A_229 = tpu.memref_slice %arg9[%dma_wait3A_218, %dma_wait3A_227, %dma_wait3A_228] : memref<2x4x64xf32, #tpu.memory_space<vmem>> -> memref<1x4x64xf32, #tpu.memory_space<vmem>>
    %dma_wait3A_230 = tpu.memref_squeeze %dma_wait3A_229 : memref<1x4x64xf32, #tpu.memory_space<vmem>> -> memref<4x64xf32, #tpu.memory_space<vmem>>
    tpu.wait_dma2 semaphore(%arg13 : memref<!tpu.dma_semaphore, #tpu.memory_space<semaphore_mem>>) src(%dma_wait3A_230 : memref<4x64xf32, #tpu.memory_space<vmem>>) dst(%dma_wait3A_226 : memref<4x64xf32, #tpu.memory_space<hbm>>)
    return
  }
}

module attributes {stable_mosaic.version = 14 : i64} {
  func.func @_head_body(%arg0: memref<4096x64xf32, #tpu.memory_space<vmem>>, %arg1: memref<64x4xf32, #tpu.memory_space<vmem>>, %arg2: memref<1x4xf32, #tpu.memory_space<vmem>>, %arg3: memref<4x3xf32, #tpu.memory_space<vmem>>, %arg4: memref<1x3xf32, #tpu.memory_space<vmem>>, %arg5: memref<3x3xf32, #tpu.memory_space<vmem>>, %arg6: memref<1x3xf32, #tpu.memory_space<vmem>>, %arg7: memref<3x2xf32, #tpu.memory_space<vmem>>, %arg8: memref<1x2xf32, #tpu.memory_space<vmem>>, %arg9: memref<4096x2xf32, #tpu.memory_space<vmem>>) attributes {dimension_semantics = [], scalar_prefetch = 0 : i64, scratch_operands = 0 : i64, tpu.core_type = #tpu.core_type<tc>} {
    %get3A = arith.constant 0 : index
    %get3A_0 = arith.constant 0 : index
    %get3A_1 = vector.load %arg0[%get3A, %get3A_0] : memref<4096x64xf32, #tpu.memory_space<vmem>>, vector<4096x64xf32>
    %get3A_2 = arith.constant 0 : index
    %get3A_3 = arith.constant 0 : index
    %get3A_4 = vector.load %arg1[%get3A_2, %get3A_3] : memref<64x4xf32, #tpu.memory_space<vmem>>, vector<64x4xf32>
    %dot_general3A = arith.constant dense<0.000000e+00> : vector<4096x4xf32>
    %dot_general3A_5 = tpu.matmul %get3A_1, %get3A_4, %dot_general3A {dimension_numbers = #tpu.dot_dimension_numbers<[1], [0], [0], [1], [0, 0, 1, 1], [], []>, transpose_lhs_hint = false} : vector<4096x64xf32>, vector<64x4xf32>, vector<4096x4xf32> -> vector<4096x4xf32>
    %get3A_6 = arith.constant 0 : index
    %get3A_7 = arith.constant 0 : index
    %get3A_8 = vector.load %arg2[%get3A_6, %get3A_7] : memref<1x4xf32, #tpu.memory_space<vmem>>, vector<1x4xf32>
    %add3A = vector.broadcast %get3A_8 : vector<1x4xf32> to vector<4096x4xf32>
    %add3A_9 = arith.addf %dot_general3A_5, %add3A : vector<4096x4xf32>
    %max3A = arith.constant 0.000000e+00 : f32
    %max3A_10 = vector.broadcast %max3A : f32 to vector<4096x4xf32>
    %max3A_11 = arith.maximumf %add3A_9, %max3A_10 : vector<4096x4xf32>
    %get3A_12 = arith.constant 0 : index
    %get3A_13 = arith.constant 0 : index
    %get3A_14 = vector.load %arg3[%get3A_12, %get3A_13] : memref<4x3xf32, #tpu.memory_space<vmem>>, vector<4x3xf32>
    %dot_general3A_15 = arith.constant dense<0.000000e+00> : vector<4096x3xf32>
    %dot_general3A_16 = tpu.matmul %max3A_11, %get3A_14, %dot_general3A_15 {dimension_numbers = #tpu.dot_dimension_numbers<[1], [0], [0], [1], [0, 0, 1, 1], [], []>, transpose_lhs_hint = false} : vector<4096x4xf32>, vector<4x3xf32>, vector<4096x3xf32> -> vector<4096x3xf32>
    %get3A_17 = arith.constant 0 : index
    %get3A_18 = arith.constant 0 : index
    %get3A_19 = vector.load %arg4[%get3A_17, %get3A_18] : memref<1x3xf32, #tpu.memory_space<vmem>>, vector<1x3xf32>
    %add3A_20 = vector.broadcast %get3A_19 : vector<1x3xf32> to vector<4096x3xf32>
    %add3A_21 = arith.addf %dot_general3A_16, %add3A_20 : vector<4096x3xf32>
    %max3A_22 = arith.constant 0.000000e+00 : f32
    %max3A_23 = vector.broadcast %max3A_22 : f32 to vector<4096x3xf32>
    %max3A_24 = arith.maximumf %add3A_21, %max3A_23 : vector<4096x3xf32>
    %get3A_25 = arith.constant 0 : index
    %get3A_26 = arith.constant 0 : index
    %get3A_27 = vector.load %arg5[%get3A_25, %get3A_26] : memref<3x3xf32, #tpu.memory_space<vmem>>, vector<3x3xf32>
    %dot_general3A_28 = arith.constant dense<0.000000e+00> : vector<4096x3xf32>
    %dot_general3A_29 = tpu.matmul %max3A_24, %get3A_27, %dot_general3A_28 {dimension_numbers = #tpu.dot_dimension_numbers<[1], [0], [0], [1], [0, 0, 1, 1], [], []>, transpose_lhs_hint = false} : vector<4096x3xf32>, vector<3x3xf32>, vector<4096x3xf32> -> vector<4096x3xf32>
    %get3A_30 = arith.constant 0 : index
    %get3A_31 = arith.constant 0 : index
    %get3A_32 = vector.load %arg6[%get3A_30, %get3A_31] : memref<1x3xf32, #tpu.memory_space<vmem>>, vector<1x3xf32>
    %add3A_33 = vector.broadcast %get3A_32 : vector<1x3xf32> to vector<4096x3xf32>
    %add3A_34 = arith.addf %dot_general3A_29, %add3A_33 : vector<4096x3xf32>
    %max3A_35 = arith.constant 0.000000e+00 : f32
    %max3A_36 = vector.broadcast %max3A_35 : f32 to vector<4096x3xf32>
    %max3A_37 = arith.maximumf %add3A_34, %max3A_36 : vector<4096x3xf32>
    %get3A_38 = arith.constant 0 : index
    %get3A_39 = arith.constant 0 : index
    %get3A_40 = vector.load %arg7[%get3A_38, %get3A_39] : memref<3x2xf32, #tpu.memory_space<vmem>>, vector<3x2xf32>
    %dot_general3A_41 = arith.constant dense<0.000000e+00> : vector<4096x2xf32>
    %dot_general3A_42 = tpu.matmul %max3A_37, %get3A_40, %dot_general3A_41 {dimension_numbers = #tpu.dot_dimension_numbers<[1], [0], [0], [1], [0, 0, 1, 1], [], []>, transpose_lhs_hint = false} : vector<4096x3xf32>, vector<3x2xf32>, vector<4096x2xf32> -> vector<4096x2xf32>
    %get3A_43 = arith.constant 0 : index
    %get3A_44 = arith.constant 0 : index
    %get3A_45 = vector.load %arg8[%get3A_43, %get3A_44] : memref<1x2xf32, #tpu.memory_space<vmem>>, vector<1x2xf32>
    %add3A_46 = vector.broadcast %get3A_45 : vector<1x2xf32> to vector<4096x2xf32>
    %add3A_47 = arith.addf %dot_general3A_42, %add3A_46 : vector<4096x2xf32>
    %reduce_max3A = arith.constant dense<0xFF800000> : vector<4096xf32>
    %reduce_max3A_48 = vector.multi_reduction <maximumf>, %add3A_47, %reduce_max3A [1] : vector<4096x2xf32> to vector<4096xf32>
    %broadcast_in_dim3A = vector.shape_cast %reduce_max3A_48 : vector<4096xf32> to vector<4096x1xf32>
    %sub3A = vector.broadcast %broadcast_in_dim3A : vector<4096x1xf32> to vector<4096x2xf32>
    %sub3A_49 = arith.subf %add3A_47, %sub3A : vector<4096x2xf32>
    %exp3A = math.exp %sub3A_49 : vector<4096x2xf32>
    %reduce_sum3A = arith.constant dense<0.000000e+00> : vector<4096xf32>
    %reduce_sum3A_50 = vector.multi_reduction <add>, %exp3A, %reduce_sum3A [1] : vector<4096x2xf32> to vector<4096xf32>
    %broadcast_in_dim3A_51 = vector.shape_cast %reduce_sum3A_50 : vector<4096xf32> to vector<4096x1xf32>
    %log3A = math.log %broadcast_in_dim3A_51 : vector<4096x1xf32>
    %add3A_52 = arith.addf %broadcast_in_dim3A, %log3A : vector<4096x1xf32>
    %sub3A_53 = vector.broadcast %add3A_52 : vector<4096x1xf32> to vector<4096x2xf32>
    %sub3A_54 = arith.subf %add3A_47, %sub3A_53 : vector<4096x2xf32>
    %swap3A = arith.constant 0 : index
    %swap3A_55 = arith.constant 0 : index
    %swap3A_56 = vector.load %arg9[%swap3A, %swap3A_55] : memref<4096x2xf32, #tpu.memory_space<vmem>>, vector<4096x2xf32>
    tpu.vector_store %arg9[%swap3A, %swap3A_55], %sub3A_54 {strides = array<i32>} : memref<4096x2xf32, #tpu.memory_space<vmem>>, vector<4096x2xf32>,
    return
  }
}

</mosaic_0001>

<sc_bundles>
// kernel: kernel.4.cloned.1.call-start
scs
__scs_entry_jumppad:
0x0: {  	(pc) =	sbr.rel $0x88, $3  }
0x1: {  	(tag) =	ssettag $0x0;
	lr =	simm.s32 $0x1  }
0x2: {  	[smem:$0x3F97] =	sst lr;
	_ =	strace $0xD0000000  }
0x3: {  	_ = 	snop  }
0x4: {  	_ = 	snop  }
0x5: {  	_ = 	snop  }
0x6: {  	_ = 	snop  }
0x7: {  	_ = 	snop  }
__scs_overlays_trampoline_lowered:
0x8: {  	[smem:$0x3FA6] =	sst s0  }
0x9: {  	[smem:$0x3FA7] =	sst s1  }
0xa: {  	[smem:$0x3FA8] =	sst s2  }
0xb: {  	[smem:$0x3FA9] =	sst s3  }
0xc: {  	[smem:$0x3FAA] =	sst s4  }
0xd: {  	[smem:$0x3FAB] =	sst s5  }
0xe: {  	[smem:$0x3FAC] =	sst s6  }
0xf: {  	[smem:$0x3FAD] =	sst s7  }
0x10: {  	[smem:$0x3FAE] =	sst s8  }
0x11: {  	[smem:$0x3FAF] =	sst s9;
	s0 =	simm.s32 @!p0 $0x0  }
0x12: {  	s1 =	sld [smem:$0x3F95];
	s0 =	simm.s32 @p0 $0x1  }
0x13: {  	[smem:$0x3FB0] =	sst s0;
	s0 =	simm.s32 @!p1 $0x0  }
0x14: {  	s2 =	sld [smem:$0x3F94];
	s0 =	simm.s32 @p1 $0x1  }
0x15: {  	[smem:$0x3FB1] =	sst s0;
	s0 =	simm.s32 @!p2 $0x0  }
0x16: {  	s3 =	sld [smem:$0x3FDB];
	s0 =	simm.s32 @p2 $0x1  }
0x17: {  	s4 =	simm.s32 $0x1BF5;
	[smem:$0x3FB3] =	sst s0  }
0x18: {  	s0 =	sld [smem:$0x3F96];
	_ =	swait.ge [sflag:s4], $0x0  }
0x19: {  	s7 =	sld [smem:$0x3F97]  }
0x1a: {  	s8 =	sadd.s32 $0xFFFFE003, lr  }
0x1b: {  	s9 =	sadd.s32 $0xFFFFFEF7, lr;
	s5 =	simm.s32 $0xFFFFFFFF;
	p2 =	slt.u32 s8, $0xFFFFF086  }
0x1c: {  	p1 =	slt.u32 s9, $0xF7A;
	s5 =	simm.s32 @!p2 $0x0  }
0x1d: {  	s5 =	simm.s32 @p1 $0x1;
	p0 =	seq.s32 s7, s2  }
0x1e: {  	s7 =	smul.u32 @!p0 $0xF7A, s2;
	p2 =	seq.s32 @!p0 s5, $0x0  }
0x1f: {  	s9 =	smul.u32 $0xF7A, s1;
	s8 =	simm.s32 @!p0 $0x1BF5;
	p2 =	por !p2, p0  }
0x20: {  	[sflag:s8] =	ssyncset.s32 @!p0 $0xFFFFF086;
	s6 =	sadd.s32 @!p0 s3, s7;
	s7 =	simm.s32 @!p0 $0x108  }
0x21: {  	s3 =	sadd.s32 s3, s9;
	s6 =	sadd.s32 @!p0 $0x88, s6;
	s7 =	simm.s32 @p2 $0x1082  }
0x22: {  	[simem:s7], [sflag:s8] =	dma.local @!p0 [hbm:s6], $0xF7A  }
0x23: {  	s9 =	sor.u32 $0xD0000000, s2;
	s6 =	simm.s32 $0x108;
	_ =	swait.ge @!p0 [sflag:s8], $0x0  }
0x24: {  	s3 =	sadd.s32 $0x88, s3;
	s6 =	simm.s32 @!p1 $0x1082;
	[sflag:s4] =	ssyncset.s32 $0xFFFFF086  }
0x25: {  	[simem:s6], [sflag:s4] =	dma.local [hbm:s3], $0xF7A  }
0x26: {  	[smem:$0x3F97] =	sst s1;
	(tag) =	ssettag s2;
	_ =	strace s9  }
0x27: {  	s1 =	sld [smem:$0x3FA7]  }
0x28: {  	s2 =	sld [smem:$0x3FA8]  }
0x29: {  	s4 =	sld [smem:$0x3FAA]  }
0x2a: {  	p0 =	seq.s32 s5, $0x0;
	s5 =	sld [smem:$0x3FAB]  }
0x2b: {  	s6 =	sld [smem:$0x3FAC]  }
0x2c: {  	s7 =	sld [smem:$0x3FAD]  }
0x2d: {  	s3 =	simm.s32 $0x108;
	s8 =	sld [smem:$0x3FAE]  }
0x2e: {  	s3 =	simm.s32 @!p0 $0x1082;
	s9 =	sld [smem:$0x3FAF]  }
0x2f: {  	lr =	sadd.s32 s0, s3;
	s0 =	sld [smem:$0x3FA6]  }
0x30: {  	s3 =	sld [smem:$0x3FA9]  }
0x31: {  	[smem:$0x3FB2] =	sst s10  }
0x32: {  	s10 =	sld [smem:$0x3FB0];
	_ =	sdelay $0x3  }
0x33: {  	p0 =	seq.s32 s10, $0x1;
	s10 =	sld [smem:$0x3FB2];
	_ =	sdelay $0x3  }
0x34: {  	[smem:$0x3FB2] =	sst s10  }
0x35: {  	s10 =	sld [smem:$0x3FB1];
	_ =	sdelay $0x3  }
0x36: {  	p1 =	seq.s32 s10, $0x1;
	s10 =	sld [smem:$0x3FB2];
	_ =	sdelay $0x3  }
0x37: {  	[smem:$0x3FB2] =	sst s10  }
0x38: {  	s10 =	sld [smem:$0x3FB3]  }
0x39: {  	_ = 	snop;
	(pc) =	sbr.ind lr, $3  }
0x3a: {  	_ = 	snop  }
0x3b: {  	_ = 	snop  }
0x3c: {  	p2 =	seq.s32 s10, $0x1;
	s10 =	sld [smem:$0x3FB2]  }
0x3d: {  	_ =	shalt  }
0x3e: {  	_ =	shalt  }
0x3f: {  	_ =	shalt  }
0x40: {  	_ =	shalt  }
0x41: {  	_ =	shalt  }
0x42: {  	_ =	shalt  }
0x43: {  	_ =	shalt  }
0x44: {  	_ =	shalt  }
0x45: {  	_ =	shalt  }
0x46: {  	_ =	shalt  }
0x47: {  	_ =	shalt  }
0x48: {  	_ =	shalt  }
0x49: {  	_ =	shalt  }
0x4a: {  	_ =	shalt  }
0x4b: {  	_ =	shalt  }
0x4c: {  	_ =	shalt  }
0x4d: {  	_ =	shalt  }
0x4e: {  	_ =	shalt  }
0x4f: {  	_ =	shalt  }
0x50: {  	_ =	shalt  }
0x51: {  	_ =	shalt  }
0x52: {  	_ =	shalt  }
0x53: {  	_ =	shalt  }
0x54: {  	_ =	shalt  }
0x55: {  	_ =	shalt  }
0x56: {  	_ =	shalt  }
0x57: {  	_ =	shalt  }
0x58: {  	_ =	shalt  }
0x59: {  	_ =	shalt  }
0x5a: {  	_ =	shalt  }
0x5b: {  	_ =	shalt  }
0x5c: {  	_ =	shalt  }
0x5d: {  	_ =	shalt  }
0x5e: {  	_ =	shalt  }
0x5f: {  	_ =	shalt  }
0x60: {  	_ =	shalt  }
0x61: {  	_ =	shalt  }
0x62: {  	_ =	shalt  }
0x63: {  	_ =	shalt  }
0x64: {  	_ =	shalt  }
0x65: {  	_ =	shalt  }
0x66: {  	_ =	shalt  }
0x67: {  	_ =	shalt  }
0x68: {  	_ =	shalt  }
0x69: {  	_ =	shalt  }
0x6a: {  	_ =	shalt  }
0x6b: {  	_ =	shalt  }
0x6c: {  	_ =	shalt  }
0x6d: {  	_ =	shalt  }
0x6e: {  	_ =	shalt  }
0x6f: {  	_ =	shalt  }
0x70: {  	_ =	shalt  }
0x71: {  	_ =	shalt  }
0x72: {  	_ =	shalt  }
0x73: {  	_ =	shalt  }
0x74: {  	_ =	shalt  }
0x75: {  	_ =	shalt  }
0x76: {  	_ =	shalt  }
0x77: {  	_ =	shalt  }
0x78: {  	_ =	shalt  }
0x79: {  	_ =	shalt  }
0x7a: {  	_ =	shalt  }
0x7b: {  	_ =	shalt  }
0x7c: {  	_ =	shalt  }
0x7d: {  	_ =	shalt  }
0x7e: {  	_ =	shalt  }
0x7f: {  	_ =	shalt  }
0x80: {  	_ =	shalt  }
0x81: {  	_ =	shalt  }
0x82: {  	_ =	shalt  }
0x83: {  	_ =	shalt  }
0x84: {  	_ =	shalt  }
0x85: {  	_ =	shalt  }
0x86: {  	_ =	shalt  }
0x87: {  	_ =	shalt  }
.Lfunc_end0:
.L_simem_size_0:
called_computation_lowered:
.L_overlay_start_0:
0x88: {  	s2 =	sld [smem:$0x3FD9]  }
0x89: {  	s3 =	sld [smem:$0x3FFE];
	_ =	sdelay $0x1  }
0x8a: {  	s1 =	srdreg.scid  }
0x8b: {  	s0 =	sand.u32 $0x1, s1  }
0x8c: {  	s16 =	sshll.u32 s0, $0xA;
	s2 =	sadd.s32 s3, s2  }
0x8d: {  	s2 =	sadd.s32 s2, s16  }
0x8e: {  	[smem:$0x3FBE] =	sst s2  }
0x8f: {  	_ = 	snop  }
0x90: {  	(tm) =	ssettm $0x1  }
0x91: {  	s17 =	sld [smem:$0x3FFB];
	_ =	sdelay $0x3  }
0x92: {  	_ =	strace s17  }
0x93: {  	s2 =	sld [smem:$0x3FFC];
	_ =	sdelay $0x3  }
0x94: {  	_ =	strace s2  }
0x95: {  	s2 =	sld [smem:$0x3FFD];
	_ =	sdelay $0x3  }
0x96: {  	_ =	strace s2  }
0x97: {  	_ =	strace $0x8FFFFFFF  }
0x98: {  	s18 =	sld [smem:$0x3FDB];
	_ =	sdelay $0x1  }
0x99: {  	s19 =	simm.s32 $_scs_section_size  }
0x9a: {  	s4 =	simm.s32 $_size__tile_overlayer_lowered;
	s5 =	simm.s32 $_tile_overlayer_lowered  }
0x9b: {  	s22 =	simm.s32 $0x1BFF;
	s21 =	sshll.u32 s5, $0x1;
	s2 =	sadd.s32 s19, s18  }
0x9c: {  	s6 =	simm.s32 $0x0;
	s20 =	sshll.u32 s4, $0x1;
	s4 =	sadd.s32 s21, s2  }
0x9d: {  	[timem:s6], [sflag:s22] =	dma.local [hbm:s4], s20  }
0x9e: {  	_ =	swait.ge [sflag:s22], s20  }
0x9f: {  	s3 =	ssub.s32 $0x0, s20;
	[sflag:s22] =	ssyncset.done $0x0  }
0xa0: {  	[sflag:s22] =	ssyncadd.s32 s3;
	_ =	sdelay $0x1  }
0xa1: {  	s23 =	simm.s32 $0x1B8B  }
0xa2: {  	_ =	swait.ge [sflag:s23], $0x1  }
0xa3: {  	[sflag:s23] =	ssyncset.done $0x0  }
0xa4: {  	s25 =	simm.s32 $0x1B8E;
	s24 =	sld [smem:$0x3FFE];
	[sflag:s23] =	ssyncadd.s32 $0xFFFFFFFF  }
0xa5: {  	s26 =	simm.s32 $execute0_lowered;
	[smem:$0x3FD2] =	sst s25  }
0xa6: {  	s4 =	sshll.u32 s26, $0x1;
	_ =	strace $0x80000046;
	[dreg:$0x1] =	wrdreg $0xFFFFFFFF  }
0xa7: {  	s28 =	simm.s32 $_size_execute0_lowered;
	s2 =	sadd.s32 s2, s4;
	[dreg:$0x0] =	wrdreg $0x0  }
0xa8: {  	s4 =	sshll.u32 s28, $0x1;
	[dreg:$0x2] =	wrdreg s2  }
0xa9: {  	[dreg:$0x3] =	wrdreg s4  }
0xaa: {  	[dreg:$0x4] =	wrdreg $0xC0  }
0xab: {  	_ =	task [dreg:s6], $0x5FFFF  }
0xac: {  	[dreg:$0x1] =	wrdreg $0xFFFFFFFF  }
0xad: {  	[dreg:$0x0] =	wrdreg $0x60  }
0xae: {  	[dreg:$0x2] =	wrdreg s24  }
0xaf: {  	[dreg:$0x3] =	wrdreg $0x9  }
0xb0: {  	_ =	task.clear_ibuf [dreg:s6], $0x4FFFF;
	_ =	strace $0x90000046  }
0xb1: {  	s29 =	simm.s32 $0x9;
	_ =	strace $0x80000048  }
0xb2: {  	_ =	swait.ge [sflag:s29], $0x1  }
0xb3: {  	[sflag:s29] =	ssyncadd.s32 $0xFFFFFFFF  }
0xb4: {  	_ =	strace $0x90000048  }
0xb5: {  	_ =	sfence  }
0xb6: {  	s30 =	sld [smem:$0x0];
	_ =	sdelay $0x2  }
0xb7: {  	s31 =	sshll.u32 s1, $0xD;
	s1 =	sshrl.u32 s1, $0x2  }
0xb8: {  	s3 =	sand.u32 $0x4000, s31;
	s1 =	sadd.s32 s1, s30  }
0xb9: {  	s0 =	sor.u32 s3, s0;
	s1 =	sshll.u32 s1, $0x11  }
0xba: {  	s0 =	sor.u32 s1, s0  }
0xbb: {  	s0 =	sadd.s32 $0x8F2B, s0  }
0xbc: {  	[sflag:s0] =	ssyncadd.remote.s32 $0x1  }
0xbd: {  	_ =	sfence.sel $0xFFFF  }
0xbe: {  	[dreg:$0x0] =	wrdreg $0xFFFFFFFF;
	(pc) =	sbr.abs _section_cstart, $3  }
0xbf: {  	[dreg:$0x1] =	wrdreg $0xFFFFFFFF  }
0xc0: {  	_ =	task.clear_ibuf [dreg:s6], $0x2FFFF;
	_ =	strace $0x9FFFFFFF  }
0xc1: {  	(tm) =	ssettm $0x7FFFFFFF  }
tec
execute0_lowered:
.L_overlay_start_1:
0x0: {  	(tag) =	ssettag $0x1  }
0x1: {  	s0 =	rddreg [dreg:$0x0];
	s2 =	simm.s32 $0x0;
	s1 =	srdreg.scid  }
0x2: {  	s3 =	stileid.u32;
	s14 =	simm.s32 $0x3;
	s15 =	simm.s32 $0x64  }
0x3: {  	s19 =	simm.s32 $0x8380;
	s20 =	simm.s32 $0x478;
	s21 =	simm.s32 $0x9000  }
0x4: {  	s22 =	simm.s32 $0x4E0;
	s23 =	simm.s32 $0x9C80;
	s28 =	simm.s32 $0xB580  }
0x5: {  	s29 =	simm.s32 $0x618;
	s30 =	simm.s32 $0xC200;
	s31 =	simm.s32 $0x19680  }
0x6: {  	s12 =	simm.s32 $0x0;
	[smem:$0x7FF] =	sst s2;
	s1 =	sand.u32 $0x1, s1  }
0x7: {  	s3 =	sshll.u32 s3, $0x1;
	s4 =	sadd.s32 $0x1800, s0;
	s7 =	sadd.s32 $0x7D400, s0  }
0x8: {  	_ =	strace $0x80000047;
	s5 =	sor.u32 s1, s3;
	s3 =	sadd.s32 $0x63400, s0  }
0x9: {  	[dreg:$0x2] =	wrdreg s7;
	s1 =	ssub.s32 $0x2, s1;
	s7 =	simm.s32 $0x19780  }
0xa: {  	s6 =	smul.u32 $0xD00, s5;
	s24 =	sshll.u32 s5, $0xA;
	s25 =	sshrl.u32 s1, $0x1  }
0xb: {  	s5 =	sshll.u32 s5, $0x5;
	s0 =	sadd.s32 s24, s0;
	s1 =	ssub.s32 s1, s25  }
0xc: {  	s8 =	sor.u32 $0x2, s5;
	s10 =	sor.u32 $0x3, s5;
	s24 =	simm.s32 $0x548  }
0xd: {  	s25 =	simm.s32 $0xA900;
	s5 =	simm.s32 $0x2;
	s6 =	sadd.s32 s3, s6  }
0xe: {  	s9 =	sadd.s32 $0x7EE00, s0;
	s26 =	smax.u32 s1, $0x1;
	[dreg:$0x3] =	wrdreg s6  }
0xf: {  	s0 =	simm.s32 $0x340;
	s6 =	sadd.s32 $0x68, s6;
	[dreg:$0x5] =	wrdreg s26  }
0x10: {  	s1 =	simm.s32 $0x1;
	s26 =	simm.s32 $0x5B0;
	[dreg:$0x4] =	wrdreg s6  }
.LBB2_1:
0x11: {  	[dreg:$0x6] =	wrdreg s12  }
0x12: {  	s6 =	rddreg [dreg:$0x2];
	s11 =	simm.s32 $0xCE80;
	s18 =	simm.s32 $0x5  }
0x13: {  	[tilespmem:s11], [sflag:$0x5] =	stream.linear.gather [hbm4b:s6+s2], $0xC800, $0x38;
	[tilespmem:$0x19880] =	vst v63  }
0x14: {  	_ =	swait.ge [sflag:s18], $0xC800  }
0x15: {  	[sflag:s18] =	ssyncset.done $0x0  }
0x16: {  	s11 =	rddreg [dreg:$0x3];
	[sflag:s18] =	ssyncadd.s32 $0xFFFF3800  }
0x17: {  	[tilespmem:s2], [sflag:$0x3] =	stream.linear.gather [hbm4b:s11+s2], $0x340, $0x38;
	[tilespmem:$0x19880] =	vst v63  }
0x18: {  	_ =	swait.ge [sflag:s14], $0x340  }
0x19: {  	[sflag:s14] =	ssyncset.done $0x0  }
0x1a: {  	s12 =	simm.s32 $0x680;
	[sflag:s14] =	ssyncadd.s32 $0xFFFFFCC0  }
0x1b: {  	[tilespmem:s12], [sflag:$0x1] =	stream.indirect.gather [hbm4b:s4+s15], $0x20, s2, s15, $0xb8;
	[tilespmem:$0x19880] =	vst v63  }
0x1c: {  	s13 =	simm.s32 $0x68;
	s16 =	simm.s32 $0x1300  }
0x1d: {  	[tilespmem:s16], [sflag:$0x1] =	stream.indirect.gather [hbm4b:s4+s15], $0x20, s13, s15, $0xb8;
	[tilespmem:$0x19880] =	vst v63  }
0x1e: {  	s17 =	simm.s32 $0xD0;
	s18 =	simm.s32 $0x1F80  }
0x1f: {  	[tilespmem:s18], [sflag:$0x1] =	stream.indirect.gather [hbm4b:s4+s15], $0x20, s17, s15, $0xb8;
	[tilespmem:$0x19880] =	vst v63  }
0x20: {  	s11 =	simm.s32 $0x138;
	s12 =	simm.s32 $0x2C00  }
0x21: {  	[tilespmem:s12], [sflag:$0x1] =	stream.indirect.gather [hbm4b:s4+s15], $0x20, s11, s15, $0xb8;
	[tilespmem:$0x19880] =	vst v63  }
0x22: {  	s13 =	simm.s32 $0x1A0;
	s16 =	simm.s32 $0x3880  }
0x23: {  	[tilespmem:s16], [sflag:$0x1] =	stream.indirect.gather [hbm4b:s4+s15], $0x20, s13, s15, $0xb8;
	[tilespmem:$0x19880] =	vst v63  }
0x24: {  	s17 =	simm.s32 $0x208;
	s18 =	simm.s32 $0x4500  }
0x25: {  	[tilespmem:s18], [sflag:$0x1] =	stream.indirect.gather [hbm4b:s4+s15], $0x20, s17, s15, $0xb8;
	[tilespmem:$0x19880] =	vst v63  }
0x26: {  	s12 =	simm.s32 $0x270;
	s13 =	simm.s32 $0x5180  }
0x27: {  	[tilespmem:s13], [sflag:$0x1] =	stream.indirect.gather [hbm4b:s4+s15], $0x20, s12, s15, $0xb8;
	[tilespmem:$0x19880] =	vst v63  }
0x28: {  	s16 =	simm.s32 $0x2D8;
	s17 =	simm.s32 $0x5E00  }
0x29: {  	[tilespmem:s17], [sflag:$0x1] =	stream.indirect.gather [hbm4b:s4+s15], $0x20, s16, s15, $0xb8;
	[tilespmem:$0x19880] =	vst v63  }
0x2a: {  	s18 =	rddreg [dreg:$0x4];
	s13 =	simm.s32 $0x0  }
0x2b: {  	[tilespmem:s0], [sflag:$0x3] =	stream.linear.gather [hbm4b:s18+s2], $0x340, $0x38;
	[tilespmem:$0x19880] =	vst v63  }
.LBB2_2:
0x2c: {  	_ =	swait.ge [sflag:s1], $0xC80  }
0x2d: {  	[sflag:s1] =	ssyncset.done $0x0  }
0x2e: {  	[sflag:s1] =	ssyncadd.s32 $0xFFFFF380  }
0x2f: {  	_ =	swait.ge [sflag:s1], $0xC80  }
0x30: {  	[sflag:s1] =	ssyncset.done $0x0  }
0x31: {  	[sflag:s1] =	ssyncadd.s32 $0xFFFFF380  }
0x32: {  	_ =	swait.ge [sflag:s1], $0xC80  }
0x33: {  	[sflag:s1] =	ssyncset.done $0x0  }
0x34: {  	[sflag:s1] =	ssyncadd.s32 $0xFFFFF380  }
0x35: {  	_ =	swait.ge [sflag:s1], $0xC80  }
0x36: {  	[sflag:s1] =	ssyncset.done $0x0  }
0x37: {  	[sflag:s1] =	ssyncadd.s32 $0xFFFFF380  }
0x38: {  	_ =	swait.ge [sflag:s1], $0xC80  }
0x39: {  	[sflag:s1] =	ssyncset.done $0x0  }
0x3a: {  	[sflag:s1] =	ssyncadd.s32 $0xFFFFF380  }
0x3b: {  	_ =	swait.ge [sflag:s1], $0xC80  }
0x3c: {  	[sflag:s1] =	ssyncset.done $0x0  }
0x3d: {  	[sflag:s1] =	ssyncadd.s32 $0xFFFFF380  }
0x3e: {  	_ =	swait.ge [sflag:s1], $0xC80  }
0x3f: {  	[sflag:s1] =	ssyncset.done $0x0  }
0x40: {  	[sflag:s1] =	ssyncadd.s32 $0xFFFFF380  }
0x41: {  	_ =	swait.ge [sflag:s1], $0xC80  }
0x42: {  	[sflag:s1] =	ssyncset.done $0x0  }
0x43: {  	[sflag:s1] =	ssyncadd.s32 $0xFFFFF380  }
0x44: {  	_ =	swait.ge [sflag:s14], $0x340  }
0x45: {  	[sflag:s14] =	ssyncset.done $0x0  }
0x46: {  	s6 =	simm.s32 $0x6A80;
	[sflag:s14] =	ssyncadd.s32 $0xFFFFFCC0  }
0x47: {  	[tilespmem:s6], [sflag:$0x2] =	stream.indirect.gather [hbm4b:s4+s15], $0x20, s0, s15, $0xb8;
	[tilespmem:$0x19880] =	vst v63  }
0x48: {  	s12 =	simm.s32 $0x3A8;
	s11 =	simm.s32 $0x7700  }
0x49: {  	[tilespmem:s11], [sflag:$0x2] =	stream.indirect.gather [hbm4b:s4+s15], $0x20, s12, s15, $0xb8;
	[tilespmem:$0x19880] =	vst v63  }
0x4a: {  	s16 =	simm.s32 $0x410  }
0x4b: {  	[tilespmem:s19], [sflag:$0x2] =	stream.indirect.gather [hbm4b:s4+s15], $0x20, s16, s15, $0xb8;
	[tilespmem:$0x19880] =	vst v63  }
0x4c: {  	_ = 	snop  }
0x4d: {  	[tilespmem:s21], [sflag:$0x2] =	stream.indirect.gather [hbm4b:s4+s15], $0x20, s20, s15, $0xb8;
	[tilespmem:$0x19880] =	vst v63  }
0x4e: {  	_ = 	snop  }
0x4f: {  	[tilespmem:s23], [sflag:$0x2] =	stream.indirect.gather [hbm4b:s4+s15], $0x20, s22, s15, $0xb8;
	[tilespmem:$0x19880] =	vst v63  }
0x50: {  	p1 =	seq.s32 s13, $0xF;
	s11 =	sshll.u32 s13, $0x1  }
0x51: {  	[tilespmem:s25], [sflag:$0x2] =	stream.indirect.gather [hbm4b:s4+s15], $0x20, s24, s15, $0xb8;
	[tilespmem:$0x19880] =	vst v63  }
0x52: {  	s6 =	sadd.s32 @!p1 s11, s8  }
0x53: {  	[tilespmem:s28], [sflag:$0x2] =	stream.indirect.gather [hbm4b:s4+s15], $0x20, s26, s15, $0xb8;
	[tilespmem:$0x19880] =	vst v63  }
0x54: {  	s6 =	smul.u32 @!p1 $0x68, s6  }
0x55: {  	[tilespmem:s30], [sflag:$0x2] =	stream.indirect.gather [hbm4b:s4+s15], $0x20, s29, s15, $0xb8;
	[tilespmem:$0x19880] =	vst v63  }
0x56: {  	s17 =	simm.s32 $0x680;
	s12 =	simm.s32 @!p1 $0x0;
	s6 =	sadd.s32 @!p1 s3, s6  }
0x57: {  	[tilespmem:s12], [sflag:$0x3] =	stream.linear.gather @!p1 [hbm4b:s6+s12], $0x340, $0x38;
	[tilespmem:$0x19880] =	vst v63  }
0x58: {  	s18 =	simm.s32 $0x0;
	v5 =	vld [tilespmem:s17+$0x0]  }
0x59: {  	v0 =	vld [tilespmem:s18+$0x132B0]  }
0x5a: {  	v2 =	vld [tilespmem:s18+$0x132A0]  }
0x5b: {  	v1 =	vld [tilespmem:s18+$0x16490]  }
0x5c: {  	v19 =	vld [tilespmem:s18+$0x10090]  }
0x5d: {  	v6 =	vld [tilespmem:s17+$0x1910]  }
0x5e: {  	v29 =	vld [tilespmem:s18+$0xCEA0]  }
0x5f: {  	v8 =	vld [tilespmem:s17+$0x3200]  }
0x60: {  	v4 =	vld [tilespmem:s18+$0x100A0]  }
0x61: {  	v3 =	vld [tilespmem:s18+$0x164A0]  }
0x62: {  	v32 =	vld [tilespmem:s18+$0xCE90]  }
0x63: {  	v21 =	vld [tilespmem:s18+$0xCE80]  }
0x64: {  	v10 =	vld [tilespmem:s17+$0x1900];
	v23 =	vunpack.i.u.bf16.f32 v5  }
0x65: {  	v13 =	vimm.f32 $0.0e+00;
	v24 =	vld [tilespmem:s17+$0x3210];
	v15 =	vunpack.i.u.bf16.f32 v8;
	v31 =	vmul.f32 v23, v1  }
0x66: {  	v35 =	vld [tilespmem:s18+$0x13280];
	v25 =	vunpack.i.l.bf16.f32 v5;
	v34 =	vmul.f32 v15, v19;
	v63 =	vmul.f32 v15, v1  }
0x67: {  	v9 =	vld [tilespmem:s18+$0x13290];
	v12 =	vunpack.i.l.bf16.f32 v6;
	v36 =	vmul.f32 v15, v32;
	v27 =	vmul.f32 v23, v32  }
0x68: {  	v55 =	vld [tilespmem:s17+$0x10];
	v11 =	vunpack.i.u.bf16.f32 v6;
	v5 =	vmul.f32 v12, v29;
	v6 =	vmul.f32 v12, v4  }
0x69: {  	v40 =	vld [tilespmem:s18+$0x10080];
	v38 =	vunpack.i.l.bf16.f32 v8;
	v28 =	vmul.f32 v25, v21;
	v48 =	vmul.f32 v12, v2  }
0x6a: {  	v39 =	vld [tilespmem:s17+$0x4B10];
	v22 =	vunpack.i.l.bf16.f32 v10;
	v37 =	vmul.f32 v23, v19;
	v62 =	vmul.f32 v12, v3  }
0x6b: {  	v42 =	vunpack.i.u.bf16.f32 v24;
	v41 =	vmul.f32 v22, v21;
	v26 =	vmul.f32 v38, v35  }
0x6c: {  	v30 =	vld [tilespmem:s18+$0x16480];
	v17 =	vunpack.i.u.bf16.f32 v10;
	v47 =	vmul.f32 v42, v0;
	v43 =	vmul.f32 v15, v9  }
0x6d: {  	v61 =	vunpack.i.l.bf16.f32 v55;
	v52 =	vmul.f32 v25, v35;
	v33 =	vmul.f32 v17, v19  }
0x6e: {  	v8 =	vld [tilespmem:s17+$0x4B00];
	v55 =	vunpack.i.u.bf16.f32 v55;
	v45 =	vmul.f32 v25, v40;
	v53 =	vmul.f32 v38, v40  }
0x6f: {  	v10 =	vld [tilespmem:s18+$0xCEB0];
	v15 =	vunpack.i.u.bf16.f32 v39;
	v44 =	vmul.f32 v22, v40;
	v23 =	vmul.f32 v23, v9  }
0x70: {  	v54 =	vld [tilespmem:s18+$0x100B0];
	v59 =	vmul.f32 v22, v35;
	v49 =	vadd.f32 v26, v13;
	v28 =	vadd.f32 v28, v13  }
0x71: {  	v25 =	vmul.f32 v25, v30;
	v58 =	vadd.f32 v45, v13;
	v53 =	vadd.f32 v53, v13  }
0x72: {  	[tilespmem:$0x1FFD0] =	vst v6;
	v6 =	vmul.f32 v11, v0;
	v45 =	vadd.f32 v41, v13;
	v41 =	vadd.f32 v52, v13  }
0x73: {  	v25 =	vadd.f32 v25, v13;
	v46 =	vunpack.i.l.bf16.f32 v8;
	v12 =	vunpack.i.u.bf16.f32 v8  }
0x74: {  	v56 =	vadd.f32 v28, v27;
	v57 =	vmul.f32 v42, v10;
	v49 =	vadd.f32 v49, v43  }
0x75: {  	v27 =	vmul.f32 v15, v54;
	v52 =	vadd.f32 v58, v37;
	v58 =	vadd.f32 v59, v13  }
0x76: {  	v59 =	vmul.f32 v55, v54;
	v37 =	vmul.f32 v55, v0;
	v43 =	vadd.f32 v41, v23  }
0x77: {  	[tilespmem:$0x1FFC0] =	vst v5;
	v5 =	vld [tilespmem:s18+$0x164B0];
	v23 =	vmul.f32 v61, v29;
	v34 =	vadd.f32 v53, v34;
	v53 =	vmul.f32 v55, v10  }
0x78: {  	[tilespmem:$0x1FFE0] =	vst v6;
	v6 =	vunpack.i.l.bf16.f32 v24;
	v26 =	vmul.f32 v12, v32;
	v51 =	vmul.f32 v46, v21  }
0x79: {  	v24 =	vunpack.i.l.bf16.f32 v39;
	v50 =	vmul.f32 v6, v29;
	v39 =	vmul.f32 v46, v40  }
0x7a: {  	v28 =	vmul.f32 v6, v3;
	v60 =	vmul.f32 v6, v2  }
0x7b: {  	v25 =	vadd.f32 v25, v31;
	v21 =	vmul.f32 v38, v21;
	v40 =	vmul.f32 v61, v2  }
0x7c: {  	v23 =	vadd.f32 v23, v56;
	v7 =	vmul.f32 v42, v5;
	v41 =	vadd.f32 v60, v49  }
0x7d: {  	v49 =	vadd.f32 v21, v13;
	v60 =	vmul.f32 v38, v30;
	v38 =	vmul.f32 v6, v4  }
0x7e: {  	v6 =	vmul.f32 v61, v4;
	v42 =	vmul.f32 v42, v54;
	v21 =	vadd.f32 v41, v47  }
0x7f: {  	v41 =	vmul.f32 v12, v19;
	v19 =	vmul.f32 v61, v3;
	v31 =	vadd.f32 v49, v36  }
0x80: {  	v47 =	vadd.f32 v6, v52;
	v6 =	vadd.f32 v38, v34;
	v61 =	vmul.f32 v17, v9  }
0x81: {  	v34 =	vadd.f32 v23, v53;
	v38 =	vmul.f32 v11, v5;
	v53 =	vmul.f32 v46, v30  }
0x82: {  	v49 =	vmul.f32 v17, v32;
	v32 =	vimm.f32 $0.0e+00;
	v19 =	vadd.f32 v19, v25  }
0x83: {  	v25 =	vmul.f32 v55, v5;
	v31 =	vadd.f32 v50, v31;
	v23 =	vadd.f32 v6, v42  }
0x84: {  	v36 =	vimm.f32 $0.0e+00;
	v52 =	vadd.f32 v58, v61;
	v50 =	vadd.f32 v60, v13  }
0x85: {  	v42 =	vadd.f32 v51, v13;
	v51 =	vimm.f32 $0.0e+00;
	v25 =	vadd.f32 v19, v25  }
0x86: {  	v20 =	vadd.f32 v31, v57;
	v31 =	vadd.f32 v47, v59;
	v47 =	vmul.f32 v11, v54  }
0x87: {  	s6 =	simm.s32 $0x100;
	s12 =	simm.s32 $0x6A0;
	[tilespmem:$0x1FFF0] =	vst v7;
	v54 =	vmul.f32 v46, v35;
	v46 =	vmul.f32 v24, v29;
	v29 =	vimm.f32 $0.0e+00  }
.LBB2_3:
0x88: {  	v35 =	vld [tilespmem:s12+$0x0]  }
0x89: {  	s16 =	sshra.s32 s6, $0x2;
	v6 =	vld [tilespmem:$0x1FFC0]  }
0x8a: {  	v22 =	vmul.f32 v22, v30;
	v58 =	vld [tilespmem:s16+$0x132B0]  }
0x8b: {  	v9 =	vmul.f32 v12, v9;
	v61 =	vmul.f32 v24, v3;
	v8 =	vadd.f32 v50, v63;
	v59 =	vld [tilespmem:s16+$0x132A0]  }
0x8c: {  	v60 =	vmul.f32 v24, v2;
	v18 =	vadd.f32 v44, v13;
	v45 =	vadd.f32 v45, v49;
	v3 =	vld [tilespmem:s16+$0x16490]  }
0x8d: {  	v4 =	vmul.f32 v24, v4;
	v30 =	vadd.f32 v54, v51;
	v26 =	vadd.f32 v42, v26;
	v42 =	vld [tilespmem:s16+$0xCE90]  }
0x8e: {  	v11 =	vmul.f32 v11, v10;
	v32 =	vadd.f32 v39, v32;
	v7 =	vadd.f32 v6, v45;
	v6 =	vld [tilespmem:$0x1FFD0]  }
0x8f: {  	v17 =	vmul.f32 v17, v1;
	v49 =	vld [tilespmem:s16+$0x13280];
	v24 =	vadd.f32 v28, v8;
	v22 =	vadd.f32 v22, v36  }
0x90: {  	v12 =	vmul.f32 v12, v1;
	v44 =	vld [tilespmem:s16+$0x10080];
	v28 =	vadd.f32 v40, v43;
	v18 =	vadd.f32 v18, v33  }
0x91: {  	v5 =	vmul.f32 v15, v5;
	[tilespmem:$0x1FF80] =	vst v20;
	v43 =	vld [tilespmem:s16+$0xCE80];
	v32 =	vadd.f32 v32, v41;
	v20 =	vadd.f32 v48, v52  }
0x92: {  	v37 =	vadd.f32 v28, v37;
	v28 =	vld [tilespmem:s12+$0x3210];
	v45 =	vunpack.i.u.bf16.f32 v35;
	v52 =	vunpack.i.l.bf16.f32 v35  }
0x93: {  	v16 =	vadd.f32 v4, v32;
	v39 =	vmul.f32 v45, v42;
	v13 =	vadd.f32 v6, v18;
	v6 =	vld [tilespmem:$0x1FFE0]  }
0x94: {  	v63 =	vmul.f32 v52, v49;
	v40 =	vadd.f32 v7, v11;
	v7 =	vadd.f32 v30, v9;
	v30 =	vld [tilespmem:s16+$0x16480]  }
0x95: {  	v1 =	vmovc v3;
	v3 =	vld [tilespmem:s16+$0x164A0];
	v32 =	vadd.f32 v16, v27;
	v27 =	vmul.f32 v15, v0;
	v11 =	vadd.f32 v46, v26  }
0x96: {  	v9 =	vmul.f32 v15, v10;
	v15 =	vadd.f32 v22, v17;
	v8 =	vadd.f32 v60, v7;
	v18 =	vld [tilespmem:s12+$0x3200]  }
0x97: {  	v41 =	vld [tilespmem:s16+$0x10090];
	v60 =	vunpack.i.l.bf16.f32 v28;
	v46 =	vadd.f32 v13, v47;
	v47 =	vunpack.i.u.bf16.f32 v28  }
0x98: {  	v28 =	vmul.f32 v52, v44;
	v50 =	vadd.f32 v20, v6;
	v20 =	vadd.f32 v53, v29;
	v6 =	vld [tilespmem:$0x1FFF0]  }
0x99: {  	v0 =	vmovc v58;
	v33 =	vmul.f32 v52, v43;
	v51 =	vadd.f32 v8, v27;
	v8 =	vld [tilespmem:s12+$0x10];
	v52 =	vmul.f32 v52, v30  }
0x9a: {  	v2 =	vmovc v59;
	v59 =	vmul.f32 v47, v0;
	v31 =	vadd.f32 v28, v31;
	v10 =	vadd.f32 v20, v12;
	v12 =	vld [tilespmem:s12+$0x1900]  }
0x9b: {  	v35 =	vld [tilespmem:s16+$0xCEA0];
	v28 =	vmul.f32 v60, v3;
	v25 =	vadd.f32 v52, v25;
	v54 =	vunpack.i.l.bf16.f32 v18  }
0x9c: {  	v14 =	vld [tilespmem:s12+$0x1910];
	v53 =	vmul.f32 v45, v1;
	v26 =	vunpack.i.u.bf16.f32 v18;
	v27 =	vmul.f32 v54, v49  }
0x9d: {  	v55 =	vmul.f32 v26, v41;
	v56 =	vmul.f32 v26, v42;
	v6 =	vadd.f32 v24, v6  }
0x9e: {  	v18 =	vunpack.i.l.bf16.f32 v8;
	v20 =	vmul.f32 v26, v1;
	v21 =	vadd.f32 v27, v21;
	v24 =	vld [tilespmem:s12+$0x4B00]  }
0x9f: {  	v4 =	vld [tilespmem:s16+$0x100A0];
	v27 =	vadd.f32 v33, v34;
	[tilespmem:$0x1FF90] =	vst v6;
	v6 =	vadd.f32 v11, v9;
	v22 =	vunpack.i.l.bf16.f32 v12  }
0xa0: {  	v34 =	vmul.f32 v60, v35;
	v10 =	vadd.f32 v61, v10;
	v9 =	vld [tilespmem:s16+$0x13290];
	v57 =	vmul.f32 v22, v43  }
0xa1: {  	v19 =	vmul.f32 v22, v49;
	[tilespmem:$0x1FFA0] =	vst v6;
	v6 =	vadd.f32 v62, v15;
	v15 =	vunpack.i.l.bf16.f32 v14  }
0xa2: {  	v29 =	vadd.f32 v10, v5;
	v7 =	vmul.f32 v15, v35;
	v48 =	vmul.f32 v15, v3  }
0xa3: {  	v5 =	vld [tilespmem:s16+$0x164B0];
	v58 =	vunpack.i.l.bf16.f32 v24;
	v36 =	vadd.f32 v6, v38;
	v6 =	vmul.f32 v15, v2  }
0xa4: {  	v25 =	vadd.f32 v25, v53;
	v38 =	vmul.f32 v45, v41;
	v62 =	vmul.f32 v58, v43  }
0xa5: {  	v11 =	vunpack.i.u.bf16.f32 v14;
	[tilespmem:$0x1FFC0] =	vst v7;
	v7 =	vmul.f32 v15, v4;
	v61 =	vmul.f32 v26, v9  }
0xa6: {  	v10 =	vld [tilespmem:s16+$0xCEB0];
	v16 =	vmul.f32 v45, v9;
	v45 =	vadd.f32 v57, v40;
	[tilespmem:$0x1FFB0] =	vst v6;
	v6 =	vmul.f32 v11, v0  }
0xa7: {  	v8 =	vunpack.i.u.bf16.f32 v8;
	v57 =	vmul.f32 v54, v43;
	v43 =	vadd.f32 v63, v37;
	v63 =	vmovc v20;
	v20 =	vld [tilespmem:$0x1FF80];
	[tilespmem:$0x1FFD0] =	vst v7  }
0xa8: {  	v13 =	vadd.f32 v27, v39;
	v15 =	vld [tilespmem:s12+$0x4B10];
	v7 =	vmul.f32 v54, v44;
	[tilespmem:$0x1FFE0] =	vst v6;
	v6 =	vmul.f32 v47, v5  }
0xa9: {  	v17 =	vunpack.i.u.bf16.f32 v12;
	v12 =	vunpack.i.u.bf16.f32 v24;
	v19 =	vadd.f32 v19, v50  }
0xaa: {  	v21 =	vadd.f32 v21, v61;
	v7 =	vadd.f32 v7, v23;
	v23 =	vmul.f32 v60, v2;
	[tilespmem:$0x1FFF0] =	vst v6;
	v6 =	vld [tilespmem:s16+$0x100B0]  }
0xab: {  	v14 =	vmul.f32 v47, v10;
	v40 =	vmul.f32 v18, v2;
	v43 =	vadd.f32 v43, v16  }
0xac: {  	v16 =	vmul.f32 v18, v35;
	v21 =	vadd.f32 v23, v21;
	v23 =	vadd.f32 v57, v20  }
0xad: {  	v24 =	vunpack.i.l.bf16.f32 v15;
	v57 =	vmul.f32 v18, v4;
	v18 =	vmul.f32 v18, v3  }
0xae: {  	v15 =	vunpack.i.u.bf16.f32 v15;
	v20 =	vadd.f32 v16, v13;
	v23 =	vadd.f32 v23, v56  }
0xaf: {  	v16 =	vadd.f32 v18, v25;
	v27 =	vmul.f32 v15, v6;
	v50 =	vmul.f32 v8, v6  }
0xb0: {  	v18 =	vadd.f32 v34, v23;
	v23 =	vmul.f32 v47, v6;
	v47 =	vmul.f32 v11, v6;
	v6 =	vld [tilespmem:$0x1FF90]  }
0xb1: {  	v33 =	vmul.f32 v17, v41;
	v39 =	vmul.f32 v58, v44;
	v31 =	vadd.f32 v31, v38  }
0xb2: {  	v41 =	vmul.f32 v12, v41;
	v53 =	vmul.f32 v58, v30  }
0xb3: {  	v26 =	vmul.f32 v12, v42;
	v54 =	vmul.f32 v54, v30;
	v31 =	vadd.f32 v57, v31  }
0xb4: {  	v37 =	vmul.f32 v8, v0;
	v61 =	vmul.f32 v60, v4;
	v7 =	vadd.f32 v7, v55  }
0xb5: {  	p0 =	sne.s32 s6, $0xC700;
	v60 =	vmul.f32 v8, v10;
	v31 =	vadd.f32 v31, v50;
	v50 =	vadd.f32 v54, v6;
	v6 =	vld [tilespmem:$0x1FFA0]  }
.Ltmp0:
0xb6: {  	v7 =	vadd.f32 v61, v7;
	v61 =	vmul.f32 v17, v9;
	v8 =	vmul.f32 v8, v5;
	(pc) =	sbr.rel @p0 .LBB2_3-.Ltmp0, $4  }
0xb7: {  	v38 =	vmul.f32 v11, v5;
	v21 =	vadd.f32 v21, v59;
	v34 =	vadd.f32 v20, v60  }
0xb8: {  	v44 =	vmul.f32 v22, v44;
	v52 =	vadd.f32 v19, v61;
	v25 =	vadd.f32 v16, v8  }
0xb9: {  	v13 =	vmovc v46;
	v46 =	vmul.f32 v24, v35;
	v20 =	vadd.f32 v18, v14;
	v23 =	vadd.f32 v7, v23  }
0xba: {  	s6 =	sadd.s32 $0x100, s6;
	s12 =	sadd.s32 $0x20, s12;
	v54 =	vmul.f32 v58, v49;
	v49 =	vmul.f32 v17, v42;
	v42 =	vadd.f32 v62, v6;
	v62 =	vmovc v48;
	v48 =	vld [tilespmem:$0x1FFB0]  }
0xbb: {  	p0 =	seq.s32 s13, $0x0  }
0xbc: {  	v7 =	vmul.f32 v22, v30;
	s6 =	simm.s32 @!p0 $0x4  }
0xbd: {  	_ =	swait.ge @!p0 [sflag:s6], $0x100  }
0xbe: {  	v17 =	vmul.f32 v17, v1;
	v7 =	vadd.f32 v7, v36;
	v18 =	vld [tilespmem:$0x1FFC0];
	_ =	sdelay $0x1  }
0xbf: {  	v6 =	vadd.f32 v44, v13;
	v7 =	vadd.f32 v7, v17  }
0xc0: {  	v16 =	vadd.f32 v40, v43;
	v13 =	vadd.f32 v45, v49;
	[sflag:s6] =	ssyncset.done @!p0 $0x0  }
0xc1: {  	v14 =	vadd.f32 v39, v32;
	[sflag:s6] =	ssyncadd.s32 @!p0 $0xFFFFFF00;
	v7 =	vadd.f32 v62, v7  }
0xc2: {  	v11 =	vmul.f32 v11, v10;
	v16 =	vadd.f32 v16, v37;
	[tilespmem:$0x19680] =	vst v34;
	v13 =	vadd.f32 v18, v13;
	v18 =	vld [tilespmem:$0x1FFD0]  }
0xc3: {  	v8 =	vadd.f32 v54, v51;
	[tilespmem:$0x19690] =	vst v31;
	v7 =	vadd.f32 v7, v38  }
0xc4: {  	v9 =	vmul.f32 v12, v9;
	v6 =	vadd.f32 v6, v33;
	[tilespmem:$0x196A0] =	vst v16;
	v11 =	vadd.f32 v13, v11  }
0xc5: {  	v4 =	vmul.f32 v24, v4;
	v17 =	vadd.f32 v48, v52;
	v13 =	vadd.f32 v14, v41;
	[tilespmem:$0x196F0] =	vst v7  }
0xc6: {  	v2 =	vmul.f32 v24, v2;
	v7 =	vadd.f32 v8, v9;
	[tilespmem:$0x196C0] =	vst v11;
	v11 =	vadd.f32 v50, v63  }
0xc7: {  	[tilespmem:$0x196B0] =	vst v25;
	v14 =	vld [tilespmem:$0x1FFE0];
	v4 =	vadd.f32 v4, v13;
	v6 =	vadd.f32 v18, v6  }
0xc8: {  	v1 =	vmul.f32 v12, v1;
	[tilespmem:$0x19700] =	vst v20;
	v9 =	vld [tilespmem:$0x1FFF0];
	v13 =	vadd.f32 v53, v29;
	v2 =	vadd.f32 v2, v7  }
0xc9: {  	v0 =	vmul.f32 v15, v0;
	[tilespmem:$0x19710] =	vst v23;
	v11 =	vadd.f32 v28, v11;
	v6 =	vadd.f32 v6, v47  }
0xca: {  	v3 =	vmul.f32 v24, v3;
	[tilespmem:$0x19720] =	vst v21;
	v1 =	vadd.f32 v13, v1;
	v4 =	vadd.f32 v4, v27  }
0xcb: {  	v0 =	vadd.f32 v2, v0;
	[tilespmem:$0x196D0] =	vst v6;
	v6 =	vadd.f32 v42, v26  }
0xcc: {  	v5 =	vmul.f32 v15, v5;
	v14 =	vadd.f32 v17, v14;
	v1 =	vadd.f32 v3, v1;
	[tilespmem:$0x19750] =	vst v4  }
0xcd: {  	v8 =	vmul.f32 v15, v10;
	v9 =	vadd.f32 v11, v9;
	[tilespmem:$0x19760] =	vst v0;
	v6 =	vadd.f32 v46, v6  }
0xce: {  	[tilespmem:$0x196E0] =	vst v14;
	v1 =	vadd.f32 v1, v5  }
0xcf: {  	[tilespmem:$0x19730] =	vst v9;
	v6 =	vadd.f32 v6, v8  }
0xd0: {  	s16 =	sshll.u32 s13, $0x6;
	[tilespmem:$0x19770] =	vst v1  }
0xd1: {  	s6 =	sadd.s32 s16, s9;
	[tilespmem:$0x19740] =	vst v6  }
0xd2: {  	[hbm4b:s6+s2] =	stream.linear.scatter [tilespmem:s31], [sflag:$0x4], $0x100, $0x38;
	[tilespmem:$0x19880] =	vst v63  }
0xd3: {  	_ =	swait.ge [sflag:s5], $0xC80  }
0xd4: {  	[sflag:s5] =	ssyncset.done $0x0  }
0xd5: {  	[sflag:s5] =	ssyncadd.s32 $0xFFFFF380  }
0xd6: {  	_ =	swait.ge [sflag:s5], $0xC80  }
0xd7: {  	[sflag:s5] =	ssyncset.done $0x0  }
0xd8: {  	[sflag:s5] =	ssyncadd.s32 $0xFFFFF380  }
0xd9: {  	_ =	swait.ge [sflag:s5], $0xC80  }
0xda: {  	[sflag:s5] =	ssyncset.done $0x0  }
0xdb: {  	[sflag:s5] =	ssyncadd.s32 $0xFFFFF380  }
0xdc: {  	_ =	swait.ge [sflag:s5], $0xC80  }
0xdd: {  	[sflag:s5] =	ssyncset.done $0x0  }
0xde: {  	[sflag:s5] =	ssyncadd.s32 $0xFFFFF380  }
0xdf: {  	_ =	swait.ge [sflag:s5], $0xC80  }
0xe0: {  	[sflag:s5] =	ssyncset.done $0x0  }
0xe1: {  	[sflag:s5] =	ssyncadd.s32 $0xFFFFF380  }
0xe2: {  	_ =	swait.ge [sflag:s5], $0xC80  }
0xe3: {  	[sflag:s5] =	ssyncset.done $0x0  }
0xe4: {  	[sflag:s5] =	ssyncadd.s32 $0xFFFFF380  }
0xe5: {  	_ =	swait.ge [sflag:s5], $0xC80  }
0xe6: {  	[sflag:s5] =	ssyncset.done $0x0  }
0xe7: {  	[sflag:s5] =	ssyncadd.s32 $0xFFFFF380  }
0xe8: {  	_ =	swait.ge [sflag:s5], $0xC80  }
0xe9: {  	[sflag:s5] =	ssyncset.done $0x0  }
0xea: {  	s12 =	simm.s32 @!p1 $0x3;
	[sflag:s5] =	ssyncadd.s32 $0xFFFFF380  }
0xeb: {  	_ =	swait.ge @!p1 [sflag:s12], $0x340  }
0xec: {  	s17 =	simm.s32 @!p1 $0x680;
	[sflag:s12] =	ssyncset.done @!p1 $0x0  }
0xed: {  	s16 =	simm.s32 @!p1 $0x0;
	[sflag:s12] =	ssyncadd.s32 @!p1 $0xFFFFFCC0;
	s12 =	simm.s32 @!p1 $0x64  }
0xee: {  	[tilespmem:s17], [sflag:$0x1] =	stream.indirect.gather @!p1 [hbm4b:s4+s12], $0x20, s16, s12, $0xb8;
	[tilespmem:$0x19880] =	vst v63  }
0xef: {  	s18 =	simm.s32 @!p1 $0x1300;
	s17 =	simm.s32 @!p1 $0x68  }
0xf0: {  	[tilespmem:s18], [sflag:$0x1] =	stream.indirect.gather @!p1 [hbm4b:s4+s12], $0x20, s17, s12, $0xb8;
	[tilespmem:$0x19880] =	vst v63  }
0xf1: {  	s17 =	simm.s32 @!p1 $0xD0;
	s18 =	simm.s32 @!p1 $0x1F80  }
0xf2: {  	[tilespmem:s18], [sflag:$0x1] =	stream.indirect.gather @!p1 [hbm4b:s4+s12], $0x20, s17, s12, $0xb8;
	[tilespmem:$0x19880] =	vst v63  }
0xf3: {  	s17 =	simm.s32 @!p1 $0x138;
	s18 =	simm.s32 @!p1 $0x2C00  }
0xf4: {  	[tilespmem:s18], [sflag:$0x1] =	stream.indirect.gather @!p1 [hbm4b:s4+s12], $0x20, s17, s12, $0xb8;
	[tilespmem:$0x19880] =	vst v63  }
0xf5: {  	s17 =	simm.s32 @!p1 $0x1A0;
	s18 =	simm.s32 @!p1 $0x3880  }
0xf6: {  	[tilespmem:s18], [sflag:$0x1] =	stream.indirect.gather @!p1 [hbm4b:s4+s12], $0x20, s17, s12, $0xb8;
	[tilespmem:$0x19880] =	vst v63  }
0xf7: {  	s17 =	simm.s32 @!p1 $0x208;
	s18 =	simm.s32 @!p1 $0x4500  }
0xf8: {  	[tilespmem:s18], [sflag:$0x1] =	stream.indirect.gather @!p1 [hbm4b:s4+s12], $0x20, s17, s12, $0xb8;
	[tilespmem:$0x19880] =	vst v63  }
0xf9: {  	s11 =	sadd.s32 @!p1 s11, s10;
	s17 =	simm.s32 @!p1 $0x270;
	s18 =	simm.s32 @!p1 $0x5180  }
0xfa: {  	[tilespmem:s18], [sflag:$0x1] =	stream.indirect.gather @!p1 [hbm4b:s4+s12], $0x20, s17, s12, $0xb8;
	[tilespmem:$0x19880] =	vst v63  }
0xfb: {  	s11 =	smul.u32 @!p1 $0x68, s11;
	s17 =	simm.s32 @!p1 $0x2D8;
	s18 =	simm.s32 @!p1 $0x5E00  }
0xfc: {  	[tilespmem:s18], [sflag:$0x1] =	stream.indirect.gather @!p1 [hbm4b:s4+s12], $0x20, s17, s12, $0xb8;
	[tilespmem:$0x19880] =	vst v63  }
0xfd: {  	s11 =	sadd.s32 @!p1 s3, s11;
	s12 =	simm.s32 @!p1 $0x340;
	s17 =	simm.s32 $0xB590  }
0xfe: {  	[tilespmem:s12], [sflag:$0x3] =	stream.linear.gather @!p1 [hbm4b:s11+s16], $0x340, $0x38;
	[tilespmem:$0x19880] =	vst v63  }
0xff: {  	s18 =	simm.s32 $0x0;
	v5 =	vld [tilespmem:s17+$0xFFFFB4F0]  }
0x100: {  	v0 =	vld [tilespmem:s18+$0x132B0]  }
0x101: {  	v2 =	vld [tilespmem:s18+$0x132A0]  }
0x102: {  	v1 =	vld [tilespmem:s18+$0x16490]  }
0x103: {  	v19 =	vld [tilespmem:s18+$0x10090]  }
0x104: {  	v6 =	vld [tilespmem:s17+$0xFFFFCE00]  }
0x105: {  	v29 =	vld [tilespmem:s18+$0xCEA0]  }
0x106: {  	v8 =	vld [tilespmem:s17+$0xFFFFE6F0]  }
0x107: {  	v4 =	vld [tilespmem:s18+$0x100A0]  }
0x108: {  	v32 =	vld [tilespmem:s18+$0xCE90]  }
0x109: {  	v3 =	vld [tilespmem:s18+$0x164A0]  }
0x10a: {  	v21 =	vld [tilespmem:s18+$0xCE80]  }
0x10b: {  	v10 =	vld [tilespmem:s17+$0xFFFFCDF0];
	v23 =	vunpack.i.u.bf16.f32 v5;
	v15 =	vunpack.i.u.bf16.f32 v8  }
0x10c: {  	v24 =	vld [tilespmem:s17+$0xFFFFE700];
	v25 =	vunpack.i.l.bf16.f32 v5;
	v31 =	vmul.f32 v23, v1;
	v34 =	vmul.f32 v15, v19  }
0x10d: {  	v35 =	vld [tilespmem:s18+$0x13280];
	v12 =	vunpack.i.l.bf16.f32 v6;
	v63 =	vmul.f32 v15, v1;
	v36 =	vmul.f32 v15, v32  }
0x10e: {  	v9 =	vld [tilespmem:s18+$0x13290];
	v38 =	vunpack.i.l.bf16.f32 v8;
	v27 =	vmul.f32 v23, v32;
	v5 =	vmul.f32 v12, v29  }
0x10f: {  	v40 =	vld [tilespmem:s18+$0x10080];
	v11 =	vunpack.i.u.bf16.f32 v6;
	v6 =	vmul.f32 v12, v4;
	v28 =	vmul.f32 v25, v21  }
0x110: {  	v59 =	vld [tilespmem:s17+$0x0];
	v22 =	vunpack.i.l.bf16.f32 v10;
	v48 =	vmul.f32 v12, v2;
	v37 =	vmul.f32 v23, v19  }
0x111: {  	v30 =	vld [tilespmem:s18+$0x16480];
	v42 =	vunpack.i.u.bf16.f32 v24;
	v62 =	vmul.f32 v12, v3;
	v41 =	vmul.f32 v22, v21  }
0x112: {  	v26 =	vmul.f32 v38, v35;
	v47 =	vmul.f32 v42, v0  }
0x113: {  	v55 =	vld [tilespmem:s17+$0xFFFFB500];
	v17 =	vunpack.i.u.bf16.f32 v10;
	v43 =	vmul.f32 v15, v9;
	v51 =	vmul.f32 v25, v35  }
0x114: {  	v13 =	vimm.f32 $0.0e+00;
	v8 =	vld [tilespmem:s17+$0xFFFFFFF0];
	v33 =	vmul.f32 v17, v19;
	v60 =	vmul.f32 v25, v40  }
0x115: {  	v61 =	vmul.f32 v38, v40;
	v15 =	vunpack.i.u.bf16.f32 v59;
	v44 =	vmul.f32 v22, v40  }
0x116: {  	v10 =	vld [tilespmem:s18+$0xCEB0];
	v23 =	vmul.f32 v23, v9;
	v25 =	vmul.f32 v25, v30;
	v49 =	vadd.f32 v26, v13  }
0x117: {  	v54 =	vld [tilespmem:s18+$0x100B0];
	[tilespmem:$0x1FF50] =	vst v6;
	v6 =	vmul.f32 v11, v0;
	v28 =	vadd.f32 v28, v13;
	v58 =	vadd.f32 v60, v13  }
0x118: {  	v53 =	vadd.f32 v61, v13;
	v46 =	vadd.f32 v41, v13;
	v61 =	vunpack.i.l.bf16.f32 v55  }
0x119: {  	v41 =	vadd.f32 v51, v13;
	v55 =	vunpack.i.u.bf16.f32 v55;
	v45 =	vunpack.i.l.bf16.f32 v8  }
0x11a: {  	[tilespmem:$0x1FF60] =	vst v6;
	v12 =	vunpack.i.u.bf16.f32 v8;
	v6 =	vunpack.i.l.bf16.f32 v24;
	v24 =	vunpack.i.l.bf16.f32 v59  }
0x11b: {  	v56 =	vadd.f32 v28, v27;
	v57 =	vmul.f32 v42, v10;
	v59 =	vmul.f32 v22, v35  }
0x11c: {  	v27 =	vmul.f32 v15, v54;
	v49 =	vadd.f32 v49, v43;
	v51 =	vadd.f32 v58, v37  }
0x11d: {  	v37 =	vmul.f32 v55, v0;
	v43 =	vadd.f32 v41, v23;
	v23 =	vmul.f32 v61, v29  }
0x11e: {  	[tilespmem:$0x1FF40] =	vst v5;
	v5 =	vld [tilespmem:s18+$0x164B0];
	v34 =	vadd.f32 v53, v34;
	v53 =	vmul.f32 v55, v10;
	v26 =	vmul.f32 v12, v32  }
0x11f: {  	v25 =	vadd.f32 v25, v13;
	v52 =	vmul.f32 v45, v21;
	v50 =	vmul.f32 v6, v29  }
0x120: {  	v39 =	vmul.f32 v45, v40;
	v28 =	vmul.f32 v6, v3  }
0x121: {  	v25 =	vadd.f32 v25, v31;
	v60 =	vmul.f32 v6, v2;
	v21 =	vmul.f32 v38, v21  }
0x122: {  	v40 =	vmul.f32 v61, v2;
	v58 =	vadd.f32 v59, v13;
	v59 =	vmul.f32 v55, v54  }
0x123: {  	v23 =	vadd.f32 v23, v56;
	v7 =	vmul.f32 v42, v5;
	v41 =	vadd.f32 v60, v49  }
0x124: {  	v49 =	vadd.f32 v21, v13;
	v60 =	vmul.f32 v38, v30;
	v38 =	vmul.f32 v6, v4  }
0x125: {  	v6 =	vmul.f32 v61, v4;
	v42 =	vmul.f32 v42, v54;
	v21 =	vadd.f32 v41, v47  }
0x126: {  	v41 =	vmul.f32 v12, v19;
	v19 =	vmul.f32 v61, v3;
	v31 =	vadd.f32 v49, v36  }
0x127: {  	v47 =	vadd.f32 v6, v51;
	v6 =	vadd.f32 v38, v34;
	v61 =	vmul.f32 v17, v9  }
0x128: {  	v34 =	vadd.f32 v23, v53;
	v38 =	vmul.f32 v11, v5;
	v53 =	vmul.f32 v45, v30  }
0x129: {  	v49 =	vmul.f32 v17, v32;
	v32 =	vimm.f32 $0.0e+00;
	v19 =	vadd.f32 v19, v25  }
0x12a: {  	v25 =	vmul.f32 v55, v5;
	v31 =	vadd.f32 v50, v31;
	v23 =	vadd.f32 v6, v42  }
0x12b: {  	v36 =	vimm.f32 $0.0e+00;
	v51 =	vadd.f32 v58, v61;
	v50 =	vadd.f32 v60, v13  }
0x12c: {  	v42 =	vadd.f32 v52, v13;
	v52 =	vimm.f32 $0.0e+00;
	v25 =	vadd.f32 v19, v25  }
0x12d: {  	v20 =	vadd.f32 v31, v57;
	v31 =	vadd.f32 v47, v59;
	v47 =	vmul.f32 v11, v54  }
0x12e: {  	s11 =	simm.s32 $0x100;
	s12 =	simm.s32 $0xB5B0;
	[tilespmem:$0x1FF70] =	vst v7;
	v54 =	vmul.f32 v45, v35;
	v45 =	vmul.f32 v24, v29;
	v29 =	vimm.f32 $0.0e+00  }
.LBB2_5:
0x12f: {  	v35 =	vld [tilespmem:s12+$0xFFFFB4F0]  }
0x130: {  	s16 =	sshra.s32 s11, $0x2;
	v6 =	vld [tilespmem:$0x1FF40]  }
0x131: {  	v22 =	vmul.f32 v22, v30;
	v58 =	vld [tilespmem:s16+$0x132B0]  }
0x132: {  	v9 =	vmul.f32 v12, v9;
	v61 =	vmul.f32 v24, v3;
	v8 =	vadd.f32 v50, v63;
	v59 =	vld [tilespmem:s16+$0x132A0]  }
0x133: {  	v60 =	vmul.f32 v24, v2;
	v18 =	vadd.f32 v44, v13;
	v46 =	vadd.f32 v46, v49;
	v3 =	vld [tilespmem:s16+$0x16490]  }
0x134: {  	v4 =	vmul.f32 v24, v4;
	v30 =	vadd.f32 v54, v52;
	v26 =	vadd.f32 v42, v26;
	v42 =	vld [tilespmem:s16+$0xCE90]  }
0x135: {  	v11 =	vmul.f32 v11, v10;
	v32 =	vadd.f32 v39, v32;
	v7 =	vadd.f32 v6, v46;
	v6 =	vld [tilespmem:$0x1FF50]  }
0x136: {  	v17 =	vmul.f32 v17, v1;
	v49 =	vld [tilespmem:s16+$0x13280];
	v24 =	vadd.f32 v28, v8;
	v22 =	vadd.f32 v22, v36  }
0x137: {  	v12 =	vmul.f32 v12, v1;
	v44 =	vld [tilespmem:s16+$0x10080];
	v28 =	vadd.f32 v40, v43;
	v18 =	vadd.f32 v18, v33  }
0x138: {  	v5 =	vmul.f32 v15, v5;
	[tilespmem:$0x1FF00] =	vst v20;
	v43 =	vld [tilespmem:s16+$0xCE80];
	v32 =	vadd.f32 v32, v41;
	v20 =	vadd.f32 v48, v51  }
0x139: {  	v37 =	vadd.f32 v28, v37;
	v28 =	vld [tilespmem:s12+$0xFFFFE700];
	v46 =	vunpack.i.u.bf16.f32 v35;
	v51 =	vunpack.i.l.bf16.f32 v35  }
0x13a: {  	v16 =	vadd.f32 v4, v32;
	v39 =	vmul.f32 v46, v42;
	v13 =	vadd.f32 v6, v18;
	v6 =	vld [tilespmem:$0x1FF60]  }
0x13b: {  	v63 =	vmul.f32 v51, v49;
	v40 =	vadd.f32 v7, v11;
	v7 =	vadd.f32 v30, v9;
	v30 =	vld [tilespmem:s16+$0x16480]  }
0x13c: {  	v1 =	vmovc v3;
	v3 =	vld [tilespmem:s16+$0x164A0];
	v32 =	vadd.f32 v16, v27;
	v27 =	vmul.f32 v15, v0;
	v11 =	vadd.f32 v45, v26  }
0x13d: {  	v9 =	vmul.f32 v15, v10;
	v15 =	vadd.f32 v22, v17;
	v8 =	vadd.f32 v60, v7;
	v18 =	vld [tilespmem:s12+$0xFFFFE6F0]  }
0x13e: {  	v41 =	vld [tilespmem:s16+$0x10090];
	v60 =	vunpack.i.l.bf16.f32 v28;
	v45 =	vadd.f32 v13, v47;
	v47 =	vunpack.i.u.bf16.f32 v28  }
0x13f: {  	v28 =	vmul.f32 v51, v44;
	v50 =	vadd.f32 v20, v6;
	v20 =	vadd.f32 v53, v29;
	v6 =	vld [tilespmem:$0x1FF70]  }
0x140: {  	v0 =	vmovc v58;
	v33 =	vmul.f32 v51, v43;
	v52 =	vadd.f32 v8, v27;
	v8 =	vld [tilespmem:s12+$0xFFFFB500];
	v51 =	vmul.f32 v51, v30  }
0x141: {  	v2 =	vmovc v59;
	v59 =	vmul.f32 v47, v0;
	v31 =	vadd.f32 v28, v31;
	v10 =	vadd.f32 v20, v12;
	v12 =	vld [tilespmem:s12+$0xFFFFCDF0]  }
0x142: {  	v35 =	vld [tilespmem:s16+$0xCEA0];
	v28 =	vmul.f32 v60, v3;
	v25 =	vadd.f32 v51, v25;
	v54 =	vunpack.i.l.bf16.f32 v18  }
0x143: {  	v14 =	vld [tilespmem:s12+$0xFFFFCE00];
	v53 =	vmul.f32 v46, v1;
	v26 =	vunpack.i.u.bf16.f32 v18;
	v27 =	vmul.f32 v54, v49  }
0x144: {  	v55 =	vmul.f32 v26, v41;
	v56 =	vmul.f32 v26, v42;
	v6 =	vadd.f32 v24, v6  }
0x145: {  	v18 =	vunpack.i.l.bf16.f32 v8;
	v20 =	vmul.f32 v26, v1;
	v21 =	vadd.f32 v27, v21;
	v24 =	vld [tilespmem:s12+$0xFFFFFFF0]  }
0x146: {  	v4 =	vld [tilespmem:s16+$0x100A0];
	v27 =	vadd.f32 v33, v34;
	[tilespmem:$0x1FF10] =	vst v6;
	v6 =	vadd.f32 v11, v9;
	v22 =	vunpack.i.l.bf16.f32 v12  }
0x147: {  	v34 =	vmul.f32 v60, v35;
	v10 =	vadd.f32 v61, v10;
	v9 =	vld [tilespmem:s16+$0x13290];
	v57 =	vmul.f32 v22, v43  }
0x148: {  	v19 =	vmul.f32 v22, v49;
	[tilespmem:$0x1FF20] =	vst v6;
	v6 =	vadd.f32 v62, v15;
	v15 =	vunpack.i.l.bf16.f32 v14  }
0x149: {  	v29 =	vadd.f32 v10, v5;
	v7 =	vmul.f32 v15, v35;
	v48 =	vmul.f32 v15, v3  }
0x14a: {  	v5 =	vld [tilespmem:s16+$0x164B0];
	v58 =	vunpack.i.l.bf16.f32 v24;
	v36 =	vadd.f32 v6, v38;
	v6 =	vmul.f32 v15, v2  }
0x14b: {  	v25 =	vadd.f32 v25, v53;
	v38 =	vmul.f32 v46, v41;
	v62 =	vmul.f32 v58, v43  }
0x14c: {  	v11 =	vunpack.i.u.bf16.f32 v14;
	[tilespmem:$0x1FF40] =	vst v7;
	v7 =	vmul.f32 v15, v4;
	v61 =	vmul.f32 v26, v9  }
0x14d: {  	v10 =	vld [tilespmem:s16+$0xCEB0];
	v16 =	vmul.f32 v46, v9;
	v46 =	vadd.f32 v57, v40;
	[tilespmem:$0x1FF30] =	vst v6;
	v6 =	vmul.f32 v11, v0  }
0x14e: {  	v8 =	vunpack.i.u.bf16.f32 v8;
	v57 =	vmul.f32 v54, v43;
	v43 =	vadd.f32 v63, v37;
	v63 =	vmovc v20;
	v20 =	vld [tilespmem:$0x1FF00];
	[tilespmem:$0x1FF50] =	vst v7  }
0x14f: {  	v13 =	vadd.f32 v27, v39;
	v15 =	vld [tilespmem:s12+$0x0];
	v7 =	vmul.f32 v54, v44;
	[tilespmem:$0x1FF60] =	vst v6;
	v6 =	vmul.f32 v47, v5  }
0x150: {  	v17 =	vunpack.i.u.bf16.f32 v12;
	v12 =	vunpack.i.u.bf16.f32 v24;
	v19 =	vadd.f32 v19, v50  }
0x151: {  	v21 =	vadd.f32 v21, v61;
	v7 =	vadd.f32 v7, v23;
	v23 =	vmul.f32 v60, v2;
	[tilespmem:$0x1FF70] =	vst v6;
	v6 =	vld [tilespmem:s16+$0x100B0]  }
0x152: {  	v14 =	vmul.f32 v47, v10;
	v40 =	vmul.f32 v18, v2;
	v43 =	vadd.f32 v43, v16  }
0x153: {  	v16 =	vmul.f32 v18, v35;
	v21 =	vadd.f32 v23, v21;
	v23 =	vadd.f32 v57, v20  }
0x154: {  	v24 =	vunpack.i.l.bf16.f32 v15;
	v57 =	vmul.f32 v18, v4;
	v18 =	vmul.f32 v18, v3  }
0x155: {  	v15 =	vunpack.i.u.bf16.f32 v15;
	v20 =	vadd.f32 v16, v13;
	v23 =	vadd.f32 v23, v56  }
0x156: {  	v16 =	vadd.f32 v18, v25;
	v27 =	vmul.f32 v15, v6;
	v50 =	vmul.f32 v8, v6  }
0x157: {  	v18 =	vadd.f32 v34, v23;
	v23 =	vmul.f32 v47, v6;
	v47 =	vmul.f32 v11, v6;
	v6 =	vld [tilespmem:$0x1FF10]  }
0x158: {  	v33 =	vmul.f32 v17, v41;
	v39 =	vmul.f32 v58, v44;
	v31 =	vadd.f32 v31, v38  }
0x159: {  	v41 =	vmul.f32 v12, v41;
	v53 =	vmul.f32 v58, v30  }
0x15a: {  	v26 =	vmul.f32 v12, v42;
	v54 =	vmul.f32 v54, v30;
	v31 =	vadd.f32 v57, v31  }
0x15b: {  	v37 =	vmul.f32 v8, v0;
	v61 =	vmul.f32 v60, v4;
	v7 =	vadd.f32 v7, v55  }
0x15c: {  	p1 =	sne.s32 s11, $0xC700;
	v60 =	vmul.f32 v8, v10;
	v31 =	vadd.f32 v31, v50;
	v50 =	vadd.f32 v54, v6;
	v6 =	vld [tilespmem:$0x1FF20]  }
.Ltmp1:
0x15d: {  	v7 =	vadd.f32 v61, v7;
	v61 =	vmul.f32 v17, v9;
	v8 =	vmul.f32 v8, v5;
	(pc) =	sbr.rel @p1 .LBB2_5-.Ltmp1, $4  }
0x15e: {  	v38 =	vmul.f32 v11, v5;
	v21 =	vadd.f32 v21, v59;
	v34 =	vadd.f32 v20, v60  }
0x15f: {  	v44 =	vmul.f32 v22, v44;
	v51 =	vadd.f32 v19, v61;
	v25 =	vadd.f32 v16, v8  }
0x160: {  	v13 =	vmovc v45;
	v45 =	vmul.f32 v24, v35;
	v20 =	vadd.f32 v18, v14;
	v23 =	vadd.f32 v7, v23  }
0x161: {  	s11 =	sadd.s32 $0x100, s11;
	s12 =	sadd.s32 $0x20, s12;
	v54 =	vmul.f32 v58, v49;
	v49 =	vmul.f32 v17, v42;
	v42 =	vadd.f32 v62, v6;
	v62 =	vmovc v48;
	v48 =	vld [tilespmem:$0x1FF30]  }
0x162: {  	v6 =	vadd.f32 v44, v13;
	s11 =	simm.s32 @!p0 $0x4  }
0x163: {  	v7 =	vmul.f32 v22, v30;
	v14 =	vadd.f32 v39, v32;
	v16 =	vadd.f32 v40, v43;
	_ =	swait.ge @!p0 [sflag:s11], $0x100  }
0x164: {  	v17 =	vmul.f32 v17, v1;
	v57 =	vadd.f32 v50, v63;
	v59 =	vadd.f32 v53, v29;
	[sflag:s11] =	ssyncset.done @!p0 $0x0  }
0x165: {  	v4 =	vmul.f32 v24, v4;
	v8 =	vadd.f32 v54, v52;
	v49 =	vadd.f32 v46, v49;
	[sflag:s11] =	ssyncadd.s32 @!p0 $0xFFFFFF00  }
0x166: {  	v60 =	vmul.f32 v12, v1;
	v58 =	vadd.f32 v42, v26;
	v18 =	vld [tilespmem:$0x1FF40];
	v16 =	vadd.f32 v16, v37;
	[tilespmem:$0x19780] =	vst v34  }
0x167: {  	v9 =	vmul.f32 v12, v9;
	v6 =	vadd.f32 v6, v33;
	v52 =	vld [tilespmem:$0x1FF50];
	v55 =	vadd.f32 v14, v41;
	[tilespmem:$0x19790] =	vst v31  }
0x168: {  	v3 =	vmul.f32 v24, v3;
	v7 =	vadd.f32 v7, v36;
	v56 =	vld [tilespmem:$0x1FF60];
	v1 =	vadd.f32 v59, v60;
	[tilespmem:$0x197A0] =	vst v16  }
0x169: {  	v61 =	vadd.f32 v8, v9;
	[tilespmem:$0x197B0] =	vst v25;
	v4 =	vadd.f32 v4, v55  }
0x16a: {  	v5 =	vmul.f32 v15, v5;
	v7 =	vadd.f32 v7, v17;
	[tilespmem:$0x19800] =	vst v20;
	v1 =	vadd.f32 v3, v1  }
0x16b: {  	v11 =	vmul.f32 v11, v10;
	v54 =	vadd.f32 v48, v51;
	[tilespmem:$0x19810] =	vst v23;
	v4 =	vadd.f32 v4, v27  }
0x16c: {  	v2 =	vmul.f32 v24, v2;
	[tilespmem:$0x19820] =	vst v21;
	v1 =	vadd.f32 v1, v5;
	v13 =	vadd.f32 v18, v49  }
0x16d: {  	v63 =	vld [tilespmem:$0x1FF70];
	v6 =	vadd.f32 v52, v6;
	v14 =	vadd.f32 v54, v56;
	[tilespmem:$0x19850] =	vst v4  }
0x16e: {  	v0 =	vmul.f32 v15, v0;
	v2 =	vadd.f32 v2, v61;
	[tilespmem:$0x19870] =	vst v1;
	v11 =	vadd.f32 v13, v11  }
0x16f: {  	v7 =	vadd.f32 v62, v7;
	v6 =	vadd.f32 v6, v47;
	[tilespmem:$0x197E0] =	vst v14  }
0x170: {  	s13 =	sadd.s32 $0x1, s13;
	v0 =	vadd.f32 v2, v0;
	[tilespmem:$0x197C0] =	vst v11;
	v11 =	vadd.f32 v28, v57  }
0x171: {  	p0 =	sne.s32 s13, $0x10;
	v62 =	vmul.f32 v15, v10;
	v7 =	vadd.f32 v7, v38;
	[tilespmem:$0x197D0] =	vst v6;
	v6 =	vadd.f32 v45, v58  }
.Ltmp2:
0x172: {  	[tilespmem:$0x19860] =	vst v0;
	v9 =	vadd.f32 v11, v63;
	(pc) =	sbr.rel @p0 .LBB2_2-.Ltmp2, $4  }
0x173: {  	[tilespmem:$0x197F0] =	vst v7;
	v6 =	vadd.f32 v6, v62  }
0x174: {  	[tilespmem:$0x19830] =	vst v9  }
0x175: {  	s6 =	sadd.s32 $0x20, s6;
	[tilespmem:$0x19840] =	vst v6  }
0x176: {  	[hbm4b:s6+s2] =	stream.linear.scatter [tilespmem:s7], [sflag:$0x4], $0x100, $0x38;
	[tilespmem:$0x19880] =	vst v63  }
0x177: {  	s11 =	simm.s32 $0x4  }
0x178: {  	_ =	swait.ge [sflag:s11], $0x100  }
0x179: {  	[sflag:s11] =	ssyncset.done $0x0  }
0x17a: {  	[sflag:s11] =	ssyncadd.s32 $0xFFFFFF00  }
0x17b: {  	_ =	swait.ge [sflag:s11], $0x100  }
0x17c: {  	s12 =	rddreg [dreg:$0x6]  }
0x17d: {  	s6 =	rddreg [dreg:$0x5];
	s12 =	sadd.s32 $0x1, s12  }
0x17e: {  	p0 =	sne.s32 s12, s6  }
.Ltmp3:
0x17f: {  	_ = 	snop;
	(pc) =	sbr.rel @p0 .LBB2_1-.Ltmp3, $3  }
0x180: {  	_ =	sdelay $0x1  }
0x181: {  	[sflag:s11] =	ssyncset.done $0x0  }
0x182: {  	[sflag:s11] =	ssyncadd.s32 $0xFFFFFF00  }
0x183: {  	_ =	sfence.sel $0x180000  }
0x184: {  	[bflag:$0x0] =	sbarrier.arrive $0xFFFF  }
0x185: {  	_ =	strace $0x90000047  }
0x186: {  	s0 =	stileid.u32;
	[bflag:$0x2] =	sbarrier.arrive $0xFFFF  }
0x187: {  	p0 =	sne.s32 s0, $0x0;
	s0 =	rddreg [dreg:$0x1]  }
0x188: {  	s0 =	sadd.s32 @!p0 $0x100000, s0  }
0x189: {  	[sflag:s0] =	ssyncadd.tile.s32 @!p0 $0x1;
	_ =	shalt  }
.Lfunc_end2:
_tile_overlayer_lowered:
.L_overlay_start_2:
0x18a: {  	(tag) =	ssettag $0x2  }
0x18b: {  	s0 =	rddreg [dreg:$0x0];
	s2 =	stileid.u32  }
0x18c: {  	s1 =	rddreg [dreg:$0x1];
	p0 =	sne.s32 s2, $0x0  }
0x18d: {  	s3 =	rddreg [dreg:$0x2];
	[bflag:$0x3] =	sbarrier.arrive $0xFFFF;
	s2 =	simm.s32 @!p0 $0x1C05  }
0x18e: {  	[timem:s3], [sflag:s2] =	dma.local @!p0 [hbm:s0], s1  }
0x18f: {  	s0 =	simm.s32 @!p0 $0x5  }
0x190: {  	_ =	swait.ge @!p0 [sflag:s0], s1  }
0x191: {  	s1 =	ssub.s32 @!p0 $0x0, s1;
	[sflag:s0] =	ssyncset.done @!p0 $0x0  }
0x192: {  	[sflag:s0] =	ssyncadd.s32 @!p0 s1  }
0x193: {  	[bflag:$0x3] =	sbarrier.arrive $0xFFFF  }
0x194: {  	_ =	shalt  }

</sc_bundles>
